<compile_context>
chip_gen: v7x
topology: tpu7x:2x2x1
jax: 0.10.2.dev20260603
libtpu: 0.0.44.dev20260713+nightly
codegen_flags: <defaults>
</compile_context>

<pallas_src>
import numpy as np
import jax
import jax.numpy as jnp
from jax import lax
from jax.experimental import pallas as pl
from jax.experimental.pallas import tpu as pltpu
from jax.experimental.pallas import tpu_sc as plsc

B, V, F, P = 8, 10000, 20000, 16384
FP = 20480
PB = 8
FB = 2048
NCH = FP // FB
FW = FP // 4
PW = P // 4
_TF_C = np.uint32(0x1BD11BDA)
_TINY = np.float32(np.finfo(np.float32).tiny)


def _tf_rounds(x0, x1, rots):
    for r in rots:
        x0 = x0 + x1
        x1 = (x1 << np.uint32(r)) | (x1 >> np.uint32(32 - r))
        x1 = x0 ^ x1
    return x0, x1


def _threefry_bits(k1, k2, j):
    ks2 = k1 ^ k2 ^ _TF_C
    x0 = jnp.zeros_like(j) + k1
    x1 = j + k2
    ra = (13, 15, 26, 6)
    rb = (17, 29, 16, 24)
    x0, x1 = _tf_rounds(x0, x1, ra)
    x0 = x0 + k2
    x1 = x1 + (ks2 + np.uint32(1))
    x0, x1 = _tf_rounds(x0, x1, rb)
    x0 = x0 + ks2
    x1 = x1 + (k1 + np.uint32(2))
    x0, x1 = _tf_rounds(x0, x1, ra)
    x0 = x0 + k1
    x1 = x1 + (k2 + np.uint32(3))
    x0, x1 = _tf_rounds(x0, x1, rb)
    x0 = x0 + k2
    x1 = x1 + (ks2 + np.uint32(4))
    x0, x1 = _tf_rounds(x0, x1, ra)
    x0 = x0 + ks2
    x1 = x1 + (k1 + np.uint32(5))
    return x0 ^ x1


def _bits_to_unit(bits):
    fb = (bits >> np.uint32(9)) | np.uint32(0x3F800000)
    return lax.bitcast_convert_type(fb, jnp.float32) - np.float32(1.0)


def _g1_body(vx_hbm, vy_hbm, vz_hbm, fidx_hbm, out_hbm,
             xt, yt, zt, f0, f1, f2, o0, o1, o2, o3, o4, o5, o6, o7, o8):
    wid = lax.axis_index("s") * 2 + lax.axis_index("c")
    b = wid >> 2
    seg = (wid & 3) * FW
    pltpu.sync_copy(vx_hbm.at[b], xt)
    pltpu.sync_copy(vy_hbm.at[b], yt)
    pltpu.sync_copy(vz_hbm.at[b], zt)
    pltpu.sync_copy(fidx_hbm.at[b, 0, pl.ds(seg, FW)], f0)
    pltpu.sync_copy(fidx_hbm.at[b, 1, pl.ds(seg, FW)], f1)
    pltpu.sync_copy(fidx_hbm.at[b, 2, pl.ds(seg, FW)], f2)
    outs = ((f0, o0, o1, o2), (f1, o3, o4, o5), (f2, o6, o7, o8))

    def step(i, _):
        s = pl.ds(i * 16, 16)
        for fk, ox, oy, oz in outs:
            vk = fk[s]
            ox[s] = plsc.load_gather(xt, [vk])
            oy[s] = plsc.load_gather(yt, [vk])
            oz[s] = plsc.load_gather(zt, [vk])
        return 0

    lax.fori_loop(0, FW // 16, step, 0)
    for p, o in enumerate((o0, o1, o2, o3, o4, o5, o6, o7, o8)):
        pltpu.sync_copy(o, out_hbm.at[b, p, pl.ds(seg, FW)])


def _g1(vx, vy, vz, fidxP):
    mesh = plsc.VectorSubcoreMesh(core_axis_name="c", subcore_axis_name="s")
    return pl.kernel(
        _g1_body, mesh=mesh,
        compiler_params=pltpu.CompilerParams(use_tc_tiling_on_sc=False, needs_layout_passes=False),
        out_type=jax.ShapeDtypeStruct((B, 9, FP), jnp.float32),
        scratch_types=(
            [pltpu.VMEM((V,), jnp.float32)] * 3
            + [pltpu.VMEM((FW,), jnp.int32)] * 3
            + [pltpu.VMEM((FW,), jnp.float32)] * 9
        ),
    )(vx, vy, vz, fidxP)


def _cross_planar(t):
    ax = t[3:4, :] - t[0:1, :]
    ay = t[4:5, :] - t[1:2, :]
    az = t[5:6, :] - t[2:3, :]
    bx = t[6:7, :] - t[0:1, :]
    by = t[7:8, :] - t[1:2, :]
    bz = t[8:9, :] - t[2:3, :]
    nx = ay * bz - az * by
    ny = az * bx - ax * bz
    nz = ax * by - ay * bx
    return nx, ny, nz


def _t1_body(trit_ref, logits_ref):
    t = trit_ref[0]
    nx, ny, nz = _cross_planar(t)
    norm = jnp.sqrt(nx * nx + ny * ny + nz * nz)
    lg = jnp.log(jnp.maximum(norm * np.float32(0.5), np.float32(1e-30)))
    fb_row = pl.program_id(1) * 2048 + lax.broadcasted_iota(jnp.int32, (1, 2048), 1)
    logits_ref[0] = jnp.where(fb_row < F, lg, np.float32(-1e30))


def _t1(trit):
    return pl.pallas_call(
        _t1_body,
        grid=(B, FP // 2048),
        in_specs=[pl.BlockSpec((1, 9, 2048), lambda bb, i: (bb, 0, i))],
        out_specs=pl.BlockSpec((1, 1, 2048), lambda bb, i: (bb * (FP // 2048) + i, 0, 0)),
        out_shape=jax.ShapeDtypeStruct((B * (FP // 2048), 1, 2048), jnp.float32),
    )(trit).reshape(B, FP)


def _t2_body(keys_ref, logits_ref, idx_ref):
    bb = pl.program_id(0)
    p0 = lax.convert_element_type(pl.program_id(1) * PB, jnp.uint32)
    k1 = keys_ref[bb, 0]
    k2 = keys_ref[bb, 1]
    rowid = lax.broadcasted_iota(jnp.uint32, (PB, 1), 0)
    rowbase = (p0 + rowid) * np.uint32(F)
    coliota = lax.broadcasted_iota(jnp.uint32, (PB, FB), 1)
    coliota_i = lax.broadcasted_iota(jnp.int32, (PB, FB), 1)

    def chunk(c, carry):
        m, am, j = carry
        bits = _threefry_bits(k1, k2, j)
        u0 = _bits_to_unit(bits)
        u = jnp.maximum(u0, _TINY)
        nlu = jnp.log(u)
        glog = jnp.log(-nlu)
        lg = logits_ref[0, c, :]
        s = lg[None, :] - glog
        upd = s > m
        m = jnp.maximum(m, s)
        am = jnp.where(upd, c, am)
        return m, am, j + np.uint32(FB)

    m0 = jnp.full((PB, FB), -jnp.inf, jnp.float32)
    am0 = jnp.zeros((PB, FB), jnp.int32)
    j0 = rowbase + coliota
    m, am, _ = lax.fori_loop(0, NCH, chunk, (m0, am0, j0))
    mx = jnp.max(m, axis=1, keepdims=True)
    f_cand = am * np.int32(FB) + coliota_i
    first = jnp.min(jnp.where(m >= mx, f_cand, np.int32(2**31 - 1)),
                    axis=1, keepdims=True)
    idx_ref[0] = first


def _t2(keys, logits3d):
    npts = P
    out = pl.pallas_call(
        _t2_body,
        grid=(B, npts // PB),
        in_specs=[
            pl.BlockSpec(memory_space=pltpu.SMEM),
            pl.BlockSpec((1, NCH, FB), lambda bb, p: (bb, 0, 0)),
        ],
        out_specs=pl.BlockSpec((1, PB, 1), lambda bb, p: (bb * (npts // PB) + p, 0, 0)),
        out_shape=jax.ShapeDtypeStruct((B * (npts // PB), PB, 1), jnp.int32),
    )(keys, logits3d)
    return out.reshape(B, npts)


def _g2_body(vx_hbm, vy_hbm, vz_hbm, fidx_hbm, pidx_hbm, out_hbm,
             xt, yt, zt, fa, pidx_v, ox, oy, oz):
    wid = lax.axis_index("s") * 2 + lax.axis_index("c")
    b = wid >> 2
    seg = (wid & 3) * PW
    pltpu.sync_copy(vx_hbm.at[b], xt)
    pltpu.sync_copy(vy_hbm.at[b], yt)
    pltpu.sync_copy(vz_hbm.at[b], zt)
    pltpu.sync_copy(pidx_hbm.at[b, pl.ds(seg, PW)], pidx_v)
    for k in range(3):
        pltpu.sync_copy(fidx_hbm.at[b, k, pl.ds(0, FP)], fa)

        def step(i, _):
            s = pl.ds(i * 16, 16)
            fid = pidx_v[s]
            vk = plsc.load_gather(fa, [fid])
            ox[s] = plsc.load_gather(xt, [vk])
            oy[s] = plsc.load_gather(yt, [vk])
            oz[s] = plsc.load_gather(zt, [vk])
            return 0

        lax.fori_loop(0, PW // 16, step, 0)
        pltpu.sync_copy(ox, out_hbm.at[b, 3 * k + 0, pl.ds(seg, PW)])
        pltpu.sync_copy(oy, out_hbm.at[b, 3 * k + 1, pl.ds(seg, PW)])
        pltpu.sync_copy(oz, out_hbm.at[b, 3 * k + 2, pl.ds(seg, PW)])


def _g2(vx, vy, vz, fidxP, pidx):
    mesh = plsc.VectorSubcoreMesh(core_axis_name="c", subcore_axis_name="s")
    return pl.kernel(
        _g2_body, mesh=mesh,
        compiler_params=pltpu.CompilerParams(use_tc_tiling_on_sc=False, needs_layout_passes=False),
        out_type=jax.ShapeDtypeStruct((B, 9, P), jnp.float32),
        scratch_types=(
            [pltpu.VMEM((V,), jnp.float32)] * 3
            + [pltpu.VMEM((FP,), jnp.int32)]
            + [pltpu.VMEM((PW,), jnp.int32)]
            + [pltpu.VMEM((PW,), jnp.float32)] * 3
        ),
    )(vx, vy, vz, fidxP, pidx)


def _t3_body(keys_ref, stt_ref, pc_ref, sn_ref):
    bb = pl.program_id(0)
    p0 = lax.convert_element_type(pl.program_id(1) * 2048, jnp.uint32)
    j = p0 + lax.broadcasted_iota(jnp.uint32, (1, 2048), 1)
    e1 = _bits_to_unit(_threefry_bits(keys_ref[bb, 0], keys_ref[bb, 1], j))
    e2 = _bits_to_unit(_threefry_bits(keys_ref[bb, 2], keys_ref[bb, 3], j))
    se = jnp.sqrt(e1)
    w1 = np.float32(1.0) - se
    w2 = (np.float32(1.0) - e2) * se
    w3 = e2 * se
    t = stt_ref[0]
    v0 = t[0:3, :]
    v1 = t[3:6, :]
    v2 = t[6:9, :]
    pc_ref[0] = w1 * v0 + w2 * v1 + w3 * v2
    nx, ny, nz = _cross_planar(t)
    inv = np.float32(1.0) / jnp.sqrt(nx * nx + ny * ny + nz * nz)
    sn_ref[0] = jnp.concatenate([nx, ny, nz], axis=0) * inv


def _t3(keys_e, stt):
    return pl.pallas_call(
        _t3_body,
        grid=(B, P // 2048),
        in_specs=[
            pl.BlockSpec(memory_space=pltpu.SMEM),
            pl.BlockSpec((1, 9, 2048), lambda bb, i: (bb, 0, i)),
        ],
        out_specs=[
            pl.BlockSpec((1, 3, 2048), lambda bb, i: (bb, 0, i)),
            pl.BlockSpec((1, 3, 2048), lambda bb, i: (bb, 0, i)),
        ],
        out_shape=[
            jax.ShapeDtypeStruct((B, 3, P), jnp.float32),
            jax.ShapeDtypeStruct((B, 3, P), jnp.float32),
        ],
    )(keys_e, stt)


def kernel(vertices_batch, faces_batch):
    root = jax.random.key(42)
    ks_l, ke_l = [], []
    for b in range(B):
        kb = jax.random.fold_in(root, b)
        ks, ke1, ke2 = jax.random.split(kb, 3)
        ks_l.append(jax.random.key_data(ks))
        ke_l.append(jnp.concatenate([jax.random.key_data(ke1),
                                     jax.random.key_data(ke2)]))
    keys_s = jnp.stack(ks_l)
    keys_e = jnp.stack(ke_l)

    verts = vertices_batch.astype(jnp.float32)
    vx = verts[:, :, 0]
    vy = verts[:, :, 1]
    vz = verts[:, :, 2]
    fidxP = jnp.pad(faces_batch.transpose(0, 2, 1), ((0, 0), (0, 0), (0, FP - F)))

    tri = _g1(vx, vy, vz, fidxP)
    logits = _t1(tri)
    idx = _t2(keys_s, logits.reshape(B, NCH, FB))
    st = _g2(vx, vy, vz, fidxP, idx)
    pc, sn = _t3(keys_e, st)
    return (pc.transpose(0, 2, 1), sn.transpose(0, 2, 1))

# --- scband reference (transcript-rebuilt; emitter-appended) ---
"""Pipeline reference for scband-point-sampler-55808805044338 (READ-ONLY COPY).

The authoritative reference and input builder live on the scoring server;
editing this copy changes nothing except your own understanding.
"""

import jax, jax.numpy as jnp
import numpy as np

POINT_NUM = 16384

def setup_inputs(seed: int = 0) -> dict:
    key = jax.random.key(seed)
    k1, k2 = jax.random.split(key)
    B, V, F = 8, 10000, 20000
    vertices_batch = jax.random.normal(k1, (B, V, 3), dtype=jnp.float32)
    faces_batch = jax.random.randint(k2, (B, F, 3), 0, V, dtype=jnp.int32)
    return {"vertices_batch": vertices_batch, "faces_batch": faces_batch}


def _sample_surfaces(key, vertices, faces, point_num):
    triangles = vertices[faces]  # [F, 3, 3] gather
    vec1 = triangles[:, 1, :] - triangles[:, 0, :]
    vec2 = triangles[:, 2, :] - triangles[:, 0, :]
    normals = jnp.cross(vec1, vec2)
    areas = jnp.linalg.norm(normals, axis=1) / 2.0
    # Categorical(probs=areas) -> categorical over log-probs
    logits = jnp.log(jnp.clip(areas, 1e-30, None))
    indices = jax.random.categorical(key, logits, shape=(point_num,))
    samples_triangles = triangles[indices]  # [P, 3, 3] gather
    unit_normals = normals / (areas.reshape(-1, 1) * 2.0)
    samples_normals = unit_normals[indices]  # [P, 3] gather
    return samples_triangles, samples_normals


def reference(vertices_batch, faces_batch):
    B = vertices_batch.shape[0]
    point_num = POINT_NUM
    point_cloud_batch = []
    normal_batch = []
    for b in range(B):
        kb = jax.random.fold_in(jax.random.key(42), b)
        ks, ke1, ke2 = jax.random.split(kb, 3)
        st, sn = _sample_surfaces(ks, vertices_batch[b].astype(jnp.float32), faces_batch[b], point_num)
        epsilon1 = jax.random.uniform(ke1, (point_num,), dtype=jnp.float32)
        epsilon2 = jax.random.uniform(ke2, (point_num,), dtype=jnp.float32)
        sqrt_e1 = jnp.sqrt(epsilon1)
        w1 = 1.0 - sqrt_e1
        w2 = (1.0 - epsilon2) * sqrt_e1
        w3 = epsilon2 * sqrt_e1
        w = jnp.stack([w1, w2, w3]).transpose(1, 0).reshape(point_num, 3, 1)
        result = jnp.sum(st * w, axis=1)
        point_cloud_batch.append(result)
        normal_batch.append(sn)
    return (jnp.stack(point_cloud_batch), jnp.stack(normal_batch))

if __name__ == "__main__":
    import jax
    _d = setup_inputs()
    print(jax.jit(kernel)(*tuple(_d.values())))

</pallas_src>

<mosaic_0001>
#map = affine_map<(d0, d1) -> (0, 0)>
#map1 = affine_map<(d0, d1) -> (0, 0, 0)>
module attributes {stable_mosaic.version = 14 : i64} {
  func.func @_g1_body(%arg0: i32, %arg1: i32, %arg2: memref<8x10000xf32, #tpu.memory_space<hbm>>, %arg3: memref<8x10000xf32, #tpu.memory_space<hbm>>, %arg4: memref<8x10000xf32, #tpu.memory_space<hbm>>, %arg5: memref<8x3x20480xi32, #tpu.memory_space<hbm>>, %arg6: memref<8x9x20480xf32, #tpu.memory_space<hbm>>, %arg7: memref<10000xf32, #tpu.memory_space<vmem>>, %arg8: memref<10000xf32, #tpu.memory_space<vmem>>, %arg9: memref<10000xf32, #tpu.memory_space<vmem>>, %arg10: memref<5120xi32, #tpu.memory_space<vmem>>, %arg11: memref<5120xi32, #tpu.memory_space<vmem>>, %arg12: memref<5120xi32, #tpu.memory_space<vmem>>, %arg13: memref<5120xf32, #tpu.memory_space<vmem>>, %arg14: memref<5120xf32, #tpu.memory_space<vmem>>, %arg15: memref<5120xf32, #tpu.memory_space<vmem>>, %arg16: memref<5120xf32, #tpu.memory_space<vmem>>, %arg17: memref<5120xf32, #tpu.memory_space<vmem>>, %arg18: memref<5120xf32, #tpu.memory_space<vmem>>, %arg19: memref<5120xf32, #tpu.memory_space<vmem>>, %arg20: memref<5120xf32, #tpu.memory_space<vmem>>, %arg21: memref<5120xf32, #tpu.memory_space<vmem>>) attributes {dimension_semantics = [#tpu.dimension_semantics<core_parallel>, #tpu.dimension_semantics<subcore_parallel>], iteration_bounds = array<i64: 2, 16>, scalar_prefetch = 0 : i64, scratch_operands = 15 : i64, tpu.core_type = #tpu.core_type<sc_vector_subcore>, window_params = [{transform_indices = #map}, {transform_indices = #map}, {transform_indices = #map}, {transform_indices = #map1}, {transform_indices = #map1}]} {
    %mul3A = arith.constant 2 : i32
    %mul3A_0 = arith.muli %arg1, %mul3A : i32
    %add3A = arith.addi %mul3A_0, %arg0 : i32
    %shift_right_arithmetic3A = arith.constant 2 : i32
    %shift_right_arithmetic3A_1 = arith.shrsi %add3A, %shift_right_arithmetic3A : i32
    %and3A = arith.constant 3 : i32
    %and3A_2 = arith.andi %add3A, %and3A : i32
    %mul3A_3 = arith.constant 5120 : i32
    %mul3A_4 = arith.muli %and3A_2, %mul3A_3 : i32
    "tpu.region"() ({
      %run_scoped3A_22 = tpu.sem_alloc : memref<!tpu.dma_semaphore, #tpu.memory_space<semaphore_mem>>
      %dma_start3A = arith.constant 0 : i32
      %dma_start3A_23 = tpu.memref_slice %arg2[%shift_right_arithmetic3A_1, %dma_start3A] : memref<8x10000xf32, #tpu.memory_space<hbm>> -> memref<1x10000xf32, #tpu.memory_space<hbm>>
      %dma_start3A_24 = tpu.memref_squeeze %dma_start3A_23 : memref<1x10000xf32, #tpu.memory_space<hbm>> -> memref<10000xf32, #tpu.memory_space<hbm>>
      %dma_start3A_25 = arith.constant 0 : i32
      %dma_start3A_26 = tpu.memref_slice %arg2[%shift_right_arithmetic3A_1, %dma_start3A_25] : memref<8x10000xf32, #tpu.memory_space<hbm>> -> memref<1x10000xf32, #tpu.memory_space<hbm>>
      %dma_start3A_27 = tpu.memref_squeeze %dma_start3A_26 : memref<1x10000xf32, #tpu.memory_space<hbm>> -> memref<10000xf32, #tpu.memory_space<hbm>>
      tpu.enqueue_dma source(%dma_start3A_27 : memref<10000xf32, #tpu.memory_space<hbm>>) target(%arg7 : memref<10000xf32, #tpu.memory_space<vmem>>) target_semaphore(%run_scoped3A_22 : memref<!tpu.dma_semaphore, #tpu.memory_space<semaphore_mem>>)
      %dma_wait3A = arith.constant 0 : i32
      %dma_wait3A_28 = tpu.memref_slice %arg2[%shift_right_arithmetic3A_1, %dma_wait3A] : memref<8x10000xf32, #tpu.memory_space<hbm>> -> memref<1x10000xf32, #tpu.memory_space<hbm>>
      %dma_wait3A_29 = tpu.memref_squeeze %dma_wait3A_28 : memref<1x10000xf32, #tpu.memory_space<hbm>> -> memref<10000xf32, #tpu.memory_space<hbm>>
      %dma_wait3A_30 = arith.constant 0 : i32
      %dma_wait3A_31 = tpu.memref_slice %arg2[%shift_right_arithmetic3A_1, %dma_wait3A_30] : memref<8x10000xf32, #tpu.memory_space<hbm>> -> memref<1x10000xf32, #tpu.memory_space<hbm>>
      %dma_wait3A_32 = tpu.memref_squeeze %dma_wait3A_31 : memref<1x10000xf32, #tpu.memory_space<hbm>> -> memref<10000xf32, #tpu.memory_space<hbm>>
      tpu.wait_dma2 semaphore(%run_scoped3A_22 : memref<!tpu.dma_semaphore, #tpu.memory_space<semaphore_mem>>) src(%dma_wait3A_32 : memref<10000xf32, #tpu.memory_space<hbm>>) dst(%arg7 : memref<10000xf32, #tpu.memory_space<vmem>>)
      tpu.yield
    }) : () -> ()
    "tpu.region"() ({
      %run_scoped3A_22 = tpu.sem_alloc : memref<!tpu.dma_semaphore, #tpu.memory_space<semaphore_mem>>
      %dma_start3A = arith.constant 0 : i32
      %dma_start3A_23 = tpu.memref_slice %arg3[%shift_right_arithmetic3A_1, %dma_start3A] : memref<8x10000xf32, #tpu.memory_space<hbm>> -> memref<1x10000xf32, #tpu.memory_space<hbm>>
      %dma_start3A_24 = tpu.memref_squeeze %dma_start3A_23 : memref<1x10000xf32, #tpu.memory_space<hbm>> -> memref<10000xf32, #tpu.memory_space<hbm>>
      %dma_start3A_25 = arith.constant 0 : i32
      %dma_start3A_26 = tpu.memref_slice %arg3[%shift_right_arithmetic3A_1, %dma_start3A_25] : memref<8x10000xf32, #tpu.memory_space<hbm>> -> memref<1x10000xf32, #tpu.memory_space<hbm>>
      %dma_start3A_27 = tpu.memref_squeeze %dma_start3A_26 : memref<1x10000xf32, #tpu.memory_space<hbm>> -> memref<10000xf32, #tpu.memory_space<hbm>>
      tpu.enqueue_dma source(%dma_start3A_27 : memref<10000xf32, #tpu.memory_space<hbm>>) target(%arg8 : memref<10000xf32, #tpu.memory_space<vmem>>) target_semaphore(%run_scoped3A_22 : memref<!tpu.dma_semaphore, #tpu.memory_space<semaphore_mem>>)
      %dma_wait3A = arith.constant 0 : i32
      %dma_wait3A_28 = tpu.memref_slice %arg3[%shift_right_arithmetic3A_1, %dma_wait3A] : memref<8x10000xf32, #tpu.memory_space<hbm>> -> memref<1x10000xf32, #tpu.memory_space<hbm>>
      %dma_wait3A_29 = tpu.memref_squeeze %dma_wait3A_28 : memref<1x10000xf32, #tpu.memory_space<hbm>> -> memref<10000xf32, #tpu.memory_space<hbm>>
      %dma_wait3A_30 = arith.constant 0 : i32
      %dma_wait3A_31 = tpu.memref_slice %arg3[%shift_right_arithmetic3A_1, %dma_wait3A_30] : memref<8x10000xf32, #tpu.memory_space<hbm>> -> memref<1x10000xf32, #tpu.memory_space<hbm>>
      %dma_wait3A_32 = tpu.memref_squeeze %dma_wait3A_31 : memref<1x10000xf32, #tpu.memory_space<hbm>> -> memref<10000xf32, #tpu.memory_space<hbm>>
      tpu.wait_dma2 semaphore(%run_scoped3A_22 : memref<!tpu.dma_semaphore, #tpu.memory_space<semaphore_mem>>) src(%dma_wait3A_32 : memref<10000xf32, #tpu.memory_space<hbm>>) dst(%arg8 : memref<10000xf32, #tpu.memory_space<vmem>>)
      tpu.yield
    }) : () -> ()
    "tpu.region"() ({
      %run_scoped3A_22 = tpu.sem_alloc : memref<!tpu.dma_semaphore, #tpu.memory_space<semaphore_mem>>
      %dma_start3A = arith.constant 0 : i32
      %dma_start3A_23 = tpu.memref_slice %arg4[%shift_right_arithmetic3A_1, %dma_start3A] : memref<8x10000xf32, #tpu.memory_space<hbm>> -> memref<1x10000xf32, #tpu.memory_space<hbm>>
      %dma_start3A_24 = tpu.memref_squeeze %dma_start3A_23 : memref<1x10000xf32, #tpu.memory_space<hbm>> -> memref<10000xf32, #tpu.memory_space<hbm>>
      %dma_start3A_25 = arith.constant 0 : i32
      %dma_start3A_26 = tpu.memref_slice %arg4[%shift_right_arithmetic3A_1, %dma_start3A_25] : memref<8x10000xf32, #tpu.memory_space<hbm>> -> memref<1x10000xf32, #tpu.memory_space<hbm>>
      %dma_start3A_27 = tpu.memref_squeeze %dma_start3A_26 : memref<1x10000xf32, #tpu.memory_space<hbm>> -> memref<10000xf32, #tpu.memory_space<hbm>>
      tpu.enqueue_dma source(%dma_start3A_27 : memref<10000xf32, #tpu.memory_space<hbm>>) target(%arg9 : memref<10000xf32, #tpu.memory_space<vmem>>) target_semaphore(%run_scoped3A_22 : memref<!tpu.dma_semaphore, #tpu.memory_space<semaphore_mem>>)
      %dma_wait3A = arith.constant 0 : i32
      %dma_wait3A_28 = tpu.memref_slice %arg4[%shift_right_arithmetic3A_1, %dma_wait3A] : memref<8x10000xf32, #tpu.memory_space<hbm>> -> memref<1x10000xf32, #tpu.memory_space<hbm>>
      %dma_wait3A_29 = tpu.memref_squeeze %dma_wait3A_28 : memref<1x10000xf32, #tpu.memory_space<hbm>> -> memref<10000xf32, #tpu.memory_space<hbm>>
      %dma_wait3A_30 = arith.constant 0 : i32
      %dma_wait3A_31 = tpu.memref_slice %arg4[%shift_right_arithmetic3A_1, %dma_wait3A_30] : memref<8x10000xf32, #tpu.memory_space<hbm>> -> memref<1x10000xf32, #tpu.memory_space<hbm>>
      %dma_wait3A_32 = tpu.memref_squeeze %dma_wait3A_31 : memref<1x10000xf32, #tpu.memory_space<hbm>> -> memref<10000xf32, #tpu.memory_space<hbm>>
      tpu.wait_dma2 semaphore(%run_scoped3A_22 : memref<!tpu.dma_semaphore, #tpu.memory_space<semaphore_mem>>) src(%dma_wait3A_32 : memref<10000xf32, #tpu.memory_space<hbm>>) dst(%arg9 : memref<10000xf32, #tpu.memory_space<vmem>>)
      tpu.yield
    }) : () -> ()
    %run_scoped3A = arith.constant 0 : i32
    "tpu.region"() ({
      %run_scoped3A_22 = tpu.sem_alloc : memref<!tpu.dma_semaphore, #tpu.memory_space<semaphore_mem>>
      %dma_start3A = tpu.memref_slice %arg5[%shift_right_arithmetic3A_1, %run_scoped3A, %mul3A_4] : memref<8x3x20480xi32, #tpu.memory_space<hbm>> -> memref<1x1x5120xi32, #tpu.memory_space<hbm>>
      %dma_start3A_23 = tpu.memref_squeeze %dma_start3A : memref<1x1x5120xi32, #tpu.memory_space<hbm>> -> memref<5120xi32, #tpu.memory_space<hbm>>
      %dma_start3A_24 = tpu.memref_slice %arg5[%shift_right_arithmetic3A_1, %run_scoped3A, %mul3A_4] : memref<8x3x20480xi32, #tpu.memory_space<hbm>> -> memref<1x1x5120xi32, #tpu.memory_space<hbm>>
      %dma_start3A_25 = tpu.memref_squeeze %dma_start3A_24 : memref<1x1x5120xi32, #tpu.memory_space<hbm>> -> memref<5120xi32, #tpu.memory_space<hbm>>
      tpu.enqueue_dma source(%dma_start3A_25 : memref<5120xi32, #tpu.memory_space<hbm>>) target(%arg10 : memref<5120xi32, #tpu.memory_space<vmem>>) target_semaphore(%run_scoped3A_22 : memref<!tpu.dma_semaphore, #tpu.memory_space<semaphore_mem>>)
      %dma_wait3A = tpu.memref_slice %arg5[%shift_right_arithmetic3A_1, %run_scoped3A, %mul3A_4] : memref<8x3x20480xi32, #tpu.memory_space<hbm>> -> memref<1x1x5120xi32, #tpu.memory_space<hbm>>
      %dma_wait3A_26 = tpu.memref_squeeze %dma_wait3A : memref<1x1x5120xi32, #tpu.memory_space<hbm>> -> memref<5120xi32, #tpu.memory_space<hbm>>
      %dma_wait3A_27 = tpu.memref_slice %arg5[%shift_right_arithmetic3A_1, %run_scoped3A, %mul3A_4] : memref<8x3x20480xi32, #tpu.memory_space<hbm>> -> memref<1x1x5120xi32, #tpu.memory_space<hbm>>
      %dma_wait3A_28 = tpu.memref_squeeze %dma_wait3A_27 : memref<1x1x5120xi32, #tpu.memory_space<hbm>> -> memref<5120xi32, #tpu.memory_space<hbm>>
      tpu.wait_dma2 semaphore(%run_scoped3A_22 : memref<!tpu.dma_semaphore, #tpu.memory_space<semaphore_mem>>) src(%dma_wait3A_28 : memref<5120xi32, #tpu.memory_space<hbm>>) dst(%arg10 : memref<5120xi32, #tpu.memory_space<vmem>>)
      tpu.yield
    }) : () -> ()
    %run_scoped3A_5 = arith.constant 1 : i32
    "tpu.region"() ({
      %run_scoped3A_22 = tpu.sem_alloc : memref<!tpu.dma_semaphore, #tpu.memory_space<semaphore_mem>>
      %dma_start3A = tpu.memref_slice %arg5[%shift_right_arithmetic3A_1, %run_scoped3A_5, %mul3A_4] : memref<8x3x20480xi32, #tpu.memory_space<hbm>> -> memref<1x1x5120xi32, #tpu.memory_space<hbm>>
      %dma_start3A_23 = tpu.memref_squeeze %dma_start3A : memref<1x1x5120xi32, #tpu.memory_space<hbm>> -> memref<5120xi32, #tpu.memory_space<hbm>>
      %dma_start3A_24 = tpu.memref_slice %arg5[%shift_right_arithmetic3A_1, %run_scoped3A_5, %mul3A_4] : memref<8x3x20480xi32, #tpu.memory_space<hbm>> -> memref<1x1x5120xi32, #tpu.memory_space<hbm>>
      %dma_start3A_25 = tpu.memref_squeeze %dma_start3A_24 : memref<1x1x5120xi32, #tpu.memory_space<hbm>> -> memref<5120xi32, #tpu.memory_space<hbm>>
      tpu.enqueue_dma source(%dma_start3A_25 : memref<5120xi32, #tpu.memory_space<hbm>>) target(%arg11 : memref<5120xi32, #tpu.memory_space<vmem>>) target_semaphore(%run_scoped3A_22 : memref<!tpu.dma_semaphore, #tpu.memory_space<semaphore_mem>>)
      %dma_wait3A = tpu.memref_slice %arg5[%shift_right_arithmetic3A_1, %run_scoped3A_5, %mul3A_4] : memref<8x3x20480xi32, #tpu.memory_space<hbm>> -> memref<1x1x5120xi32, #tpu.memory_space<hbm>>
      %dma_wait3A_26 = tpu.memref_squeeze %dma_wait3A : memref<1x1x5120xi32, #tpu.memory_space<hbm>> -> memref<5120xi32, #tpu.memory_space<hbm>>
      %dma_wait3A_27 = tpu.memref_slice %arg5[%shift_right_arithmetic3A_1, %run_scoped3A_5, %mul3A_4] : memref<8x3x20480xi32, #tpu.memory_space<hbm>> -> memref<1x1x5120xi32, #tpu.memory_space<hbm>>
      %dma_wait3A_28 = tpu.memref_squeeze %dma_wait3A_27 : memref<1x1x5120xi32, #tpu.memory_space<hbm>> -> memref<5120xi32, #tpu.memory_space<hbm>>
      tpu.wait_dma2 semaphore(%run_scoped3A_22 : memref<!tpu.dma_semaphore, #tpu.memory_space<semaphore_mem>>) src(%dma_wait3A_28 : memref<5120xi32, #tpu.memory_space<hbm>>) dst(%arg11 : memref<5120xi32, #tpu.memory_space<vmem>>)
      tpu.yield
    }) : () -> ()
    %run_scoped3A_6 = arith.constant 2 : i32
    "tpu.region"() ({
      %run_scoped3A_22 = tpu.sem_alloc : memref<!tpu.dma_semaphore, #tpu.memory_space<semaphore_mem>>
      %dma_start3A = tpu.memref_slice %arg5[%shift_right_arithmetic3A_1, %run_scoped3A_6, %mul3A_4] : memref<8x3x20480xi32, #tpu.memory_space<hbm>> -> memref<1x1x5120xi32, #tpu.memory_space<hbm>>
      %dma_start3A_23 = tpu.memref_squeeze %dma_start3A : memref<1x1x5120xi32, #tpu.memory_space<hbm>> -> memref<5120xi32, #tpu.memory_space<hbm>>
      %dma_start3A_24 = tpu.memref_slice %arg5[%shift_right_arithmetic3A_1, %run_scoped3A_6, %mul3A_4] : memref<8x3x20480xi32, #tpu.memory_space<hbm>> -> memref<1x1x5120xi32, #tpu.memory_space<hbm>>
      %dma_start3A_25 = tpu.memref_squeeze %dma_start3A_24 : memref<1x1x5120xi32, #tpu.memory_space<hbm>> -> memref<5120xi32, #tpu.memory_space<hbm>>
      tpu.enqueue_dma source(%dma_start3A_25 : memref<5120xi32, #tpu.memory_space<hbm>>) target(%arg12 : memref<5120xi32, #tpu.memory_space<vmem>>) target_semaphore(%run_scoped3A_22 : memref<!tpu.dma_semaphore, #tpu.memory_space<semaphore_mem>>)
      %dma_wait3A = tpu.memref_slice %arg5[%shift_right_arithmetic3A_1, %run_scoped3A_6, %mul3A_4] : memref<8x3x20480xi32, #tpu.memory_space<hbm>> -> memref<1x1x5120xi32, #tpu.memory_space<hbm>>
      %dma_wait3A_26 = tpu.memref_squeeze %dma_wait3A : memref<1x1x5120xi32, #tpu.memory_space<hbm>> -> memref<5120xi32, #tpu.memory_space<hbm>>
      %dma_wait3A_27 = tpu.memref_slice %arg5[%shift_right_arithmetic3A_1, %run_scoped3A_6, %mul3A_4] : memref<8x3x20480xi32, #tpu.memory_space<hbm>> -> memref<1x1x5120xi32, #tpu.memory_space<hbm>>
      %dma_wait3A_28 = tpu.memref_squeeze %dma_wait3A_27 : memref<1x1x5120xi32, #tpu.memory_space<hbm>> -> memref<5120xi32, #tpu.memory_space<hbm>>
      tpu.wait_dma2 semaphore(%run_scoped3A_22 : memref<!tpu.dma_semaphore, #tpu.memory_space<semaphore_mem>>) src(%dma_wait3A_28 : memref<5120xi32, #tpu.memory_space<hbm>>) dst(%arg12 : memref<5120xi32, #tpu.memory_space<vmem>>)
      tpu.yield
    }) : () -> ()
    %scan3A = arith.constant 0 : i32
    %scan3A_7 = arith.constant 0 : i32
    %scan3A_8 = arith.constant 320 : i32
    %scan3A_9 = arith.addi %scan3A_7, %scan3A_8 : i32
    %scan3A_10 = arith.constant 1 : i32
    %scan3A_11 = scf.for %scan3A_22 = %scan3A_7 to %scan3A_9 step %scan3A_10 iter_args(%scan3A_23 = %scan3A) -> (i32)  : i32 {
      %mul3A_24 = arith.constant 16 : i32
      %mul3A_25 = arith.muli %scan3A_22, %mul3A_24 : i32
      %get3A = arith.index_cast %mul3A_25 : i32 to index
      %get3A_26 = tpu.vector_load %arg10[%get3A] {strides = array<i32>} : memref<5120xi32, #tpu.memory_space<vmem>>, vector<16xi32>,
      %gather3A = tpu.vector_load_idx %arg7[%get3A_26] : memref<10000xf32, #tpu.memory_space<vmem>>[vector<16xi32>], vector<16xf32>,
      %swap3A = arith.index_cast %mul3A_25 : i32 to index
      %swap3A_27 = tpu.vector_load %arg13[%swap3A] {strides = array<i32>} : memref<5120xf32, #tpu.memory_space<vmem>>, vector<16xf32>,
      tpu.vector_store %arg13[%swap3A], %gather3A {strides = array<i32>} : memref<5120xf32, #tpu.memory_space<vmem>>, vector<16xf32>,
      %gather3A_28 = tpu.vector_load_idx %arg8[%get3A_26] : memref<10000xf32, #tpu.memory_space<vmem>>[vector<16xi32>], vector<16xf32>,
      %swap3A_29 = arith.index_cast %mul3A_25 : i32 to index
      %swap3A_30 = tpu.vector_load %arg14[%swap3A_29] {strides = array<i32>} : memref<5120xf32, #tpu.memory_space<vmem>>, vector<16xf32>,
      tpu.vector_store %arg14[%swap3A_29], %gather3A_28 {strides = array<i32>} : memref<5120xf32, #tpu.memory_space<vmem>>, vector<16xf32>,
      %gather3A_31 = tpu.vector_load_idx %arg9[%get3A_26] : memref<10000xf32, #tpu.memory_space<vmem>>[vector<16xi32>], vector<16xf32>,
      %swap3A_32 = arith.index_cast %mul3A_25 : i32 to index
      %swap3A_33 = tpu.vector_load %arg15[%swap3A_32] {strides = array<i32>} : memref<5120xf32, #tpu.memory_space<vmem>>, vector<16xf32>,
      tpu.vector_store %arg15[%swap3A_32], %gather3A_31 {strides = array<i32>} : memref<5120xf32, #tpu.memory_space<vmem>>, vector<16xf32>,
      %get3A_34 = arith.index_cast %mul3A_25 : i32 to index
      %get3A_35 = tpu.vector_load %arg11[%get3A_34] {strides = array<i32>} : memref<5120xi32, #tpu.memory_space<vmem>>, vector<16xi32>,
      %gather3A_36 = tpu.vector_load_idx %arg7[%get3A_35] : memref<10000xf32, #tpu.memory_space<vmem>>[vector<16xi32>], vector<16xf32>,
      %swap3A_37 = arith.index_cast %mul3A_25 : i32 to index
      %swap3A_38 = tpu.vector_load %arg16[%swap3A_37] {strides = array<i32>} : memref<5120xf32, #tpu.memory_space<vmem>>, vector<16xf32>,
      tpu.vector_store %arg16[%swap3A_37], %gather3A_36 {strides = array<i32>} : memref<5120xf32, #tpu.memory_space<vmem>>, vector<16xf32>,
      %gather3A_39 = tpu.vector_load_idx %arg8[%get3A_35] : memref<10000xf32, #tpu.memory_space<vmem>>[vector<16xi32>], vector<16xf32>,
      %swap3A_40 = arith.index_cast %mul3A_25 : i32 to index
      %swap3A_41 = tpu.vector_load %arg17[%swap3A_40] {strides = array<i32>} : memref<5120xf32, #tpu.memory_space<vmem>>, vector<16xf32>,
      tpu.vector_store %arg17[%swap3A_40], %gather3A_39 {strides = array<i32>} : memref<5120xf32, #tpu.memory_space<vmem>>, vector<16xf32>,
      %gather3A_42 = tpu.vector_load_idx %arg9[%get3A_35] : memref<10000xf32, #tpu.memory_space<vmem>>[vector<16xi32>], vector<16xf32>,
      %swap3A_43 = arith.index_cast %mul3A_25 : i32 to index
      %swap3A_44 = tpu.vector_load %arg18[%swap3A_43] {strides = array<i32>} : memref<5120xf32, #tpu.memory_space<vmem>>, vector<16xf32>,
      tpu.vector_store %arg18[%swap3A_43], %gather3A_42 {strides = array<i32>} : memref<5120xf32, #tpu.memory_space<vmem>>, vector<16xf32>,
      %get3A_45 = arith.index_cast %mul3A_25 : i32 to index
      %get3A_46 = tpu.vector_load %arg12[%get3A_45] {strides = array<i32>} : memref<5120xi32, #tpu.memory_space<vmem>>, vector<16xi32>,
      %gather3A_47 = tpu.vector_load_idx %arg7[%get3A_46] : memref<10000xf32, #tpu.memory_space<vmem>>[vector<16xi32>], vector<16xf32>,
      %swap3A_48 = arith.index_cast %mul3A_25 : i32 to index
      %swap3A_49 = tpu.vector_load %arg19[%swap3A_48] {strides = array<i32>} : memref<5120xf32, #tpu.memory_space<vmem>>, vector<16xf32>,
      tpu.vector_store %arg19[%swap3A_48], %gather3A_47 {strides = array<i32>} : memref<5120xf32, #tpu.memory_space<vmem>>, vector<16xf32>,
      %gather3A_50 = tpu.vector_load_idx %arg8[%get3A_46] : memref<10000xf32, #tpu.memory_space<vmem>>[vector<16xi32>], vector<16xf32>,
      %swap3A_51 = arith.index_cast %mul3A_25 : i32 to index
      %swap3A_52 = tpu.vector_load %arg20[%swap3A_51] {strides = array<i32>} : memref<5120xf32, #tpu.memory_space<vmem>>, vector<16xf32>,
      tpu.vector_store %arg20[%swap3A_51], %gather3A_50 {strides = array<i32>} : memref<5120xf32, #tpu.memory_space<vmem>>, vector<16xf32>,
      %gather3A_53 = tpu.vector_load_idx %arg9[%get3A_46] : memref<10000xf32, #tpu.memory_space<vmem>>[vector<16xi32>], vector<16xf32>,
      %swap3A_54 = arith.index_cast %mul3A_25 : i32 to index
      %swap3A_55 = tpu.vector_load %arg21[%swap3A_54] {strides = array<i32>} : memref<5120xf32, #tpu.memory_space<vmem>>, vector<16xf32>,
      tpu.vector_store %arg21[%swap3A_54], %gather3A_53 {strides = array<i32>} : memref<5120xf32, #tpu.memory_space<vmem>>, vector<16xf32>,
      %scan3A_56 = arith.constant 0 : i32
      scf.yield %scan3A_56 : i32
    }
    %scan3A_12 = arith.constant 320 : i32
    %run_scoped3A_13 = arith.constant 0 : i32
    "tpu.region"() ({
      %run_scoped3A_22 = tpu.sem_alloc : memref<!tpu.dma_semaphore, #tpu.memory_space<semaphore_mem>>
      %dma_start3A = tpu.memref_slice %arg6[%shift_right_arithmetic3A_1, %run_scoped3A_13, %mul3A_4] : memref<8x9x20480xf32, #tpu.memory_space<hbm>> -> memref<1x1x5120xf32, #tpu.memory_space<hbm>>
      %dma_start3A_23 = tpu.memref_squeeze %dma_start3A : memref<1x1x5120xf32, #tpu.memory_space<hbm>> -> memref<5120xf32, #tpu.memory_space<hbm>>
      %dma_start3A_24 = tpu.memref_slice %arg6[%shift_right_arithmetic3A_1, %run_scoped3A_13, %mul3A_4] : memref<8x9x20480xf32, #tpu.memory_space<hbm>> -> memref<1x1x5120xf32, #tpu.memory_space<hbm>>
      %dma_start3A_25 = tpu.memref_squeeze %dma_start3A_24 : memref<1x1x5120xf32, #tpu.memory_space<hbm>> -> memref<5120xf32, #tpu.memory_space<hbm>>
      tpu.enqueue_dma source(%arg13 : memref<5120xf32, #tpu.memory_space<vmem>>) target(%dma_start3A_25 : memref<5120xf32, #tpu.memory_space<hbm>>) target_semaphore(%run_scoped3A_22 : memref<!tpu.dma_semaphore, #tpu.memory_space<semaphore_mem>>)
      %dma_wait3A = tpu.memref_slice %arg6[%shift_right_arithmetic3A_1, %run_scoped3A_13, %mul3A_4] : memref<8x9x20480xf32, #tpu.memory_space<hbm>> -> memref<1x1x5120xf32, #tpu.memory_space<hbm>>
      %dma_wait3A_26 = tpu.memref_squeeze %dma_wait3A : memref<1x1x5120xf32, #tpu.memory_space<hbm>> -> memref<5120xf32, #tpu.memory_space<hbm>>
      %dma_wait3A_27 = tpu.memref_slice %arg6[%shift_right_arithmetic3A_1, %run_scoped3A_13, %mul3A_4] : memref<8x9x20480xf32, #tpu.memory_space<hbm>> -> memref<1x1x5120xf32, #tpu.memory_space<hbm>>
      %dma_wait3A_28 = tpu.memref_squeeze %dma_wait3A_27 : memref<1x1x5120xf32, #tpu.memory_space<hbm>> -> memref<5120xf32, #tpu.memory_space<hbm>>
      tpu.wait_dma2 semaphore(%run_scoped3A_22 : memref<!tpu.dma_semaphore, #tpu.memory_space<semaphore_mem>>) src(%arg13 : memref<5120xf32, #tpu.memory_space<vmem>>) dst(%dma_wait3A_28 : memref<5120xf32, #tpu.memory_space<hbm>>)
      tpu.yield
    }) : () -> ()
    %run_scoped3A_14 = arith.constant 1 : i32
    "tpu.region"() ({
      %run_scoped3A_22 = tpu.sem_alloc : memref<!tpu.dma_semaphore, #tpu.memory_space<semaphore_mem>>
      %dma_start3A = tpu.memref_slice %arg6[%shift_right_arithmetic3A_1, %run_scoped3A_14, %mul3A_4] : memref<8x9x20480xf32, #tpu.memory_space<hbm>> -> memref<1x1x5120xf32, #tpu.memory_space<hbm>>
      %dma_start3A_23 = tpu.memref_squeeze %dma_start3A : memref<1x1x5120xf32, #tpu.memory_space<hbm>> -> memref<5120xf32, #tpu.memory_space<hbm>>
      %dma_start3A_24 = tpu.memref_slice %arg6[%shift_right_arithmetic3A_1, %run_scoped3A_14, %mul3A_4] : memref<8x9x20480xf32, #tpu.memory_space<hbm>> -> memref<1x1x5120xf32, #tpu.memory_space<hbm>>
      %dma_start3A_25 = tpu.memref_squeeze %dma_start3A_24 : memref<1x1x5120xf32, #tpu.memory_space<hbm>> -> memref<5120xf32, #tpu.memory_space<hbm>>
      tpu.enqueue_dma source(%arg14 : memref<5120xf32, #tpu.memory_space<vmem>>) target(%dma_start3A_25 : memref<5120xf32, #tpu.memory_space<hbm>>) target_semaphore(%run_scoped3A_22 : memref<!tpu.dma_semaphore, #tpu.memory_space<semaphore_mem>>)
      %dma_wait3A = tpu.memref_slice %arg6[%shift_right_arithmetic3A_1, %run_scoped3A_14, %mul3A_4] : memref<8x9x20480xf32, #tpu.memory_space<hbm>> -> memref<1x1x5120xf32, #tpu.memory_space<hbm>>
      %dma_wait3A_26 = tpu.memref_squeeze %dma_wait3A : memref<1x1x5120xf32, #tpu.memory_space<hbm>> -> memref<5120xf32, #tpu.memory_space<hbm>>
      %dma_wait3A_27 = tpu.memref_slice %arg6[%shift_right_arithmetic3A_1, %run_scoped3A_14, %mul3A_4] : memref<8x9x20480xf32, #tpu.memory_space<hbm>> -> memref<1x1x5120xf32, #tpu.memory_space<hbm>>
      %dma_wait3A_28 = tpu.memref_squeeze %dma_wait3A_27 : memref<1x1x5120xf32, #tpu.memory_space<hbm>> -> memref<5120xf32, #tpu.memory_space<hbm>>
      tpu.wait_dma2 semaphore(%run_scoped3A_22 : memref<!tpu.dma_semaphore, #tpu.memory_space<semaphore_mem>>) src(%arg14 : memref<5120xf32, #tpu.memory_space<vmem>>) dst(%dma_wait3A_28 : memref<5120xf32, #tpu.memory_space<hbm>>)
      tpu.yield
    }) : () -> ()
    %run_scoped3A_15 = arith.constant 2 : i32
    "tpu.region"() ({
      %run_scoped3A_22 = tpu.sem_alloc : memref<!tpu.dma_semaphore, #tpu.memory_space<semaphore_mem>>
      %dma_start3A = tpu.memref_slice %arg6[%shift_right_arithmetic3A_1, %run_scoped3A_15, %mul3A_4] : memref<8x9x20480xf32, #tpu.memory_space<hbm>> -> memref<1x1x5120xf32, #tpu.memory_space<hbm>>
      %dma_start3A_23 = tpu.memref_squeeze %dma_start3A : memref<1x1x5120xf32, #tpu.memory_space<hbm>> -> memref<5120xf32, #tpu.memory_space<hbm>>
      %dma_start3A_24 = tpu.memref_slice %arg6[%shift_right_arithmetic3A_1, %run_scoped3A_15, %mul3A_4] : memref<8x9x20480xf32, #tpu.memory_space<hbm>> -> memref<1x1x5120xf32, #tpu.memory_space<hbm>>
      %dma_start3A_25 = tpu.memref_squeeze %dma_start3A_24 : memref<1x1x5120xf32, #tpu.memory_space<hbm>> -> memref<5120xf32, #tpu.memory_space<hbm>>
      tpu.enqueue_dma source(%arg15 : memref<5120xf32, #tpu.memory_space<vmem>>) target(%dma_start3A_25 : memref<5120xf32, #tpu.memory_space<hbm>>) target_semaphore(%run_scoped3A_22 : memref<!tpu.dma_semaphore, #tpu.memory_space<semaphore_mem>>)
      %dma_wait3A = tpu.memref_slice %arg6[%shift_right_arithmetic3A_1, %run_scoped3A_15, %mul3A_4] : memref<8x9x20480xf32, #tpu.memory_space<hbm>> -> memref<1x1x5120xf32, #tpu.memory_space<hbm>>
      %dma_wait3A_26 = tpu.memref_squeeze %dma_wait3A : memref<1x1x5120xf32, #tpu.memory_space<hbm>> -> memref<5120xf32, #tpu.memory_space<hbm>>
      %dma_wait3A_27 = tpu.memref_slice %arg6[%shift_right_arithmetic3A_1, %run_scoped3A_15, %mul3A_4] : memref<8x9x20480xf32, #tpu.memory_space<hbm>> -> memref<1x1x5120xf32, #tpu.memory_space<hbm>>
      %dma_wait3A_28 = tpu.memref_squeeze %dma_wait3A_27 : memref<1x1x5120xf32, #tpu.memory_space<hbm>> -> memref<5120xf32, #tpu.memory_space<hbm>>
      tpu.wait_dma2 semaphore(%run_scoped3A_22 : memref<!tpu.dma_semaphore, #tpu.memory_space<semaphore_mem>>) src(%arg15 : memref<5120xf32, #tpu.memory_space<vmem>>) dst(%dma_wait3A_28 : memref<5120xf32, #tpu.memory_space<hbm>>)
      tpu.yield
    }) : () -> ()
    %run_scoped3A_16 = arith.constant 3 : i32
    "tpu.region"() ({
      %run_scoped3A_22 = tpu.sem_alloc : memref<!tpu.dma_semaphore, #tpu.memory_space<semaphore_mem>>
      %dma_start3A = tpu.memref_slice %arg6[%shift_right_arithmetic3A_1, %run_scoped3A_16, %mul3A_4] : memref<8x9x20480xf32, #tpu.memory_space<hbm>> -> memref<1x1x5120xf32, #tpu.memory_space<hbm>>
      %dma_start3A_23 = tpu.memref_squeeze %dma_start3A : memref<1x1x5120xf32, #tpu.memory_space<hbm>> -> memref<5120xf32, #tpu.memory_space<hbm>>
      %dma_start3A_24 = tpu.memref_slice %arg6[%shift_right_arithmetic3A_1, %run_scoped3A_16, %mul3A_4] : memref<8x9x20480xf32, #tpu.memory_space<hbm>> -> memref<1x1x5120xf32, #tpu.memory_space<hbm>>
      %dma_start3A_25 = tpu.memref_squeeze %dma_start3A_24 : memref<1x1x5120xf32, #tpu.memory_space<hbm>> -> memref<5120xf32, #tpu.memory_space<hbm>>
      tpu.enqueue_dma source(%arg16 : memref<5120xf32, #tpu.memory_space<vmem>>) target(%dma_start3A_25 : memref<5120xf32, #tpu.memory_space<hbm>>) target_semaphore(%run_scoped3A_22 : memref<!tpu.dma_semaphore, #tpu.memory_space<semaphore_mem>>)
      %dma_wait3A = tpu.memref_slice %arg6[%shift_right_arithmetic3A_1, %run_scoped3A_16, %mul3A_4] : memref<8x9x20480xf32, #tpu.memory_space<hbm>> -> memref<1x1x5120xf32, #tpu.memory_space<hbm>>
      %dma_wait3A_26 = tpu.memref_squeeze %dma_wait3A : memref<1x1x5120xf32, #tpu.memory_space<hbm>> -> memref<5120xf32, #tpu.memory_space<hbm>>
      %dma_wait3A_27 = tpu.memref_slice %arg6[%shift_right_arithmetic3A_1, %run_scoped3A_16, %mul3A_4] : memref<8x9x20480xf32, #tpu.memory_space<hbm>> -> memref<1x1x5120xf32, #tpu.memory_space<hbm>>
      %dma_wait3A_28 = tpu.memref_squeeze %dma_wait3A_27 : memref<1x1x5120xf32, #tpu.memory_space<hbm>> -> memref<5120xf32, #tpu.memory_space<hbm>>
      tpu.wait_dma2 semaphore(%run_scoped3A_22 : memref<!tpu.dma_semaphore, #tpu.memory_space<semaphore_mem>>) src(%arg16 : memref<5120xf32, #tpu.memory_space<vmem>>) dst(%dma_wait3A_28 : memref<5120xf32, #tpu.memory_space<hbm>>)
      tpu.yield
    }) : () -> ()
    %run_scoped3A_17 = arith.constant 4 : i32
    "tpu.region"() ({
      %run_scoped3A_22 = tpu.sem_alloc : memref<!tpu.dma_semaphore, #tpu.memory_space<semaphore_mem>>
      %dma_start3A = tpu.memref_slice %arg6[%shift_right_arithmetic3A_1, %run_scoped3A_17, %mul3A_4] : memref<8x9x20480xf32, #tpu.memory_space<hbm>> -> memref<1x1x5120xf32, #tpu.memory_space<hbm>>
      %dma_start3A_23 = tpu.memref_squeeze %dma_start3A : memref<1x1x5120xf32, #tpu.memory_space<hbm>> -> memref<5120xf32, #tpu.memory_space<hbm>>
      %dma_start3A_24 = tpu.memref_slice %arg6[%shift_right_arithmetic3A_1, %run_scoped3A_17, %mul3A_4] : memref<8x9x20480xf32, #tpu.memory_space<hbm>> -> memref<1x1x5120xf32, #tpu.memory_space<hbm>>
      %dma_start3A_25 = tpu.memref_squeeze %dma_start3A_24 : memref<1x1x5120xf32, #tpu.memory_space<hbm>> -> memref<5120xf32, #tpu.memory_space<hbm>>
      tpu.enqueue_dma source(%arg17 : memref<5120xf32, #tpu.memory_space<vmem>>) target(%dma_start3A_25 : memref<5120xf32, #tpu.memory_space<hbm>>) target_semaphore(%run_scoped3A_22 : memref<!tpu.dma_semaphore, #tpu.memory_space<semaphore_mem>>)
      %dma_wait3A = tpu.memref_slice %arg6[%shift_right_arithmetic3A_1, %run_scoped3A_17, %mul3A_4] : memref<8x9x20480xf32, #tpu.memory_space<hbm>> -> memref<1x1x5120xf32, #tpu.memory_space<hbm>>
      %dma_wait3A_26 = tpu.memref_squeeze %dma_wait3A : memref<1x1x5120xf32, #tpu.memory_space<hbm>> -> memref<5120xf32, #tpu.memory_space<hbm>>
      %dma_wait3A_27 = tpu.memref_slice %arg6[%shift_right_arithmetic3A_1, %run_scoped3A_17, %mul3A_4] : memref<8x9x20480xf32, #tpu.memory_space<hbm>> -> memref<1x1x5120xf32, #tpu.memory_space<hbm>>
      %dma_wait3A_28 = tpu.memref_squeeze %dma_wait3A_27 : memref<1x1x5120xf32, #tpu.memory_space<hbm>> -> memref<5120xf32, #tpu.memory_space<hbm>>
      tpu.wait_dma2 semaphore(%run_scoped3A_22 : memref<!tpu.dma_semaphore, #tpu.memory_space<semaphore_mem>>) src(%arg17 : memref<5120xf32, #tpu.memory_space<vmem>>) dst(%dma_wait3A_28 : memref<5120xf32, #tpu.memory_space<hbm>>)
      tpu.yield
    }) : () -> ()
    %run_scoped3A_18 = arith.constant 5 : i32
    "tpu.region"() ({
      %run_scoped3A_22 = tpu.sem_alloc : memref<!tpu.dma_semaphore, #tpu.memory_space<semaphore_mem>>
      %dma_start3A = tpu.memref_slice %arg6[%shift_right_arithmetic3A_1, %run_scoped3A_18, %mul3A_4] : memref<8x9x20480xf32, #tpu.memory_space<hbm>> -> memref<1x1x5120xf32, #tpu.memory_space<hbm>>
      %dma_start3A_23 = tpu.memref_squeeze %dma_start3A : memref<1x1x5120xf32, #tpu.memory_space<hbm>> -> memref<5120xf32, #tpu.memory_space<hbm>>
      %dma_start3A_24 = tpu.memref_slice %arg6[%shift_right_arithmetic3A_1, %run_scoped3A_18, %mul3A_4] : memref<8x9x20480xf32, #tpu.memory_space<hbm>> -> memref<1x1x5120xf32, #tpu.memory_space<hbm>>
      %dma_start3A_25 = tpu.memref_squeeze %dma_start3A_24 : memref<1x1x5120xf32, #tpu.memory_space<hbm>> -> memref<5120xf32, #tpu.memory_space<hbm>>
      tpu.enqueue_dma source(%arg18 : memref<5120xf32, #tpu.memory_space<vmem>>) target(%dma_start3A_25 : memref<5120xf32, #tpu.memory_space<hbm>>) target_semaphore(%run_scoped3A_22 : memref<!tpu.dma_semaphore, #tpu.memory_space<semaphore_mem>>)
      %dma_wait3A = tpu.memref_slice %arg6[%shift_right_arithmetic3A_1, %run_scoped3A_18, %mul3A_4] : memref<8x9x20480xf32, #tpu.memory_space<hbm>> -> memref<1x1x5120xf32, #tpu.memory_space<hbm>>
      %dma_wait3A_26 = tpu.memref_squeeze %dma_wait3A : memref<1x1x5120xf32, #tpu.memory_space<hbm>> -> memref<5120xf32, #tpu.memory_space<hbm>>
      %dma_wait3A_27 = tpu.memref_slice %arg6[%shift_right_arithmetic3A_1, %run_scoped3A_18, %mul3A_4] : memref<8x9x20480xf32, #tpu.memory_space<hbm>> -> memref<1x1x5120xf32, #tpu.memory_space<hbm>>
      %dma_wait3A_28 = tpu.memref_squeeze %dma_wait3A_27 : memref<1x1x5120xf32, #tpu.memory_space<hbm>> -> memref<5120xf32, #tpu.memory_space<hbm>>
      tpu.wait_dma2 semaphore(%run_scoped3A_22 : memref<!tpu.dma_semaphore, #tpu.memory_space<semaphore_mem>>) src(%arg18 : memref<5120xf32, #tpu.memory_space<vmem>>) dst(%dma_wait3A_28 : memref<5120xf32, #tpu.memory_space<hbm>>)
      tpu.yield
    }) : () -> ()
    %run_scoped3A_19 = arith.constant 6 : i32
    "tpu.region"() ({
      %run_scoped3A_22 = tpu.sem_alloc : memref<!tpu.dma_semaphore, #tpu.memory_space<semaphore_mem>>
      %dma_start3A = tpu.memref_slice %arg6[%shift_right_arithmetic3A_1, %run_scoped3A_19, %mul3A_4] : memref<8x9x20480xf32, #tpu.memory_space<hbm>> -> memref<1x1x5120xf32, #tpu.memory_space<hbm>>
      %dma_start3A_23 = tpu.memref_squeeze %dma_start3A : memref<1x1x5120xf32, #tpu.memory_space<hbm>> -> memref<5120xf32, #tpu.memory_space<hbm>>
      %dma_start3A_24 = tpu.memref_slice %arg6[%shift_right_arithmetic3A_1, %run_scoped3A_19, %mul3A_4] : memref<8x9x20480xf32, #tpu.memory_space<hbm>> -> memref<1x1x5120xf32, #tpu.memory_space<hbm>>
      %dma_start3A_25 = tpu.memref_squeeze %dma_start3A_24 : memref<1x1x5120xf32, #tpu.memory_space<hbm>> -> memref<5120xf32, #tpu.memory_space<hbm>>
      tpu.enqueue_dma source(%arg19 : memref<5120xf32, #tpu.memory_space<vmem>>) target(%dma_start3A_25 : memref<5120xf32, #tpu.memory_space<hbm>>) target_semaphore(%run_scoped3A_22 : memref<!tpu.dma_semaphore, #tpu.memory_space<semaphore_mem>>)
      %dma_wait3A = tpu.memref_slice %arg6[%shift_right_arithmetic3A_1, %run_scoped3A_19, %mul3A_4] : memref<8x9x20480xf32, #tpu.memory_space<hbm>> -> memref<1x1x5120xf32, #tpu.memory_space<hbm>>
      %dma_wait3A_26 = tpu.memref_squeeze %dma_wait3A : memref<1x1x5120xf32, #tpu.memory_space<hbm>> -> memref<5120xf32, #tpu.memory_space<hbm>>
      %dma_wait3A_27 = tpu.memref_slice %arg6[%shift_right_arithmetic3A_1, %run_scoped3A_19, %mul3A_4] : memref<8x9x20480xf32, #tpu.memory_space<hbm>> -> memref<1x1x5120xf32, #tpu.memory_space<hbm>>
      %dma_wait3A_28 = tpu.memref_squeeze %dma_wait3A_27 : memref<1x1x5120xf32, #tpu.memory_space<hbm>> -> memref<5120xf32, #tpu.memory_space<hbm>>
      tpu.wait_dma2 semaphore(%run_scoped3A_22 : memref<!tpu.dma_semaphore, #tpu.memory_space<semaphore_mem>>) src(%arg19 : memref<5120xf32, #tpu.memory_space<vmem>>) dst(%dma_wait3A_28 : memref<5120xf32, #tpu.memory_space<hbm>>)
      tpu.yield
    }) : () -> ()
    %run_scoped3A_20 = arith.constant 7 : i32
    "tpu.region"() ({
      %run_scoped3A_22 = tpu.sem_alloc : memref<!tpu.dma_semaphore, #tpu.memory_space<semaphore_mem>>
      %dma_start3A = tpu.memref_slice %arg6[%shift_right_arithmetic3A_1, %run_scoped3A_20, %mul3A_4] : memref<8x9x20480xf32, #tpu.memory_space<hbm>> -> memref<1x1x5120xf32, #tpu.memory_space<hbm>>
      %dma_start3A_23 = tpu.memref_squeeze %dma_start3A : memref<1x1x5120xf32, #tpu.memory_space<hbm>> -> memref<5120xf32, #tpu.memory_space<hbm>>
      %dma_start3A_24 = tpu.memref_slice %arg6[%shift_right_arithmetic3A_1, %run_scoped3A_20, %mul3A_4] : memref<8x9x20480xf32, #tpu.memory_space<hbm>> -> memref<1x1x5120xf32, #tpu.memory_space<hbm>>
      %dma_start3A_25 = tpu.memref_squeeze %dma_start3A_24 : memref<1x1x5120xf32, #tpu.memory_space<hbm>> -> memref<5120xf32, #tpu.memory_space<hbm>>
      tpu.enqueue_dma source(%arg20 : memref<5120xf32, #tpu.memory_space<vmem>>) target(%dma_start3A_25 : memref<5120xf32, #tpu.memory_space<hbm>>) target_semaphore(%run_scoped3A_22 : memref<!tpu.dma_semaphore, #tpu.memory_space<semaphore_mem>>)
      %dma_wait3A = tpu.memref_slice %arg6[%shift_right_arithmetic3A_1, %run_scoped3A_20, %mul3A_4] : memref<8x9x20480xf32, #tpu.memory_space<hbm>> -> memref<1x1x5120xf32, #tpu.memory_space<hbm>>
      %dma_wait3A_26 = tpu.memref_squeeze %dma_wait3A : memref<1x1x5120xf32, #tpu.memory_space<hbm>> -> memref<5120xf32, #tpu.memory_space<hbm>>
      %dma_wait3A_27 = tpu.memref_slice %arg6[%shift_right_arithmetic3A_1, %run_scoped3A_20, %mul3A_4] : memref<8x9x20480xf32, #tpu.memory_space<hbm>> -> memref<1x1x5120xf32, #tpu.memory_space<hbm>>
      %dma_wait3A_28 = tpu.memref_squeeze %dma_wait3A_27 : memref<1x1x5120xf32, #tpu.memory_space<hbm>> -> memref<5120xf32, #tpu.memory_space<hbm>>
      tpu.wait_dma2 semaphore(%run_scoped3A_22 : memref<!tpu.dma_semaphore, #tpu.memory_space<semaphore_mem>>) src(%arg20 : memref<5120xf32, #tpu.memory_space<vmem>>) dst(%dma_wait3A_28 : memref<5120xf32, #tpu.memory_space<hbm>>)
      tpu.yield
    }) : () -> ()
    %run_scoped3A_21 = arith.constant 8 : i32
    "tpu.region"() ({
      %run_scoped3A_22 = tpu.sem_alloc : memref<!tpu.dma_semaphore, #tpu.memory_space<semaphore_mem>>
      %dma_start3A = tpu.memref_slice %arg6[%shift_right_arithmetic3A_1, %run_scoped3A_21, %mul3A_4] : memref<8x9x20480xf32, #tpu.memory_space<hbm>> -> memref<1x1x5120xf32, #tpu.memory_space<hbm>>
      %dma_start3A_23 = tpu.memref_squeeze %dma_start3A : memref<1x1x5120xf32, #tpu.memory_space<hbm>> -> memref<5120xf32, #tpu.memory_space<hbm>>
      %dma_start3A_24 = tpu.memref_slice %arg6[%shift_right_arithmetic3A_1, %run_scoped3A_21, %mul3A_4] : memref<8x9x20480xf32, #tpu.memory_space<hbm>> -> memref<1x1x5120xf32, #tpu.memory_space<hbm>>
      %dma_start3A_25 = tpu.memref_squeeze %dma_start3A_24 : memref<1x1x5120xf32, #tpu.memory_space<hbm>> -> memref<5120xf32, #tpu.memory_space<hbm>>
      tpu.enqueue_dma source(%arg21 : memref<5120xf32, #tpu.memory_space<vmem>>) target(%dma_start3A_25 : memref<5120xf32, #tpu.memory_space<hbm>>) target_semaphore(%run_scoped3A_22 : memref<!tpu.dma_semaphore, #tpu.memory_space<semaphore_mem>>)
      %dma_wait3A = tpu.memref_slice %arg6[%shift_right_arithmetic3A_1, %run_scoped3A_21, %mul3A_4] : memref<8x9x20480xf32, #tpu.memory_space<hbm>> -> memref<1x1x5120xf32, #tpu.memory_space<hbm>>
      %dma_wait3A_26 = tpu.memref_squeeze %dma_wait3A : memref<1x1x5120xf32, #tpu.memory_space<hbm>> -> memref<5120xf32, #tpu.memory_space<hbm>>
      %dma_wait3A_27 = tpu.memref_slice %arg6[%shift_right_arithmetic3A_1, %run_scoped3A_21, %mul3A_4] : memref<8x9x20480xf32, #tpu.memory_space<hbm>> -> memref<1x1x5120xf32, #tpu.memory_space<hbm>>
      %dma_wait3A_28 = tpu.memref_squeeze %dma_wait3A_27 : memref<1x1x5120xf32, #tpu.memory_space<hbm>> -> memref<5120xf32, #tpu.memory_space<hbm>>
      tpu.wait_dma2 semaphore(%run_scoped3A_22 : memref<!tpu.dma_semaphore, #tpu.memory_space<semaphore_mem>>) src(%arg21 : memref<5120xf32, #tpu.memory_space<vmem>>) dst(%dma_wait3A_28 : memref<5120xf32, #tpu.memory_space<hbm>>)
      tpu.yield
    }) : () -> ()
    return
  }
}

#map = affine_map<(d0, d1) -> (0, 0)>
#map1 = affine_map<(d0, d1) -> (0, 0, 0)>
module attributes {stable_mosaic.version = 14 : i64} {
  func.func @_g2_body(%arg0: i32, %arg1: i32, %arg2: memref<8x10000xf32, #tpu.memory_space<hbm>>, %arg3: memref<8x10000xf32, #tpu.memory_space<hbm>>, %arg4: memref<8x10000xf32, #tpu.memory_space<hbm>>, %arg5: memref<8x3x20480xi32, #tpu.memory_space<hbm>>, %arg6: memref<8x16384xi32, #tpu.memory_space<hbm>>, %arg7: memref<8x9x16384xf32, #tpu.memory_space<hbm>>, %arg8: memref<10000xf32, #tpu.memory_space<vmem>>, %arg9: memref<10000xf32, #tpu.memory_space<vmem>>, %arg10: memref<10000xf32, #tpu.memory_space<vmem>>, %arg11: memref<20480xi32, #tpu.memory_space<vmem>>, %arg12: memref<4096xi32, #tpu.memory_space<vmem>>, %arg13: memref<4096xf32, #tpu.memory_space<vmem>>, %arg14: memref<4096xf32, #tpu.memory_space<vmem>>, %arg15: memref<4096xf32, #tpu.memory_space<vmem>>) attributes {dimension_semantics = [#tpu.dimension_semantics<core_parallel>, #tpu.dimension_semantics<subcore_parallel>], iteration_bounds = array<i64: 2, 16>, scalar_prefetch = 0 : i64, scratch_operands = 8 : i64, tpu.core_type = #tpu.core_type<sc_vector_subcore>, window_params = [{transform_indices = #map}, {transform_indices = #map}, {transform_indices = #map}, {transform_indices = #map1}, {transform_indices = #map}, {transform_indices = #map1}]} {
    %mul3A = arith.constant 2 : i32
    %mul3A_0 = arith.muli %arg1, %mul3A : i32
    %add3A = arith.addi %mul3A_0, %arg0 : i32
    %shift_right_arithmetic3A = arith.constant 2 : i32
    %shift_right_arithmetic3A_1 = arith.shrsi %add3A, %shift_right_arithmetic3A : i32
    %and3A = arith.constant 3 : i32
    %and3A_2 = arith.andi %add3A, %and3A : i32
    %mul3A_3 = arith.constant 4096 : i32
    %mul3A_4 = arith.muli %and3A_2, %mul3A_3 : i32
    "tpu.region"() ({
      %run_scoped3A_36 = tpu.sem_alloc : memref<!tpu.dma_semaphore, #tpu.memory_space<semaphore_mem>>
      %dma_start3A = arith.constant 0 : i32
      %dma_start3A_37 = tpu.memref_slice %arg2[%shift_right_arithmetic3A_1, %dma_start3A] : memref<8x10000xf32, #tpu.memory_space<hbm>> -> memref<1x10000xf32, #tpu.memory_space<hbm>>
      %dma_start3A_38 = tpu.memref_squeeze %dma_start3A_37 : memref<1x10000xf32, #tpu.memory_space<hbm>> -> memref<10000xf32, #tpu.memory_space<hbm>>
      %dma_start3A_39 = arith.constant 0 : i32
      %dma_start3A_40 = tpu.memref_slice %arg2[%shift_right_arithmetic3A_1, %dma_start3A_39] : memref<8x10000xf32, #tpu.memory_space<hbm>> -> memref<1x10000xf32, #tpu.memory_space<hbm>>
      %dma_start3A_41 = tpu.memref_squeeze %dma_start3A_40 : memref<1x10000xf32, #tpu.memory_space<hbm>> -> memref<10000xf32, #tpu.memory_space<hbm>>
      tpu.enqueue_dma source(%dma_start3A_41 : memref<10000xf32, #tpu.memory_space<hbm>>) target(%arg8 : memref<10000xf32, #tpu.memory_space<vmem>>) target_semaphore(%run_scoped3A_36 : memref<!tpu.dma_semaphore, #tpu.memory_space<semaphore_mem>>)
      %dma_wait3A = arith.constant 0 : i32
      %dma_wait3A_42 = tpu.memref_slice %arg2[%shift_right_arithmetic3A_1, %dma_wait3A] : memref<8x10000xf32, #tpu.memory_space<hbm>> -> memref<1x10000xf32, #tpu.memory_space<hbm>>
      %dma_wait3A_43 = tpu.memref_squeeze %dma_wait3A_42 : memref<1x10000xf32, #tpu.memory_space<hbm>> -> memref<10000xf32, #tpu.memory_space<hbm>>
      %dma_wait3A_44 = arith.constant 0 : i32
      %dma_wait3A_45 = tpu.memref_slice %arg2[%shift_right_arithmetic3A_1, %dma_wait3A_44] : memref<8x10000xf32, #tpu.memory_space<hbm>> -> memref<1x10000xf32, #tpu.memory_space<hbm>>
      %dma_wait3A_46 = tpu.memref_squeeze %dma_wait3A_45 : memref<1x10000xf32, #tpu.memory_space<hbm>> -> memref<10000xf32, #tpu.memory_space<hbm>>
      tpu.wait_dma2 semaphore(%run_scoped3A_36 : memref<!tpu.dma_semaphore, #tpu.memory_space<semaphore_mem>>) src(%dma_wait3A_46 : memref<10000xf32, #tpu.memory_space<hbm>>) dst(%arg8 : memref<10000xf32, #tpu.memory_space<vmem>>)
      tpu.yield
    }) : () -> ()
    "tpu.region"() ({
      %run_scoped3A_36 = tpu.sem_alloc : memref<!tpu.dma_semaphore, #tpu.memory_space<semaphore_mem>>
      %dma_start3A = arith.constant 0 : i32
      %dma_start3A_37 = tpu.memref_slice %arg3[%shift_right_arithmetic3A_1, %dma_start3A] : memref<8x10000xf32, #tpu.memory_space<hbm>> -> memref<1x10000xf32, #tpu.memory_space<hbm>>
      %dma_start3A_38 = tpu.memref_squeeze %dma_start3A_37 : memref<1x10000xf32, #tpu.memory_space<hbm>> -> memref<10000xf32, #tpu.memory_space<hbm>>
      %dma_start3A_39 = arith.constant 0 : i32
      %dma_start3A_40 = tpu.memref_slice %arg3[%shift_right_arithmetic3A_1, %dma_start3A_39] : memref<8x10000xf32, #tpu.memory_space<hbm>> -> memref<1x10000xf32, #tpu.memory_space<hbm>>
      %dma_start3A_41 = tpu.memref_squeeze %dma_start3A_40 : memref<1x10000xf32, #tpu.memory_space<hbm>> -> memref<10000xf32, #tpu.memory_space<hbm>>
      tpu.enqueue_dma source(%dma_start3A_41 : memref<10000xf32, #tpu.memory_space<hbm>>) target(%arg9 : memref<10000xf32, #tpu.memory_space<vmem>>) target_semaphore(%run_scoped3A_36 : memref<!tpu.dma_semaphore, #tpu.memory_space<semaphore_mem>>)
      %dma_wait3A = arith.constant 0 : i32
      %dma_wait3A_42 = tpu.memref_slice %arg3[%shift_right_arithmetic3A_1, %dma_wait3A] : memref<8x10000xf32, #tpu.memory_space<hbm>> -> memref<1x10000xf32, #tpu.memory_space<hbm>>
      %dma_wait3A_43 = tpu.memref_squeeze %dma_wait3A_42 : memref<1x10000xf32, #tpu.memory_space<hbm>> -> memref<10000xf32, #tpu.memory_space<hbm>>
      %dma_wait3A_44 = arith.constant 0 : i32
      %dma_wait3A_45 = tpu.memref_slice %arg3[%shift_right_arithmetic3A_1, %dma_wait3A_44] : memref<8x10000xf32, #tpu.memory_space<hbm>> -> memref<1x10000xf32, #tpu.memory_space<hbm>>
      %dma_wait3A_46 = tpu.memref_squeeze %dma_wait3A_45 : memref<1x10000xf32, #tpu.memory_space<hbm>> -> memref<10000xf32, #tpu.memory_space<hbm>>
      tpu.wait_dma2 semaphore(%run_scoped3A_36 : memref<!tpu.dma_semaphore, #tpu.memory_space<semaphore_mem>>) src(%dma_wait3A_46 : memref<10000xf32, #tpu.memory_space<hbm>>) dst(%arg9 : memref<10000xf32, #tpu.memory_space<vmem>>)
      tpu.yield
    }) : () -> ()
    "tpu.region"() ({
      %run_scoped3A_36 = tpu.sem_alloc : memref<!tpu.dma_semaphore, #tpu.memory_space<semaphore_mem>>
      %dma_start3A = arith.constant 0 : i32
      %dma_start3A_37 = tpu.memref_slice %arg4[%shift_right_arithmetic3A_1, %dma_start3A] : memref<8x10000xf32, #tpu.memory_space<hbm>> -> memref<1x10000xf32, #tpu.memory_space<hbm>>
      %dma_start3A_38 = tpu.memref_squeeze %dma_start3A_37 : memref<1x10000xf32, #tpu.memory_space<hbm>> -> memref<10000xf32, #tpu.memory_space<hbm>>
      %dma_start3A_39 = arith.constant 0 : i32
      %dma_start3A_40 = tpu.memref_slice %arg4[%shift_right_arithmetic3A_1, %dma_start3A_39] : memref<8x10000xf32, #tpu.memory_space<hbm>> -> memref<1x10000xf32, #tpu.memory_space<hbm>>
      %dma_start3A_41 = tpu.memref_squeeze %dma_start3A_40 : memref<1x10000xf32, #tpu.memory_space<hbm>> -> memref<10000xf32, #tpu.memory_space<hbm>>
      tpu.enqueue_dma source(%dma_start3A_41 : memref<10000xf32, #tpu.memory_space<hbm>>) target(%arg10 : memref<10000xf32, #tpu.memory_space<vmem>>) target_semaphore(%run_scoped3A_36 : memref<!tpu.dma_semaphore, #tpu.memory_space<semaphore_mem>>)
      %dma_wait3A = arith.constant 0 : i32
      %dma_wait3A_42 = tpu.memref_slice %arg4[%shift_right_arithmetic3A_1, %dma_wait3A] : memref<8x10000xf32, #tpu.memory_space<hbm>> -> memref<1x10000xf32, #tpu.memory_space<hbm>>
      %dma_wait3A_43 = tpu.memref_squeeze %dma_wait3A_42 : memref<1x10000xf32, #tpu.memory_space<hbm>> -> memref<10000xf32, #tpu.memory_space<hbm>>
      %dma_wait3A_44 = arith.constant 0 : i32
      %dma_wait3A_45 = tpu.memref_slice %arg4[%shift_right_arithmetic3A_1, %dma_wait3A_44] : memref<8x10000xf32, #tpu.memory_space<hbm>> -> memref<1x10000xf32, #tpu.memory_space<hbm>>
      %dma_wait3A_46 = tpu.memref_squeeze %dma_wait3A_45 : memref<1x10000xf32, #tpu.memory_space<hbm>> -> memref<10000xf32, #tpu.memory_space<hbm>>
      tpu.wait_dma2 semaphore(%run_scoped3A_36 : memref<!tpu.dma_semaphore, #tpu.memory_space<semaphore_mem>>) src(%dma_wait3A_46 : memref<10000xf32, #tpu.memory_space<hbm>>) dst(%arg10 : memref<10000xf32, #tpu.memory_space<vmem>>)
      tpu.yield
    }) : () -> ()
    "tpu.region"() ({
      %run_scoped3A_36 = tpu.sem_alloc : memref<!tpu.dma_semaphore, #tpu.memory_space<semaphore_mem>>
      %dma_start3A = tpu.memref_slice %arg6[%shift_right_arithmetic3A_1, %mul3A_4] : memref<8x16384xi32, #tpu.memory_space<hbm>> -> memref<1x4096xi32, #tpu.memory_space<hbm>>
      %dma_start3A_37 = tpu.memref_squeeze %dma_start3A : memref<1x4096xi32, #tpu.memory_space<hbm>> -> memref<4096xi32, #tpu.memory_space<hbm>>
      %dma_start3A_38 = tpu.memref_slice %arg6[%shift_right_arithmetic3A_1, %mul3A_4] : memref<8x16384xi32, #tpu.memory_space<hbm>> -> memref<1x4096xi32, #tpu.memory_space<hbm>>
      %dma_start3A_39 = tpu.memref_squeeze %dma_start3A_38 : memref<1x4096xi32, #tpu.memory_space<hbm>> -> memref<4096xi32, #tpu.memory_space<hbm>>
      tpu.enqueue_dma source(%dma_start3A_39 : memref<4096xi32, #tpu.memory_space<hbm>>) target(%arg12 : memref<4096xi32, #tpu.memory_space<vmem>>) target_semaphore(%run_scoped3A_36 : memref<!tpu.dma_semaphore, #tpu.memory_space<semaphore_mem>>)
      %dma_wait3A = tpu.memref_slice %arg6[%shift_right_arithmetic3A_1, %mul3A_4] : memref<8x16384xi32, #tpu.memory_space<hbm>> -> memref<1x4096xi32, #tpu.memory_space<hbm>>
      %dma_wait3A_40 = tpu.memref_squeeze %dma_wait3A : memref<1x4096xi32, #tpu.memory_space<hbm>> -> memref<4096xi32, #tpu.memory_space<hbm>>
      %dma_wait3A_41 = tpu.memref_slice %arg6[%shift_right_arithmetic3A_1, %mul3A_4] : memref<8x16384xi32, #tpu.memory_space<hbm>> -> memref<1x4096xi32, #tpu.memory_space<hbm>>
      %dma_wait3A_42 = tpu.memref_squeeze %dma_wait3A_41 : memref<1x4096xi32, #tpu.memory_space<hbm>> -> memref<4096xi32, #tpu.memory_space<hbm>>
      tpu.wait_dma2 semaphore(%run_scoped3A_36 : memref<!tpu.dma_semaphore, #tpu.memory_space<semaphore_mem>>) src(%dma_wait3A_42 : memref<4096xi32, #tpu.memory_space<hbm>>) dst(%arg12 : memref<4096xi32, #tpu.memory_space<vmem>>)
      tpu.yield
    }) : () -> ()
    %run_scoped3A = arith.constant 0 : i32
    "tpu.region"() ({
      %run_scoped3A_36 = tpu.sem_alloc : memref<!tpu.dma_semaphore, #tpu.memory_space<semaphore_mem>>
      %dma_start3A = arith.constant 0 : i32
      %dma_start3A_37 = tpu.memref_slice %arg5[%shift_right_arithmetic3A_1, %run_scoped3A, %dma_start3A] : memref<8x3x20480xi32, #tpu.memory_space<hbm>> -> memref<1x1x20480xi32, #tpu.memory_space<hbm>>
      %dma_start3A_38 = tpu.memref_squeeze %dma_start3A_37 : memref<1x1x20480xi32, #tpu.memory_space<hbm>> -> memref<20480xi32, #tpu.memory_space<hbm>>
      %dma_start3A_39 = arith.constant 0 : i32
      %dma_start3A_40 = tpu.memref_slice %arg5[%shift_right_arithmetic3A_1, %run_scoped3A, %dma_start3A_39] : memref<8x3x20480xi32, #tpu.memory_space<hbm>> -> memref<1x1x20480xi32, #tpu.memory_space<hbm>>
      %dma_start3A_41 = tpu.memref_squeeze %dma_start3A_40 : memref<1x1x20480xi32, #tpu.memory_space<hbm>> -> memref<20480xi32, #tpu.memory_space<hbm>>
      tpu.enqueue_dma source(%dma_start3A_41 : memref<20480xi32, #tpu.memory_space<hbm>>) target(%arg11 : memref<20480xi32, #tpu.memory_space<vmem>>) target_semaphore(%run_scoped3A_36 : memref<!tpu.dma_semaphore, #tpu.memory_space<semaphore_mem>>)
      %dma_wait3A = arith.constant 0 : i32
      %dma_wait3A_42 = tpu.memref_slice %arg5[%shift_right_arithmetic3A_1, %run_scoped3A, %dma_wait3A] : memref<8x3x20480xi32, #tpu.memory_space<hbm>> -> memref<1x1x20480xi32, #tpu.memory_space<hbm>>
      %dma_wait3A_43 = tpu.memref_squeeze %dma_wait3A_42 : memref<1x1x20480xi32, #tpu.memory_space<hbm>> -> memref<20480xi32, #tpu.memory_space<hbm>>
      %dma_wait3A_44 = arith.constant 0 : i32
      %dma_wait3A_45 = tpu.memref_slice %arg5[%shift_right_arithmetic3A_1, %run_scoped3A, %dma_wait3A_44] : memref<8x3x20480xi32, #tpu.memory_space<hbm>> -> memref<1x1x20480xi32, #tpu.memory_space<hbm>>
      %dma_wait3A_46 = tpu.memref_squeeze %dma_wait3A_45 : memref<1x1x20480xi32, #tpu.memory_space<hbm>> -> memref<20480xi32, #tpu.memory_space<hbm>>
      tpu.wait_dma2 semaphore(%run_scoped3A_36 : memref<!tpu.dma_semaphore, #tpu.memory_space<semaphore_mem>>) src(%dma_wait3A_46 : memref<20480xi32, #tpu.memory_space<hbm>>) dst(%arg11 : memref<20480xi32, #tpu.memory_space<vmem>>)
      tpu.yield
    }) : () -> ()
    %scan3A = arith.constant 0 : i32
    %scan3A_5 = arith.constant 0 : i32
    %scan3A_6 = arith.constant 256 : i32
    %scan3A_7 = arith.addi %scan3A_5, %scan3A_6 : i32
    %scan3A_8 = arith.constant 1 : i32
    %scan3A_9 = scf.for %scan3A_36 = %scan3A_5 to %scan3A_7 step %scan3A_8 iter_args(%scan3A_37 = %scan3A) -> (i32)  : i32 {
      %mul3A_38 = arith.constant 16 : i32
      %mul3A_39 = arith.muli %scan3A_36, %mul3A_38 : i32
      %get3A = arith.index_cast %mul3A_39 : i32 to index
      %get3A_40 = tpu.vector_load %arg12[%get3A] {strides = array<i32>} : memref<4096xi32, #tpu.memory_space<vmem>>, vector<16xi32>,
      %gather3A = tpu.vector_load_idx %arg11[%get3A_40] : memref<20480xi32, #tpu.memory_space<vmem>>[vector<16xi32>], vector<16xi32>,
      %gather3A_41 = tpu.vector_load_idx %arg8[%gather3A] : memref<10000xf32, #tpu.memory_space<vmem>>[vector<16xi32>], vector<16xf32>,
      %swap3A = arith.index_cast %mul3A_39 : i32 to index
      %swap3A_42 = tpu.vector_load %arg13[%swap3A] {strides = array<i32>} : memref<4096xf32, #tpu.memory_space<vmem>>, vector<16xf32>,
      tpu.vector_store %arg13[%swap3A], %gather3A_41 {strides = array<i32>} : memref<4096xf32, #tpu.memory_space<vmem>>, vector<16xf32>,
      %gather3A_43 = tpu.vector_load_idx %arg9[%gather3A] : memref<10000xf32, #tpu.memory_space<vmem>>[vector<16xi32>], vector<16xf32>,
      %swap3A_44 = arith.index_cast %mul3A_39 : i32 to index
      %swap3A_45 = tpu.vector_load %arg14[%swap3A_44] {strides = array<i32>} : memref<4096xf32, #tpu.memory_space<vmem>>, vector<16xf32>,
      tpu.vector_store %arg14[%swap3A_44], %gather3A_43 {strides = array<i32>} : memref<4096xf32, #tpu.memory_space<vmem>>, vector<16xf32>,
      %gather3A_46 = tpu.vector_load_idx %arg10[%gather3A] : memref<10000xf32, #tpu.memory_space<vmem>>[vector<16xi32>], vector<16xf32>,
      %swap3A_47 = arith.index_cast %mul3A_39 : i32 to index
      %swap3A_48 = tpu.vector_load %arg15[%swap3A_47] {strides = array<i32>} : memref<4096xf32, #tpu.memory_space<vmem>>, vector<16xf32>,
      tpu.vector_store %arg15[%swap3A_47], %gather3A_46 {strides = array<i32>} : memref<4096xf32, #tpu.memory_space<vmem>>, vector<16xf32>,
      %scan3A_49 = arith.constant 0 : i32
      scf.yield %scan3A_49 : i32
    }
    %scan3A_10 = arith.constant 256 : i32
    %run_scoped3A_11 = arith.constant 0 : i32
    "tpu.region"() ({
      %run_scoped3A_36 = tpu.sem_alloc : memref<!tpu.dma_semaphore, #tpu.memory_space<semaphore_mem>>
      %dma_start3A = tpu.memref_slice %arg7[%shift_right_arithmetic3A_1, %run_scoped3A_11, %mul3A_4] : memref<8x9x16384xf32, #tpu.memory_space<hbm>> -> memref<1x1x4096xf32, #tpu.memory_space<hbm>>
      %dma_start3A_37 = tpu.memref_squeeze %dma_start3A : memref<1x1x4096xf32, #tpu.memory_space<hbm>> -> memref<4096xf32, #tpu.memory_space<hbm>>
      %dma_start3A_38 = tpu.memref_slice %arg7[%shift_right_arithmetic3A_1, %run_scoped3A_11, %mul3A_4] : memref<8x9x16384xf32, #tpu.memory_space<hbm>> -> memref<1x1x4096xf32, #tpu.memory_space<hbm>>
      %dma_start3A_39 = tpu.memref_squeeze %dma_start3A_38 : memref<1x1x4096xf32, #tpu.memory_space<hbm>> -> memref<4096xf32, #tpu.memory_space<hbm>>
      tpu.enqueue_dma source(%arg13 : memref<4096xf32, #tpu.memory_space<vmem>>) target(%dma_start3A_39 : memref<4096xf32, #tpu.memory_space<hbm>>) target_semaphore(%run_scoped3A_36 : memref<!tpu.dma_semaphore, #tpu.memory_space<semaphore_mem>>)
      %dma_wait3A = tpu.memref_slice %arg7[%shift_right_arithmetic3A_1, %run_scoped3A_11, %mul3A_4] : memref<8x9x16384xf32, #tpu.memory_space<hbm>> -> memref<1x1x4096xf32, #tpu.memory_space<hbm>>
      %dma_wait3A_40 = tpu.memref_squeeze %dma_wait3A : memref<1x1x4096xf32, #tpu.memory_space<hbm>> -> memref<4096xf32, #tpu.memory_space<hbm>>
      %dma_wait3A_41 = tpu.memref_slice %arg7[%shift_right_arithmetic3A_1, %run_scoped3A_11, %mul3A_4] : memref<8x9x16384xf32, #tpu.memory_space<hbm>> -> memref<1x1x4096xf32, #tpu.memory_space<hbm>>
      %dma_wait3A_42 = tpu.memref_squeeze %dma_wait3A_41 : memref<1x1x4096xf32, #tpu.memory_space<hbm>> -> memref<4096xf32, #tpu.memory_space<hbm>>
      tpu.wait_dma2 semaphore(%run_scoped3A_36 : memref<!tpu.dma_semaphore, #tpu.memory_space<semaphore_mem>>) src(%arg13 : memref<4096xf32, #tpu.memory_space<vmem>>) dst(%dma_wait3A_42 : memref<4096xf32, #tpu.memory_space<hbm>>)
      tpu.yield
    }) : () -> ()
    %run_scoped3A_12 = arith.constant 1 : i32
    "tpu.region"() ({
      %run_scoped3A_36 = tpu.sem_alloc : memref<!tpu.dma_semaphore, #tpu.memory_space<semaphore_mem>>
      %dma_start3A = tpu.memref_slice %arg7[%shift_right_arithmetic3A_1, %run_scoped3A_12, %mul3A_4] : memref<8x9x16384xf32, #tpu.memory_space<hbm>> -> memref<1x1x4096xf32, #tpu.memory_space<hbm>>
      %dma_start3A_37 = tpu.memref_squeeze %dma_start3A : memref<1x1x4096xf32, #tpu.memory_space<hbm>> -> memref<4096xf32, #tpu.memory_space<hbm>>
      %dma_start3A_38 = tpu.memref_slice %arg7[%shift_right_arithmetic3A_1, %run_scoped3A_12, %mul3A_4] : memref<8x9x16384xf32, #tpu.memory_space<hbm>> -> memref<1x1x4096xf32, #tpu.memory_space<hbm>>
      %dma_start3A_39 = tpu.memref_squeeze %dma_start3A_38 : memref<1x1x4096xf32, #tpu.memory_space<hbm>> -> memref<4096xf32, #tpu.memory_space<hbm>>
      tpu.enqueue_dma source(%arg14 : memref<4096xf32, #tpu.memory_space<vmem>>) target(%dma_start3A_39 : memref<4096xf32, #tpu.memory_space<hbm>>) target_semaphore(%run_scoped3A_36 : memref<!tpu.dma_semaphore, #tpu.memory_space<semaphore_mem>>)
      %dma_wait3A = tpu.memref_slice %arg7[%shift_right_arithmetic3A_1, %run_scoped3A_12, %mul3A_4] : memref<8x9x16384xf32, #tpu.memory_space<hbm>> -> memref<1x1x4096xf32, #tpu.memory_space<hbm>>
      %dma_wait3A_40 = tpu.memref_squeeze %dma_wait3A : memref<1x1x4096xf32, #tpu.memory_space<hbm>> -> memref<4096xf32, #tpu.memory_space<hbm>>
      %dma_wait3A_41 = tpu.memref_slice %arg7[%shift_right_arithmetic3A_1, %run_scoped3A_12, %mul3A_4] : memref<8x9x16384xf32, #tpu.memory_space<hbm>> -> memref<1x1x4096xf32, #tpu.memory_space<hbm>>
      %dma_wait3A_42 = tpu.memref_squeeze %dma_wait3A_41 : memref<1x1x4096xf32, #tpu.memory_space<hbm>> -> memref<4096xf32, #tpu.memory_space<hbm>>
      tpu.wait_dma2 semaphore(%run_scoped3A_36 : memref<!tpu.dma_semaphore, #tpu.memory_space<semaphore_mem>>) src(%arg14 : memref<4096xf32, #tpu.memory_space<vmem>>) dst(%dma_wait3A_42 : memref<4096xf32, #tpu.memory_space<hbm>>)
      tpu.yield
    }) : () -> ()
    %run_scoped3A_13 = arith.constant 2 : i32
    "tpu.region"() ({
      %run_scoped3A_36 = tpu.sem_alloc : memref<!tpu.dma_semaphore, #tpu.memory_space<semaphore_mem>>
      %dma_start3A = tpu.memref_slice %arg7[%shift_right_arithmetic3A_1, %run_scoped3A_13, %mul3A_4] : memref<8x9x16384xf32, #tpu.memory_space<hbm>> -> memref<1x1x4096xf32, #tpu.memory_space<hbm>>
      %dma_start3A_37 = tpu.memref_squeeze %dma_start3A : memref<1x1x4096xf32, #tpu.memory_space<hbm>> -> memref<4096xf32, #tpu.memory_space<hbm>>
      %dma_start3A_38 = tpu.memref_slice %arg7[%shift_right_arithmetic3A_1, %run_scoped3A_13, %mul3A_4] : memref<8x9x16384xf32, #tpu.memory_space<hbm>> -> memref<1x1x4096xf32, #tpu.memory_space<hbm>>
      %dma_start3A_39 = tpu.memref_squeeze %dma_start3A_38 : memref<1x1x4096xf32, #tpu.memory_space<hbm>> -> memref<4096xf32, #tpu.memory_space<hbm>>
      tpu.enqueue_dma source(%arg15 : memref<4096xf32, #tpu.memory_space<vmem>>) target(%dma_start3A_39 : memref<4096xf32, #tpu.memory_space<hbm>>) target_semaphore(%run_scoped3A_36 : memref<!tpu.dma_semaphore, #tpu.memory_space<semaphore_mem>>)
      %dma_wait3A = tpu.memref_slice %arg7[%shift_right_arithmetic3A_1, %run_scoped3A_13, %mul3A_4] : memref<8x9x16384xf32, #tpu.memory_space<hbm>> -> memref<1x1x4096xf32, #tpu.memory_space<hbm>>
      %dma_wait3A_40 = tpu.memref_squeeze %dma_wait3A : memref<1x1x4096xf32, #tpu.memory_space<hbm>> -> memref<4096xf32, #tpu.memory_space<hbm>>
      %dma_wait3A_41 = tpu.memref_slice %arg7[%shift_right_arithmetic3A_1, %run_scoped3A_13, %mul3A_4] : memref<8x9x16384xf32, #tpu.memory_space<hbm>> -> memref<1x1x4096xf32, #tpu.memory_space<hbm>>
      %dma_wait3A_42 = tpu.memref_squeeze %dma_wait3A_41 : memref<1x1x4096xf32, #tpu.memory_space<hbm>> -> memref<4096xf32, #tpu.memory_space<hbm>>
      tpu.wait_dma2 semaphore(%run_scoped3A_36 : memref<!tpu.dma_semaphore, #tpu.memory_space<semaphore_mem>>) src(%arg15 : memref<4096xf32, #tpu.memory_space<vmem>>) dst(%dma_wait3A_42 : memref<4096xf32, #tpu.memory_space<hbm>>)
      tpu.yield
    }) : () -> ()
    %run_scoped3A_14 = arith.constant 1 : i32
    "tpu.region"() ({
      %run_scoped3A_36 = tpu.sem_alloc : memref<!tpu.dma_semaphore, #tpu.memory_space<semaphore_mem>>
      %dma_start3A = arith.constant 0 : i32
      %dma_start3A_37 = tpu.memref_slice %arg5[%shift_right_arithmetic3A_1, %run_scoped3A_14, %dma_start3A] : memref<8x3x20480xi32, #tpu.memory_space<hbm>> -> memref<1x1x20480xi32, #tpu.memory_space<hbm>>
      %dma_start3A_38 = tpu.memref_squeeze %dma_start3A_37 : memref<1x1x20480xi32, #tpu.memory_space<hbm>> -> memref<20480xi32, #tpu.memory_space<hbm>>
      %dma_start3A_39 = arith.constant 0 : i32
      %dma_start3A_40 = tpu.memref_slice %arg5[%shift_right_arithmetic3A_1, %run_scoped3A_14, %dma_start3A_39] : memref<8x3x20480xi32, #tpu.memory_space<hbm>> -> memref<1x1x20480xi32, #tpu.memory_space<hbm>>
      %dma_start3A_41 = tpu.memref_squeeze %dma_start3A_40 : memref<1x1x20480xi32, #tpu.memory_space<hbm>> -> memref<20480xi32, #tpu.memory_space<hbm>>
      tpu.enqueue_dma source(%dma_start3A_41 : memref<20480xi32, #tpu.memory_space<hbm>>) target(%arg11 : memref<20480xi32, #tpu.memory_space<vmem>>) target_semaphore(%run_scoped3A_36 : memref<!tpu.dma_semaphore, #tpu.memory_space<semaphore_mem>>)
      %dma_wait3A = arith.constant 0 : i32
      %dma_wait3A_42 = tpu.memref_slice %arg5[%shift_right_arithmetic3A_1, %run_scoped3A_14, %dma_wait3A] : memref<8x3x20480xi32, #tpu.memory_space<hbm>> -> memref<1x1x20480xi32, #tpu.memory_space<hbm>>
      %dma_wait3A_43 = tpu.memref_squeeze %dma_wait3A_42 : memref<1x1x20480xi32, #tpu.memory_space<hbm>> -> memref<20480xi32, #tpu.memory_space<hbm>>
      %dma_wait3A_44 = arith.constant 0 : i32
      %dma_wait3A_45 = tpu.memref_slice %arg5[%shift_right_arithmetic3A_1, %run_scoped3A_14, %dma_wait3A_44] : memref<8x3x20480xi32, #tpu.memory_space<hbm>> -> memref<1x1x20480xi32, #tpu.memory_space<hbm>>
      %dma_wait3A_46 = tpu.memref_squeeze %dma_wait3A_45 : memref<1x1x20480xi32, #tpu.memory_space<hbm>> -> memref<20480xi32, #tpu.memory_space<hbm>>
      tpu.wait_dma2 semaphore(%run_scoped3A_36 : memref<!tpu.dma_semaphore, #tpu.memory_space<semaphore_mem>>) src(%dma_wait3A_46 : memref<20480xi32, #tpu.memory_space<hbm>>) dst(%arg11 : memref<20480xi32, #tpu.memory_space<vmem>>)
      tpu.yield
    }) : () -> ()
    %scan3A_15 = arith.constant 0 : i32
    %scan3A_16 = arith.constant 0 : i32
    %scan3A_17 = arith.constant 256 : i32
    %scan3A_18 = arith.addi %scan3A_16, %scan3A_17 : i32
    %scan3A_19 = arith.constant 1 : i32
    %scan3A_20 = scf.for %scan3A_36 = %scan3A_16 to %scan3A_18 step %scan3A_19 iter_args(%scan3A_37 = %scan3A_15) -> (i32)  : i32 {
      %mul3A_38 = arith.constant 16 : i32
      %mul3A_39 = arith.muli %scan3A_36, %mul3A_38 : i32
      %get3A = arith.index_cast %mul3A_39 : i32 to index
      %get3A_40 = tpu.vector_load %arg12[%get3A] {strides = array<i32>} : memref<4096xi32, #tpu.memory_space<vmem>>, vector<16xi32>,
      %gather3A = tpu.vector_load_idx %arg11[%get3A_40] : memref<20480xi32, #tpu.memory_space<vmem>>[vector<16xi32>], vector<16xi32>,
      %gather3A_41 = tpu.vector_load_idx %arg8[%gather3A] : memref<10000xf32, #tpu.memory_space<vmem>>[vector<16xi32>], vector<16xf32>,
      %swap3A = arith.index_cast %mul3A_39 : i32 to index
      %swap3A_42 = tpu.vector_load %arg13[%swap3A] {strides = array<i32>} : memref<4096xf32, #tpu.memory_space<vmem>>, vector<16xf32>,
      tpu.vector_store %arg13[%swap3A], %gather3A_41 {strides = array<i32>} : memref<4096xf32, #tpu.memory_space<vmem>>, vector<16xf32>,
      %gather3A_43 = tpu.vector_load_idx %arg9[%gather3A] : memref<10000xf32, #tpu.memory_space<vmem>>[vector<16xi32>], vector<16xf32>,
      %swap3A_44 = arith.index_cast %mul3A_39 : i32 to index
      %swap3A_45 = tpu.vector_load %arg14[%swap3A_44] {strides = array<i32>} : memref<4096xf32, #tpu.memory_space<vmem>>, vector<16xf32>,
      tpu.vector_store %arg14[%swap3A_44], %gather3A_43 {strides = array<i32>} : memref<4096xf32, #tpu.memory_space<vmem>>, vector<16xf32>,
      %gather3A_46 = tpu.vector_load_idx %arg10[%gather3A] : memref<10000xf32, #tpu.memory_space<vmem>>[vector<16xi32>], vector<16xf32>,
      %swap3A_47 = arith.index_cast %mul3A_39 : i32 to index
      %swap3A_48 = tpu.vector_load %arg15[%swap3A_47] {strides = array<i32>} : memref<4096xf32, #tpu.memory_space<vmem>>, vector<16xf32>,
      tpu.vector_store %arg15[%swap3A_47], %gather3A_46 {strides = array<i32>} : memref<4096xf32, #tpu.memory_space<vmem>>, vector<16xf32>,
      %scan3A_49 = arith.constant 0 : i32
      scf.yield %scan3A_49 : i32
    }
    %scan3A_21 = arith.constant 256 : i32
    %run_scoped3A_22 = arith.constant 3 : i32
    "tpu.region"() ({
      %run_scoped3A_36 = tpu.sem_alloc : memref<!tpu.dma_semaphore, #tpu.memory_space<semaphore_mem>>
      %dma_start3A = tpu.memref_slice %arg7[%shift_right_arithmetic3A_1, %run_scoped3A_22, %mul3A_4] : memref<8x9x16384xf32, #tpu.memory_space<hbm>> -> memref<1x1x4096xf32, #tpu.memory_space<hbm>>
      %dma_start3A_37 = tpu.memref_squeeze %dma_start3A : memref<1x1x4096xf32, #tpu.memory_space<hbm>> -> memref<4096xf32, #tpu.memory_space<hbm>>
      %dma_start3A_38 = tpu.memref_slice %arg7[%shift_right_arithmetic3A_1, %run_scoped3A_22, %mul3A_4] : memref<8x9x16384xf32, #tpu.memory_space<hbm>> -> memref<1x1x4096xf32, #tpu.memory_space<hbm>>
      %dma_start3A_39 = tpu.memref_squeeze %dma_start3A_38 : memref<1x1x4096xf32, #tpu.memory_space<hbm>> -> memref<4096xf32, #tpu.memory_space<hbm>>
      tpu.enqueue_dma source(%arg13 : memref<4096xf32, #tpu.memory_space<vmem>>) target(%dma_start3A_39 : memref<4096xf32, #tpu.memory_space<hbm>>) target_semaphore(%run_scoped3A_36 : memref<!tpu.dma_semaphore, #tpu.memory_space<semaphore_mem>>)
      %dma_wait3A = tpu.memref_slice %arg7[%shift_right_arithmetic3A_1, %run_scoped3A_22, %mul3A_4] : memref<8x9x16384xf32, #tpu.memory_space<hbm>> -> memref<1x1x4096xf32, #tpu.memory_space<hbm>>
      %dma_wait3A_40 = tpu.memref_squeeze %dma_wait3A : memref<1x1x4096xf32, #tpu.memory_space<hbm>> -> memref<4096xf32, #tpu.memory_space<hbm>>
      %dma_wait3A_41 = tpu.memref_slice %arg7[%shift_right_arithmetic3A_1, %run_scoped3A_22, %mul3A_4] : memref<8x9x16384xf32, #tpu.memory_space<hbm>> -> memref<1x1x4096xf32, #tpu.memory_space<hbm>>
      %dma_wait3A_42 = tpu.memref_squeeze %dma_wait3A_41 : memref<1x1x4096xf32, #tpu.memory_space<hbm>> -> memref<4096xf32, #tpu.memory_space<hbm>>
      tpu.wait_dma2 semaphore(%run_scoped3A_36 : memref<!tpu.dma_semaphore, #tpu.memory_space<semaphore_mem>>) src(%arg13 : memref<4096xf32, #tpu.memory_space<vmem>>) dst(%dma_wait3A_42 : memref<4096xf32, #tpu.memory_space<hbm>>)
      tpu.yield
    }) : () -> ()
    %run_scoped3A_23 = arith.constant 4 : i32
    "tpu.region"() ({
      %run_scoped3A_36 = tpu.sem_alloc : memref<!tpu.dma_semaphore, #tpu.memory_space<semaphore_mem>>
      %dma_start3A = tpu.memref_slice %arg7[%shift_right_arithmetic3A_1, %run_scoped3A_23, %mul3A_4] : memref<8x9x16384xf32, #tpu.memory_space<hbm>> -> memref<1x1x4096xf32, #tpu.memory_space<hbm>>
      %dma_start3A_37 = tpu.memref_squeeze %dma_start3A : memref<1x1x4096xf32, #tpu.memory_space<hbm>> -> memref<4096xf32, #tpu.memory_space<hbm>>
      %dma_start3A_38 = tpu.memref_slice %arg7[%shift_right_arithmetic3A_1, %run_scoped3A_23, %mul3A_4] : memref<8x9x16384xf32, #tpu.memory_space<hbm>> -> memref<1x1x4096xf32, #tpu.memory_space<hbm>>
      %dma_start3A_39 = tpu.memref_squeeze %dma_start3A_38 : memref<1x1x4096xf32, #tpu.memory_space<hbm>> -> memref<4096xf32, #tpu.memory_space<hbm>>
      tpu.enqueue_dma source(%arg14 : memref<4096xf32, #tpu.memory_space<vmem>>) target(%dma_start3A_39 : memref<4096xf32, #tpu.memory_space<hbm>>) target_semaphore(%run_scoped3A_36 : memref<!tpu.dma_semaphore, #tpu.memory_space<semaphore_mem>>)
      %dma_wait3A = tpu.memref_slice %arg7[%shift_right_arithmetic3A_1, %run_scoped3A_23, %mul3A_4] : memref<8x9x16384xf32, #tpu.memory_space<hbm>> -> memref<1x1x4096xf32, #tpu.memory_space<hbm>>
      %dma_wait3A_40 = tpu.memref_squeeze %dma_wait3A : memref<1x1x4096xf32, #tpu.memory_space<hbm>> -> memref<4096xf32, #tpu.memory_space<hbm>>
      %dma_wait3A_41 = tpu.memref_slice %arg7[%shift_right_arithmetic3A_1, %run_scoped3A_23, %mul3A_4] : memref<8x9x16384xf32, #tpu.memory_space<hbm>> -> memref<1x1x4096xf32, #tpu.memory_space<hbm>>
      %dma_wait3A_42 = tpu.memref_squeeze %dma_wait3A_41 : memref<1x1x4096xf32, #tpu.memory_space<hbm>> -> memref<4096xf32, #tpu.memory_space<hbm>>
      tpu.wait_dma2 semaphore(%run_scoped3A_36 : memref<!tpu.dma_semaphore, #tpu.memory_space<semaphore_mem>>) src(%arg14 : memref<4096xf32, #tpu.memory_space<vmem>>) dst(%dma_wait3A_42 : memref<4096xf32, #tpu.memory_space<hbm>>)
      tpu.yield
    }) : () -> ()
    %run_scoped3A_24 = arith.constant 5 : i32
    "tpu.region"() ({
      %run_scoped3A_36 = tpu.sem_alloc : memref<!tpu.dma_semaphore, #tpu.memory_space<semaphore_mem>>
      %dma_start3A = tpu.memref_slice %arg7[%shift_right_arithmetic3A_1, %run_scoped3A_24, %mul3A_4] : memref<8x9x16384xf32, #tpu.memory_space<hbm>> -> memref<1x1x4096xf32, #tpu.memory_space<hbm>>
      %dma_start3A_37 = tpu.memref_squeeze %dma_start3A : memref<1x1x4096xf32, #tpu.memory_space<hbm>> -> memref<4096xf32, #tpu.memory_space<hbm>>
      %dma_start3A_38 = tpu.memref_slice %arg7[%shift_right_arithmetic3A_1, %run_scoped3A_24, %mul3A_4] : memref<8x9x16384xf32, #tpu.memory_space<hbm>> -> memref<1x1x4096xf32, #tpu.memory_space<hbm>>
      %dma_start3A_39 = tpu.memref_squeeze %dma_start3A_38 : memref<1x1x4096xf32, #tpu.memory_space<hbm>> -> memref<4096xf32, #tpu.memory_space<hbm>>
      tpu.enqueue_dma source(%arg15 : memref<4096xf32, #tpu.memory_space<vmem>>) target(%dma_start3A_39 : memref<4096xf32, #tpu.memory_space<hbm>>) target_semaphore(%run_scoped3A_36 : memref<!tpu.dma_semaphore, #tpu.memory_space<semaphore_mem>>)
      %dma_wait3A = tpu.memref_slice %arg7[%shift_right_arithmetic3A_1, %run_scoped3A_24, %mul3A_4] : memref<8x9x16384xf32, #tpu.memory_space<hbm>> -> memref<1x1x4096xf32, #tpu.memory_space<hbm>>
      %dma_wait3A_40 = tpu.memref_squeeze %dma_wait3A : memref<1x1x4096xf32, #tpu.memory_space<hbm>> -> memref<4096xf32, #tpu.memory_space<hbm>>
      %dma_wait3A_41 = tpu.memref_slice %arg7[%shift_right_arithmetic3A_1, %run_scoped3A_24, %mul3A_4] : memref<8x9x16384xf32, #tpu.memory_space<hbm>> -> memref<1x1x4096xf32, #tpu.memory_space<hbm>>
      %dma_wait3A_42 = tpu.memref_squeeze %dma_wait3A_41 : memref<1x1x4096xf32, #tpu.memory_space<hbm>> -> memref<4096xf32, #tpu.memory_space<hbm>>
      tpu.wait_dma2 semaphore(%run_scoped3A_36 : memref<!tpu.dma_semaphore, #tpu.memory_space<semaphore_mem>>) src(%arg15 : memref<4096xf32, #tpu.memory_space<vmem>>) dst(%dma_wait3A_42 : memref<4096xf32, #tpu.memory_space<hbm>>)
      tpu.yield
    }) : () -> ()
    %run_scoped3A_25 = arith.constant 2 : i32
    "tpu.region"() ({
      %run_scoped3A_36 = tpu.sem_alloc : memref<!tpu.dma_semaphore, #tpu.memory_space<semaphore_mem>>
      %dma_start3A = arith.constant 0 : i32
      %dma_start3A_37 = tpu.memref_slice %arg5[%shift_right_arithmetic3A_1, %run_scoped3A_25, %dma_start3A] : memref<8x3x20480xi32, #tpu.memory_space<hbm>> -> memref<1x1x20480xi32, #tpu.memory_space<hbm>>
      %dma_start3A_38 = tpu.memref_squeeze %dma_start3A_37 : memref<1x1x20480xi32, #tpu.memory_space<hbm>> -> memref<20480xi32, #tpu.memory_space<hbm>>
      %dma_start3A_39 = arith.constant 0 : i32
      %dma_start3A_40 = tpu.memref_slice %arg5[%shift_right_arithmetic3A_1, %run_scoped3A_25, %dma_start3A_39] : memref<8x3x20480xi32, #tpu.memory_space<hbm>> -> memref<1x1x20480xi32, #tpu.memory_space<hbm>>
      %dma_start3A_41 = tpu.memref_squeeze %dma_start3A_40 : memref<1x1x20480xi32, #tpu.memory_space<hbm>> -> memref<20480xi32, #tpu.memory_space<hbm>>
      tpu.enqueue_dma source(%dma_start3A_41 : memref<20480xi32, #tpu.memory_space<hbm>>) target(%arg11 : memref<20480xi32, #tpu.memory_space<vmem>>) target_semaphore(%run_scoped3A_36 : memref<!tpu.dma_semaphore, #tpu.memory_space<semaphore_mem>>)
      %dma_wait3A = arith.constant 0 : i32
      %dma_wait3A_42 = tpu.memref_slice %arg5[%shift_right_arithmetic3A_1, %run_scoped3A_25, %dma_wait3A] : memref<8x3x20480xi32, #tpu.memory_space<hbm>> -> memref<1x1x20480xi32, #tpu.memory_space<hbm>>
      %dma_wait3A_43 = tpu.memref_squeeze %dma_wait3A_42 : memref<1x1x20480xi32, #tpu.memory_space<hbm>> -> memref<20480xi32, #tpu.memory_space<hbm>>
      %dma_wait3A_44 = arith.constant 0 : i32
      %dma_wait3A_45 = tpu.memref_slice %arg5[%shift_right_arithmetic3A_1, %run_scoped3A_25, %dma_wait3A_44] : memref<8x3x20480xi32, #tpu.memory_space<hbm>> -> memref<1x1x20480xi32, #tpu.memory_space<hbm>>
      %dma_wait3A_46 = tpu.memref_squeeze %dma_wait3A_45 : memref<1x1x20480xi32, #tpu.memory_space<hbm>> -> memref<20480xi32, #tpu.memory_space<hbm>>
      tpu.wait_dma2 semaphore(%run_scoped3A_36 : memref<!tpu.dma_semaphore, #tpu.memory_space<semaphore_mem>>) src(%dma_wait3A_46 : memref<20480xi32, #tpu.memory_space<hbm>>) dst(%arg11 : memref<20480xi32, #tpu.memory_space<vmem>>)
      tpu.yield
    }) : () -> ()
    %scan3A_26 = arith.constant 0 : i32
    %scan3A_27 = arith.constant 0 : i32
    %scan3A_28 = arith.constant 256 : i32
    %scan3A_29 = arith.addi %scan3A_27, %scan3A_28 : i32
    %scan3A_30 = arith.constant 1 : i32
    %scan3A_31 = scf.for %scan3A_36 = %scan3A_27 to %scan3A_29 step %scan3A_30 iter_args(%scan3A_37 = %scan3A_26) -> (i32)  : i32 {
      %mul3A_38 = arith.constant 16 : i32
      %mul3A_39 = arith.muli %scan3A_36, %mul3A_38 : i32
      %get3A = arith.index_cast %mul3A_39 : i32 to index
      %get3A_40 = tpu.vector_load %arg12[%get3A] {strides = array<i32>} : memref<4096xi32, #tpu.memory_space<vmem>>, vector<16xi32>,
      %gather3A = tpu.vector_load_idx %arg11[%get3A_40] : memref<20480xi32, #tpu.memory_space<vmem>>[vector<16xi32>], vector<16xi32>,
      %gather3A_41 = tpu.vector_load_idx %arg8[%gather3A] : memref<10000xf32, #tpu.memory_space<vmem>>[vector<16xi32>], vector<16xf32>,
      %swap3A = arith.index_cast %mul3A_39 : i32 to index
      %swap3A_42 = tpu.vector_load %arg13[%swap3A] {strides = array<i32>} : memref<4096xf32, #tpu.memory_space<vmem>>, vector<16xf32>,
      tpu.vector_store %arg13[%swap3A], %gather3A_41 {strides = array<i32>} : memref<4096xf32, #tpu.memory_space<vmem>>, vector<16xf32>,
      %gather3A_43 = tpu.vector_load_idx %arg9[%gather3A] : memref<10000xf32, #tpu.memory_space<vmem>>[vector<16xi32>], vector<16xf32>,
      %swap3A_44 = arith.index_cast %mul3A_39 : i32 to index
      %swap3A_45 = tpu.vector_load %arg14[%swap3A_44] {strides = array<i32>} : memref<4096xf32, #tpu.memory_space<vmem>>, vector<16xf32>,
      tpu.vector_store %arg14[%swap3A_44], %gather3A_43 {strides = array<i32>} : memref<4096xf32, #tpu.memory_space<vmem>>, vector<16xf32>,
      %gather3A_46 = tpu.vector_load_idx %arg10[%gather3A] : memref<10000xf32, #tpu.memory_space<vmem>>[vector<16xi32>], vector<16xf32>,
      %swap3A_47 = arith.index_cast %mul3A_39 : i32 to index
      %swap3A_48 = tpu.vector_load %arg15[%swap3A_47] {strides = array<i32>} : memref<4096xf32, #tpu.memory_space<vmem>>, vector<16xf32>,
      tpu.vector_store %arg15[%swap3A_47], %gather3A_46 {strides = array<i32>} : memref<4096xf32, #tpu.memory_space<vmem>>, vector<16xf32>,
      %scan3A_49 = arith.constant 0 : i32
      scf.yield %scan3A_49 : i32
    }
    %scan3A_32 = arith.constant 256 : i32
    %run_scoped3A_33 = arith.constant 6 : i32
    "tpu.region"() ({
      %run_scoped3A_36 = tpu.sem_alloc : memref<!tpu.dma_semaphore, #tpu.memory_space<semaphore_mem>>
      %dma_start3A = tpu.memref_slice %arg7[%shift_right_arithmetic3A_1, %run_scoped3A_33, %mul3A_4] : memref<8x9x16384xf32, #tpu.memory_space<hbm>> -> memref<1x1x4096xf32, #tpu.memory_space<hbm>>
      %dma_start3A_37 = tpu.memref_squeeze %dma_start3A : memref<1x1x4096xf32, #tpu.memory_space<hbm>> -> memref<4096xf32, #tpu.memory_space<hbm>>
      %dma_start3A_38 = tpu.memref_slice %arg7[%shift_right_arithmetic3A_1, %run_scoped3A_33, %mul3A_4] : memref<8x9x16384xf32, #tpu.memory_space<hbm>> -> memref<1x1x4096xf32, #tpu.memory_space<hbm>>
      %dma_start3A_39 = tpu.memref_squeeze %dma_start3A_38 : memref<1x1x4096xf32, #tpu.memory_space<hbm>> -> memref<4096xf32, #tpu.memory_space<hbm>>
      tpu.enqueue_dma source(%arg13 : memref<4096xf32, #tpu.memory_space<vmem>>) target(%dma_start3A_39 : memref<4096xf32, #tpu.memory_space<hbm>>) target_semaphore(%run_scoped3A_36 : memref<!tpu.dma_semaphore, #tpu.memory_space<semaphore_mem>>)
      %dma_wait3A = tpu.memref_slice %arg7[%shift_right_arithmetic3A_1, %run_scoped3A_33, %mul3A_4] : memref<8x9x16384xf32, #tpu.memory_space<hbm>> -> memref<1x1x4096xf32, #tpu.memory_space<hbm>>
      %dma_wait3A_40 = tpu.memref_squeeze %dma_wait3A : memref<1x1x4096xf32, #tpu.memory_space<hbm>> -> memref<4096xf32, #tpu.memory_space<hbm>>
      %dma_wait3A_41 = tpu.memref_slice %arg7[%shift_right_arithmetic3A_1, %run_scoped3A_33, %mul3A_4] : memref<8x9x16384xf32, #tpu.memory_space<hbm>> -> memref<1x1x4096xf32, #tpu.memory_space<hbm>>
      %dma_wait3A_42 = tpu.memref_squeeze %dma_wait3A_41 : memref<1x1x4096xf32, #tpu.memory_space<hbm>> -> memref<4096xf32, #tpu.memory_space<hbm>>
      tpu.wait_dma2 semaphore(%run_scoped3A_36 : memref<!tpu.dma_semaphore, #tpu.memory_space<semaphore_mem>>) src(%arg13 : memref<4096xf32, #tpu.memory_space<vmem>>) dst(%dma_wait3A_42 : memref<4096xf32, #tpu.memory_space<hbm>>)
      tpu.yield
    }) : () -> ()
    %run_scoped3A_34 = arith.constant 7 : i32
    "tpu.region"() ({
      %run_scoped3A_36 = tpu.sem_alloc : memref<!tpu.dma_semaphore, #tpu.memory_space<semaphore_mem>>
      %dma_start3A = tpu.memref_slice %arg7[%shift_right_arithmetic3A_1, %run_scoped3A_34, %mul3A_4] : memref<8x9x16384xf32, #tpu.memory_space<hbm>> -> memref<1x1x4096xf32, #tpu.memory_space<hbm>>
      %dma_start3A_37 = tpu.memref_squeeze %dma_start3A : memref<1x1x4096xf32, #tpu.memory_space<hbm>> -> memref<4096xf32, #tpu.memory_space<hbm>>
      %dma_start3A_38 = tpu.memref_slice %arg7[%shift_right_arithmetic3A_1, %run_scoped3A_34, %mul3A_4] : memref<8x9x16384xf32, #tpu.memory_space<hbm>> -> memref<1x1x4096xf32, #tpu.memory_space<hbm>>
      %dma_start3A_39 = tpu.memref_squeeze %dma_start3A_38 : memref<1x1x4096xf32, #tpu.memory_space<hbm>> -> memref<4096xf32, #tpu.memory_space<hbm>>
      tpu.enqueue_dma source(%arg14 : memref<4096xf32, #tpu.memory_space<vmem>>) target(%dma_start3A_39 : memref<4096xf32, #tpu.memory_space<hbm>>) target_semaphore(%run_scoped3A_36 : memref<!tpu.dma_semaphore, #tpu.memory_space<semaphore_mem>>)
      %dma_wait3A = tpu.memref_slice %arg7[%shift_right_arithmetic3A_1, %run_scoped3A_34, %mul3A_4] : memref<8x9x16384xf32, #tpu.memory_space<hbm>> -> memref<1x1x4096xf32, #tpu.memory_space<hbm>>
      %dma_wait3A_40 = tpu.memref_squeeze %dma_wait3A : memref<1x1x4096xf32, #tpu.memory_space<hbm>> -> memref<4096xf32, #tpu.memory_space<hbm>>
      %dma_wait3A_41 = tpu.memref_slice %arg7[%shift_right_arithmetic3A_1, %run_scoped3A_34, %mul3A_4] : memref<8x9x16384xf32, #tpu.memory_space<hbm>> -> memref<1x1x4096xf32, #tpu.memory_space<hbm>>
      %dma_wait3A_42 = tpu.memref_squeeze %dma_wait3A_41 : memref<1x1x4096xf32, #tpu.memory_space<hbm>> -> memref<4096xf32, #tpu.memory_space<hbm>>
      tpu.wait_dma2 semaphore(%run_scoped3A_36 : memref<!tpu.dma_semaphore, #tpu.memory_space<semaphore_mem>>) src(%arg14 : memref<4096xf32, #tpu.memory_space<vmem>>) dst(%dma_wait3A_42 : memref<4096xf32, #tpu.memory_space<hbm>>)
      tpu.yield
    }) : () -> ()
    %run_scoped3A_35 = arith.constant 8 : i32
    "tpu.region"() ({
      %run_scoped3A_36 = tpu.sem_alloc : memref<!tpu.dma_semaphore, #tpu.memory_space<semaphore_mem>>
      %dma_start3A = tpu.memref_slice %arg7[%shift_right_arithmetic3A_1, %run_scoped3A_35, %mul3A_4] : memref<8x9x16384xf32, #tpu.memory_space<hbm>> -> memref<1x1x4096xf32, #tpu.memory_space<hbm>>
      %dma_start3A_37 = tpu.memref_squeeze %dma_start3A : memref<1x1x4096xf32, #tpu.memory_space<hbm>> -> memref<4096xf32, #tpu.memory_space<hbm>>
      %dma_start3A_38 = tpu.memref_slice %arg7[%shift_right_arithmetic3A_1, %run_scoped3A_35, %mul3A_4] : memref<8x9x16384xf32, #tpu.memory_space<hbm>> -> memref<1x1x4096xf32, #tpu.memory_space<hbm>>
      %dma_start3A_39 = tpu.memref_squeeze %dma_start3A_38 : memref<1x1x4096xf32, #tpu.memory_space<hbm>> -> memref<4096xf32, #tpu.memory_space<hbm>>
      tpu.enqueue_dma source(%arg15 : memref<4096xf32, #tpu.memory_space<vmem>>) target(%dma_start3A_39 : memref<4096xf32, #tpu.memory_space<hbm>>) target_semaphore(%run_scoped3A_36 : memref<!tpu.dma_semaphore, #tpu.memory_space<semaphore_mem>>)
      %dma_wait3A = tpu.memref_slice %arg7[%shift_right_arithmetic3A_1, %run_scoped3A_35, %mul3A_4] : memref<8x9x16384xf32, #tpu.memory_space<hbm>> -> memref<1x1x4096xf32, #tpu.memory_space<hbm>>
      %dma_wait3A_40 = tpu.memref_squeeze %dma_wait3A : memref<1x1x4096xf32, #tpu.memory_space<hbm>> -> memref<4096xf32, #tpu.memory_space<hbm>>
      %dma_wait3A_41 = tpu.memref_slice %arg7[%shift_right_arithmetic3A_1, %run_scoped3A_35, %mul3A_4] : memref<8x9x16384xf32, #tpu.memory_space<hbm>> -> memref<1x1x4096xf32, #tpu.memory_space<hbm>>
      %dma_wait3A_42 = tpu.memref_squeeze %dma_wait3A_41 : memref<1x1x4096xf32, #tpu.memory_space<hbm>> -> memref<4096xf32, #tpu.memory_space<hbm>>
      tpu.wait_dma2 semaphore(%run_scoped3A_36 : memref<!tpu.dma_semaphore, #tpu.memory_space<semaphore_mem>>) src(%arg15 : memref<4096xf32, #tpu.memory_space<vmem>>) dst(%dma_wait3A_42 : memref<4096xf32, #tpu.memory_space<hbm>>)
      tpu.yield
    }) : () -> ()
    return
  }
}

module attributes {stable_mosaic.version = 14 : i64} {
  func.func @_t1_body(%arg0: i32, %arg1: i32, %arg2: memref<1x9x2048xf32, #tpu.memory_space<vmem>>, %arg3: memref<1x1x2048xf32, #tpu.memory_space<vmem>>) attributes {dimension_semantics = [#tpu.dimension_semantics<arbitrary>, #tpu.dimension_semantics<arbitrary>], iteration_bounds = array<i64: 8, 10>, scalar_prefetch = 0 : i64, scratch_operands = 0 : i64, tpu.core_type = #tpu.core_type<tc>, window_params = [{transform_indices = @transform_0, window_bounds = array<i64: 1, 9, 2048>}, {transform_indices = @transform_1, window_bounds = array<i64: 1, 1, 2048>}]} {
    %get3A = arith.constant 0 : index
    %get3A_0 = arith.constant 0 : index
    %get3A_1 = arith.constant 0 : index
    %get3A_2 = vector.load %arg2[%get3A, %get3A_0, %get3A_1] : memref<1x9x2048xf32, #tpu.memory_space<vmem>>, vector<1x9x2048xf32>
    %get3A_3 = vector.shape_cast %get3A_2 : vector<1x9x2048xf32> to vector<9x2048xf32>
    %slice3A = vector.extract_strided_slice %get3A_3 {offsets = [3, 0], sizes = [1, 2048], strides = [1, 1]} : vector<9x2048xf32> to vector<1x2048xf32>
    %slice3A_4 = vector.extract_strided_slice %get3A_3 {offsets = [0, 0], sizes = [1, 2048], strides = [1, 1]} : vector<9x2048xf32> to vector<1x2048xf32>
    %sub3A = arith.subf %slice3A, %slice3A_4 : vector<1x2048xf32>
    %slice3A_5 = vector.extract_strided_slice %get3A_3 {offsets = [4, 0], sizes = [1, 2048], strides = [1, 1]} : vector<9x2048xf32> to vector<1x2048xf32>
    %slice3A_6 = vector.extract_strided_slice %get3A_3 {offsets = [1, 0], sizes = [1, 2048], strides = [1, 1]} : vector<9x2048xf32> to vector<1x2048xf32>
    %sub3A_7 = arith.subf %slice3A_5, %slice3A_6 : vector<1x2048xf32>
    %slice3A_8 = vector.extract_strided_slice %get3A_3 {offsets = [5, 0], sizes = [1, 2048], strides = [1, 1]} : vector<9x2048xf32> to vector<1x2048xf32>
    %slice3A_9 = vector.extract_strided_slice %get3A_3 {offsets = [2, 0], sizes = [1, 2048], strides = [1, 1]} : vector<9x2048xf32> to vector<1x2048xf32>
    %sub3A_10 = arith.subf %slice3A_8, %slice3A_9 : vector<1x2048xf32>
    %slice3A_11 = vector.extract_strided_slice %get3A_3 {offsets = [6, 0], sizes = [1, 2048], strides = [1, 1]} : vector<9x2048xf32> to vector<1x2048xf32>
    %slice3A_12 = vector.extract_strided_slice %get3A_3 {offsets = [0, 0], sizes = [1, 2048], strides = [1, 1]} : vector<9x2048xf32> to vector<1x2048xf32>
    %sub3A_13 = arith.subf %slice3A_11, %slice3A_12 : vector<1x2048xf32>
    %slice3A_14 = vector.extract_strided_slice %get3A_3 {offsets = [7, 0], sizes = [1, 2048], strides = [1, 1]} : vector<9x2048xf32> to vector<1x2048xf32>
    %slice3A_15 = vector.extract_strided_slice %get3A_3 {offsets = [1, 0], sizes = [1, 2048], strides = [1, 1]} : vector<9x2048xf32> to vector<1x2048xf32>
    %sub3A_16 = arith.subf %slice3A_14, %slice3A_15 : vector<1x2048xf32>
    %slice3A_17 = vector.extract_strided_slice %get3A_3 {offsets = [8, 0], sizes = [1, 2048], strides = [1, 1]} : vector<9x2048xf32> to vector<1x2048xf32>
    %slice3A_18 = vector.extract_strided_slice %get3A_3 {offsets = [2, 0], sizes = [1, 2048], strides = [1, 1]} : vector<9x2048xf32> to vector<1x2048xf32>
    %sub3A_19 = arith.subf %slice3A_17, %slice3A_18 : vector<1x2048xf32>
    %mul3A = arith.mulf %sub3A_7, %sub3A_19 : vector<1x2048xf32>
    %mul3A_20 = arith.mulf %sub3A_10, %sub3A_16 : vector<1x2048xf32>
    %sub3A_21 = arith.subf %mul3A, %mul3A_20 : vector<1x2048xf32>
    %mul3A_22 = arith.mulf %sub3A_10, %sub3A_13 : vector<1x2048xf32>
    %mul3A_23 = arith.mulf %sub3A, %sub3A_19 : vector<1x2048xf32>
    %sub3A_24 = arith.subf %mul3A_22, %mul3A_23 : vector<1x2048xf32>
    %mul3A_25 = arith.mulf %sub3A, %sub3A_16 : vector<1x2048xf32>
    %mul3A_26 = arith.mulf %sub3A_7, %sub3A_13 : vector<1x2048xf32>
    %sub3A_27 = arith.subf %mul3A_25, %mul3A_26 : vector<1x2048xf32>
    %mul3A_28 = arith.mulf %sub3A_21, %sub3A_21 : vector<1x2048xf32>
    %mul3A_29 = arith.mulf %sub3A_24, %sub3A_24 : vector<1x2048xf32>
    %add3A = arith.addf %mul3A_28, %mul3A_29 : vector<1x2048xf32>
    %mul3A_30 = arith.mulf %sub3A_27, %sub3A_27 : vector<1x2048xf32>
    %add3A_31 = arith.addf %add3A, %mul3A_30 : vector<1x2048xf32>
    %sqrt3A = math.sqrt %add3A_31 : vector<1x2048xf32>
    %mul3A_32 = arith.constant 5.000000e-01 : f32
    %mul3A_33 = vector.broadcast %mul3A_32 : f32 to vector<1x2048xf32>
    %mul3A_34 = arith.mulf %sqrt3A, %mul3A_33 : vector<1x2048xf32>
    %max3A = arith.constant 1.000000e-30 : f32
    %max3A_35 = vector.broadcast %max3A : f32 to vector<1x2048xf32>
    %max3A_36 = arith.maximumf %mul3A_34, %max3A_35 : vector<1x2048xf32>
    %log3A = math.log %max3A_36 : vector<1x2048xf32>
    %mul3A_37 = arith.constant 2048 : i32
    %mul3A_38 = arith.muli %arg1, %mul3A_37 : i32
    %iota3A = tpu.iota {dimensions = array<i32: 1>} : vector<1x2048xi32>
    %add3A_39 = vector.broadcast %mul3A_38 : i32 to vector<1x2048xi32>
    %add3A_40 = arith.addi %add3A_39, %iota3A : vector<1x2048xi32>
    %lt3A = arith.constant 20000 : i32
    %lt3A_41 = vector.broadcast %lt3A : i32 to vector<1x2048xi32>
    %lt3A_42 = arith.cmpi slt, %add3A_40, %lt3A_41 : vector<1x2048xi32>
    %jit3A = arith.constant -1.000000e+30 : f32
    %broadcast_in_dim3A = vector.broadcast %jit3A : f32 to vector<1x2048xf32>
    %select_n3A = arith.select %lt3A_42, %log3A, %broadcast_in_dim3A : vector<1x2048xi1>, vector<1x2048xf32>
    %swap3A = arith.constant 0 : index
    %swap3A_43 = arith.constant 0 : index
    %swap3A_44 = arith.constant 0 : index
    %swap3A_45 = vector.load %arg3[%swap3A, %swap3A_43, %swap3A_44] : memref<1x1x2048xf32, #tpu.memory_space<vmem>>, vector<1x1x2048xf32>
    %swap3A_46 = vector.shape_cast %swap3A_45 : vector<1x1x2048xf32> to vector<1x2048xf32>
    %swap3A_47 = vector.shape_cast %select_n3A : vector<1x2048xf32> to vector<1x1x2048xf32>
    tpu.vector_store %arg3[%swap3A, %swap3A_43, %swap3A_44], %swap3A_47 {strides = array<i32>} : memref<1x1x2048xf32, #tpu.memory_space<vmem>>, vector<1x1x2048xf32>,
    return
  }
  func.func @transform_0(%arg0: i32, %arg1: i32) -> (i32, i32, i32) {
    %c0_i32 = arith.constant 0 : i32
    %c0_i32_0 = arith.constant 0 : i32
    return %arg0, %c0_i32, %arg1 : i32, i32, i32
  }
  func.func @transform_1(%arg0: i32, %arg1: i32) -> (i32, i32, i32) {
    %mul3A = arith.constant 10 : i32
    %mul3A_0 = arith.muli %arg0, %mul3A : i32
    %add3A = arith.addi %mul3A_0, %arg1 : i32
    %c0_i32 = arith.constant 0 : i32
    %c0_i32_1 = arith.constant 0 : i32
    %c0_i32_2 = arith.constant 0 : i32
    return %add3A, %c0_i32, %c0_i32_1 : i32, i32, i32
  }
}

module attributes {stable_mosaic.version = 14 : i64} {
  func.func @_t2_body(%arg0: i32, %arg1: i32, %arg2: memref<8x2xi32, #tpu.memory_space<smem>>, %arg3: memref<1x10x2048xf32, #tpu.memory_space<vmem>>, %arg4: memref<1x8x1xi32, #tpu.memory_space<vmem>>) attributes {dimension_semantics = [#tpu.dimension_semantics<arbitrary>, #tpu.dimension_semantics<arbitrary>], iteration_bounds = array<i64: 8, 2048>, scalar_prefetch = 0 : i64, scratch_operands = 0 : i64, tpu.core_type = #tpu.core_type<tc>, window_params = [{transform_indices = @transform_0, window_bounds = array<i64: 8, 2>}, {transform_indices = @transform_1, window_bounds = array<i64: 1, 10, 2048>}, {transform_indices = @transform_2, window_bounds = array<i64: 1, 8, 1>}]} {
    %mul3A = arith.constant 8 : i32
    %mul3A_0 = arith.muli %arg1, %mul3A : i32
    %get3A = arith.index_cast %arg0 : i32 to index
    %get3A_1 = arith.constant 0 : index
    %get3A_2 = memref.load %arg2[%get3A, %get3A_1] : memref<8x2xi32, #tpu.memory_space<smem>>
    %get3A_3 = arith.index_cast %arg0 : i32 to index
    %get3A_4 = arith.constant 1 : index
    %get3A_5 = memref.load %arg2[%get3A_3, %get3A_4] : memref<8x2xi32, #tpu.memory_space<smem>>
    %iota3A = tpu.iota {dimensions = array<i32: 0>} : vector<8x1xi32>
    %add3A = vector.broadcast %mul3A_0 : i32 to vector<8x1xi32>
    %add3A_6 = arith.addi %add3A, %iota3A : vector<8x1xi32>
    %mul3A_7 = arith.constant 20000 : i32
    %mul3A_8 = vector.broadcast %mul3A_7 : i32 to vector<8x1xi32>
    %mul3A_9 = arith.muli %add3A_6, %mul3A_8 : vector<8x1xi32>
    %iota3A_10 = tpu.iota {dimensions = array<i32: 1>} : vector<8x2048xi32>
    %iota3A_11 = tpu.iota {dimensions = array<i32: 1>} : vector<8x2048xi32>
    %broadcast_in_dim3A = arith.constant 0xFF800000 : f32
    %broadcast_in_dim3A_12 = vector.broadcast %broadcast_in_dim3A : f32 to vector<8x2048xf32>
    %broadcast_in_dim3A_13 = arith.constant 0 : i32
    %broadcast_in_dim3A_14 = vector.broadcast %broadcast_in_dim3A_13 : i32 to vector<8x2048xi32>
    %add3A_15 = vector.broadcast %mul3A_9 : vector<8x1xi32> to vector<8x2048xi32>
    %add3A_16 = arith.addi %add3A_15, %iota3A_10 : vector<8x2048xi32>
    %scan3A = arith.constant 0 : i32
    %scan3A_17 = arith.constant 10 : i32
    %scan3A_18 = arith.addi %scan3A, %scan3A_17 : i32
    %scan3A_19 = arith.constant 1 : i32
    %scan3A_20:3 = scf.for %scan3A_37 = %scan3A to %scan3A_18 step %scan3A_19 iter_args(%scan3A_38 = %broadcast_in_dim3A_12, %scan3A_39 = %broadcast_in_dim3A_14, %scan3A_40 = %add3A_16) -> (vector<8x2048xf32>, vector<8x2048xi32>, vector<8x2048xi32>)  : i32 {
      %xor3A = arith.xori %get3A_2, %get3A_5 : i32
      %xor3A_41 = arith.constant 466688986 : i32
      %xor3A_42 = arith.xori %xor3A, %xor3A_41 : i32
      %broadcast_in_dim3A_43 = arith.constant 0 : i32
      %broadcast_in_dim3A_44 = vector.broadcast %broadcast_in_dim3A_43 : i32 to vector<8x2048xi32>
      %add3A_45 = vector.broadcast %get3A_2 : i32 to vector<8x2048xi32>
      %add3A_46 = arith.addi %broadcast_in_dim3A_44, %add3A_45 : vector<8x2048xi32>
      %add3A_47 = vector.broadcast %get3A_5 : i32 to vector<8x2048xi32>
      %add3A_48 = arith.addi %scan3A_40, %add3A_47 : vector<8x2048xi32>
      %add3A_49 = arith.addi %add3A_46, %add3A_48 : vector<8x2048xi32>
      %shift_left3A = arith.constant 13 : i32
      %shift_left3A_50 = vector.broadcast %shift_left3A : i32 to vector<8x2048xi32>
      %shift_left3A_51 = arith.shli %add3A_48, %shift_left3A_50 : vector<8x2048xi32>
      %shift_right_logical3A = arith.constant 19 : i32
      %shift_right_logical3A_52 = vector.broadcast %shift_right_logical3A : i32 to vector<8x2048xi32>
      %shift_right_logical3A_53 = arith.shrui %add3A_48, %shift_right_logical3A_52 : vector<8x2048xi32>
      %or3A = arith.ori %shift_left3A_51, %shift_right_logical3A_53 : vector<8x2048xi32>
      %xor3A_54 = arith.xori %add3A_49, %or3A : vector<8x2048xi32>
      %add3A_55 = arith.addi %add3A_49, %xor3A_54 : vector<8x2048xi32>
      %shift_left3A_56 = arith.constant 15 : i32
      %shift_left3A_57 = vector.broadcast %shift_left3A_56 : i32 to vector<8x2048xi32>
      %shift_left3A_58 = arith.shli %xor3A_54, %shift_left3A_57 : vector<8x2048xi32>
      %shift_right_logical3A_59 = arith.constant 17 : i32
      %shift_right_logical3A_60 = vector.broadcast %shift_right_logical3A_59 : i32 to vector<8x2048xi32>
      %shift_right_logical3A_61 = arith.shrui %xor3A_54, %shift_right_logical3A_60 : vector<8x2048xi32>
      %or3A_62 = arith.ori %shift_left3A_58, %shift_right_logical3A_61 : vector<8x2048xi32>
      %xor3A_63 = arith.xori %add3A_55, %or3A_62 : vector<8x2048xi32>
      %add3A_64 = arith.addi %add3A_55, %xor3A_63 : vector<8x2048xi32>
      %shift_left3A_65 = arith.constant 26 : i32
      %shift_left3A_66 = vector.broadcast %shift_left3A_65 : i32 to vector<8x2048xi32>
      %shift_left3A_67 = arith.shli %xor3A_63, %shift_left3A_66 : vector<8x2048xi32>
      %shift_right_logical3A_68 = arith.constant 6 : i32
      %shift_right_logical3A_69 = vector.broadcast %shift_right_logical3A_68 : i32 to vector<8x2048xi32>
      %shift_right_logical3A_70 = arith.shrui %xor3A_63, %shift_right_logical3A_69 : vector<8x2048xi32>
      %or3A_71 = arith.ori %shift_left3A_67, %shift_right_logical3A_70 : vector<8x2048xi32>
      %xor3A_72 = arith.xori %add3A_64, %or3A_71 : vector<8x2048xi32>
      %add3A_73 = arith.addi %add3A_64, %xor3A_72 : vector<8x2048xi32>
      %shift_left3A_74 = arith.constant 6 : i32
      %shift_left3A_75 = vector.broadcast %shift_left3A_74 : i32 to vector<8x2048xi32>
      %shift_left3A_76 = arith.shli %xor3A_72, %shift_left3A_75 : vector<8x2048xi32>
      %shift_right_logical3A_77 = arith.constant 26 : i32
      %shift_right_logical3A_78 = vector.broadcast %shift_right_logical3A_77 : i32 to vector<8x2048xi32>
      %shift_right_logical3A_79 = arith.shrui %xor3A_72, %shift_right_logical3A_78 : vector<8x2048xi32>
      %or3A_80 = arith.ori %shift_left3A_76, %shift_right_logical3A_79 : vector<8x2048xi32>
      %xor3A_81 = arith.xori %add3A_73, %or3A_80 : vector<8x2048xi32>
      %add3A_82 = vector.broadcast %get3A_5 : i32 to vector<8x2048xi32>
      %add3A_83 = arith.addi %add3A_73, %add3A_82 : vector<8x2048xi32>
      %add3A_84 = arith.constant 1 : i32
      %add3A_85 = arith.addi %xor3A_42, %add3A_84 : i32
      %add3A_86 = vector.broadcast %add3A_85 : i32 to vector<8x2048xi32>
      %add3A_87 = arith.addi %xor3A_81, %add3A_86 : vector<8x2048xi32>
      %add3A_88 = arith.addi %add3A_83, %add3A_87 : vector<8x2048xi32>
      %shift_left3A_89 = arith.constant 17 : i32
      %shift_left3A_90 = vector.broadcast %shift_left3A_89 : i32 to vector<8x2048xi32>
      %shift_left3A_91 = arith.shli %add3A_87, %shift_left3A_90 : vector<8x2048xi32>
      %shift_right_logical3A_92 = arith.constant 15 : i32
      %shift_right_logical3A_93 = vector.broadcast %shift_right_logical3A_92 : i32 to vector<8x2048xi32>
      %shift_right_logical3A_94 = arith.shrui %add3A_87, %shift_right_logical3A_93 : vector<8x2048xi32>
      %or3A_95 = arith.ori %shift_left3A_91, %shift_right_logical3A_94 : vector<8x2048xi32>
      %xor3A_96 = arith.xori %add3A_88, %or3A_95 : vector<8x2048xi32>
      %add3A_97 = arith.addi %add3A_88, %xor3A_96 : vector<8x2048xi32>
      %shift_left3A_98 = arith.constant 29 : i32
      %shift_left3A_99 = vector.broadcast %shift_left3A_98 : i32 to vector<8x2048xi32>
      %shift_left3A_100 = arith.shli %xor3A_96, %shift_left3A_99 : vector<8x2048xi32>
      %shift_right_logical3A_101 = arith.constant 3 : i32
      %shift_right_logical3A_102 = vector.broadcast %shift_right_logical3A_101 : i32 to vector<8x2048xi32>
      %shift_right_logical3A_103 = arith.shrui %xor3A_96, %shift_right_logical3A_102 : vector<8x2048xi32>
      %or3A_104 = arith.ori %shift_left3A_100, %shift_right_logical3A_103 : vector<8x2048xi32>
      %xor3A_105 = arith.xori %add3A_97, %or3A_104 : vector<8x2048xi32>
      %add3A_106 = arith.addi %add3A_97, %xor3A_105 : vector<8x2048xi32>
      %shift_left3A_107 = arith.constant 16 : i32
      %shift_left3A_108 = vector.broadcast %shift_left3A_107 : i32 to vector<8x2048xi32>
      %shift_left3A_109 = arith.shli %xor3A_105, %shift_left3A_108 : vector<8x2048xi32>
      %shift_right_logical3A_110 = arith.constant 16 : i32
      %shift_right_logical3A_111 = vector.broadcast %shift_right_logical3A_110 : i32 to vector<8x2048xi32>
      %shift_right_logical3A_112 = arith.shrui %xor3A_105, %shift_right_logical3A_111 : vector<8x2048xi32>
      %or3A_113 = arith.ori %shift_left3A_109, %shift_right_logical3A_112 : vector<8x2048xi32>
      %xor3A_114 = arith.xori %add3A_106, %or3A_113 : vector<8x2048xi32>
      %add3A_115 = arith.addi %add3A_106, %xor3A_114 : vector<8x2048xi32>
      %shift_left3A_116 = arith.constant 24 : i32
      %shift_left3A_117 = vector.broadcast %shift_left3A_116 : i32 to vector<8x2048xi32>
      %shift_left3A_118 = arith.shli %xor3A_114, %shift_left3A_117 : vector<8x2048xi32>
      %shift_right_logical3A_119 = arith.constant 8 : i32
      %shift_right_logical3A_120 = vector.broadcast %shift_right_logical3A_119 : i32 to vector<8x2048xi32>
      %shift_right_logical3A_121 = arith.shrui %xor3A_114, %shift_right_logical3A_120 : vector<8x2048xi32>
      %or3A_122 = arith.ori %shift_left3A_118, %shift_right_logical3A_121 : vector<8x2048xi32>
      %xor3A_123 = arith.xori %add3A_115, %or3A_122 : vector<8x2048xi32>
      %add3A_124 = vector.broadcast %xor3A_42 : i32 to vector<8x2048xi32>
      %add3A_125 = arith.addi %add3A_115, %add3A_124 : vector<8x2048xi32>
      %add3A_126 = arith.constant 2 : i32
      %add3A_127 = arith.addi %get3A_2, %add3A_126 : i32
      %add3A_128 = vector.broadcast %add3A_127 : i32 to vector<8x2048xi32>
      %add3A_129 = arith.addi %xor3A_123, %add3A_128 : vector<8x2048xi32>
      %add3A_130 = arith.addi %add3A_125, %add3A_129 : vector<8x2048xi32>
      %shift_left3A_131 = arith.constant 13 : i32
      %shift_left3A_132 = vector.broadcast %shift_left3A_131 : i32 to vector<8x2048xi32>
      %shift_left3A_133 = arith.shli %add3A_129, %shift_left3A_132 : vector<8x2048xi32>
      %shift_right_logical3A_134 = arith.constant 19 : i32
      %shift_right_logical3A_135 = vector.broadcast %shift_right_logical3A_134 : i32 to vector<8x2048xi32>
      %shift_right_logical3A_136 = arith.shrui %add3A_129, %shift_right_logical3A_135 : vector<8x2048xi32>
      %or3A_137 = arith.ori %shift_left3A_133, %shift_right_logical3A_136 : vector<8x2048xi32>
      %xor3A_138 = arith.xori %add3A_130, %or3A_137 : vector<8x2048xi32>
      %add3A_139 = arith.addi %add3A_130, %xor3A_138 : vector<8x2048xi32>
      %shift_left3A_140 = arith.constant 15 : i32
      %shift_left3A_141 = vector.broadcast %shift_left3A_140 : i32 to vector<8x2048xi32>
      %shift_left3A_142 = arith.shli %xor3A_138, %shift_left3A_141 : vector<8x2048xi32>
      %shift_right_logical3A_143 = arith.constant 17 : i32
      %shift_right_logical3A_144 = vector.broadcast %shift_right_logical3A_143 : i32 to vector<8x2048xi32>
      %shift_right_logical3A_145 = arith.shrui %xor3A_138, %shift_right_logical3A_144 : vector<8x2048xi32>
      %or3A_146 = arith.ori %shift_left3A_142, %shift_right_logical3A_145 : vector<8x2048xi32>
      %xor3A_147 = arith.xori %add3A_139, %or3A_146 : vector<8x2048xi32>
      %add3A_148 = arith.addi %add3A_139, %xor3A_147 : vector<8x2048xi32>
      %shift_left3A_149 = arith.constant 26 : i32
      %shift_left3A_150 = vector.broadcast %shift_left3A_149 : i32 to vector<8x2048xi32>
      %shift_left3A_151 = arith.shli %xor3A_147, %shift_left3A_150 : vector<8x2048xi32>
      %shift_right_logical3A_152 = arith.constant 6 : i32
      %shift_right_logical3A_153 = vector.broadcast %shift_right_logical3A_152 : i32 to vector<8x2048xi32>
      %shift_right_logical3A_154 = arith.shrui %xor3A_147, %shift_right_logical3A_153 : vector<8x2048xi32>
      %or3A_155 = arith.ori %shift_left3A_151, %shift_right_logical3A_154 : vector<8x2048xi32>
      %xor3A_156 = arith.xori %add3A_148, %or3A_155 : vector<8x2048xi32>
      %add3A_157 = arith.addi %add3A_148, %xor3A_156 : vector<8x2048xi32>
      %shift_left3A_158 = arith.constant 6 : i32
      %shift_left3A_159 = vector.broadcast %shift_left3A_158 : i32 to vector<8x2048xi32>
      %shift_left3A_160 = arith.shli %xor3A_156, %shift_left3A_159 : vector<8x2048xi32>
      %shift_right_logical3A_161 = arith.constant 26 : i32
      %shift_right_logical3A_162 = vector.broadcast %shift_right_logical3A_161 : i32 to vector<8x2048xi32>
      %shift_right_logical3A_163 = arith.shrui %xor3A_156, %shift_right_logical3A_162 : vector<8x2048xi32>
      %or3A_164 = arith.ori %shift_left3A_160, %shift_right_logical3A_163 : vector<8x2048xi32>
      %xor3A_165 = arith.xori %add3A_157, %or3A_164 : vector<8x2048xi32>
      %add3A_166 = vector.broadcast %get3A_2 : i32 to vector<8x2048xi32>
      %add3A_167 = arith.addi %add3A_157, %add3A_166 : vector<8x2048xi32>
      %add3A_168 = arith.constant 3 : i32
      %add3A_169 = arith.addi %get3A_5, %add3A_168 : i32
      %add3A_170 = vector.broadcast %add3A_169 : i32 to vector<8x2048xi32>
      %add3A_171 = arith.addi %xor3A_165, %add3A_170 : vector<8x2048xi32>
      %add3A_172 = arith.addi %add3A_167, %add3A_171 : vector<8x2048xi32>
      %shift_left3A_173 = arith.constant 17 : i32
      %shift_left3A_174 = vector.broadcast %shift_left3A_173 : i32 to vector<8x2048xi32>
      %shift_left3A_175 = arith.shli %add3A_171, %shift_left3A_174 : vector<8x2048xi32>
      %shift_right_logical3A_176 = arith.constant 15 : i32
      %shift_right_logical3A_177 = vector.broadcast %shift_right_logical3A_176 : i32 to vector<8x2048xi32>
      %shift_right_logical3A_178 = arith.shrui %add3A_171, %shift_right_logical3A_177 : vector<8x2048xi32>
      %or3A_179 = arith.ori %shift_left3A_175, %shift_right_logical3A_178 : vector<8x2048xi32>
      %xor3A_180 = arith.xori %add3A_172, %or3A_179 : vector<8x2048xi32>
      %add3A_181 = arith.addi %add3A_172, %xor3A_180 : vector<8x2048xi32>
      %shift_left3A_182 = arith.constant 29 : i32
      %shift_left3A_183 = vector.broadcast %shift_left3A_182 : i32 to vector<8x2048xi32>
      %shift_left3A_184 = arith.shli %xor3A_180, %shift_left3A_183 : vector<8x2048xi32>
      %shift_right_logical3A_185 = arith.constant 3 : i32
      %shift_right_logical3A_186 = vector.broadcast %shift_right_logical3A_185 : i32 to vector<8x2048xi32>
      %shift_right_logical3A_187 = arith.shrui %xor3A_180, %shift_right_logical3A_186 : vector<8x2048xi32>
      %or3A_188 = arith.ori %shift_left3A_184, %shift_right_logical3A_187 : vector<8x2048xi32>
      %xor3A_189 = arith.xori %add3A_181, %or3A_188 : vector<8x2048xi32>
      %add3A_190 = arith.addi %add3A_181, %xor3A_189 : vector<8x2048xi32>
      %shift_left3A_191 = arith.constant 16 : i32
      %shift_left3A_192 = vector.broadcast %shift_left3A_191 : i32 to vector<8x2048xi32>
      %shift_left3A_193 = arith.shli %xor3A_189, %shift_left3A_192 : vector<8x2048xi32>
      %shift_right_logical3A_194 = arith.constant 16 : i32
      %shift_right_logical3A_195 = vector.broadcast %shift_right_logical3A_194 : i32 to vector<8x2048xi32>
      %shift_right_logical3A_196 = arith.shrui %xor3A_189, %shift_right_logical3A_195 : vector<8x2048xi32>
      %or3A_197 = arith.ori %shift_left3A_193, %shift_right_logical3A_196 : vector<8x2048xi32>
      %xor3A_198 = arith.xori %add3A_190, %or3A_197 : vector<8x2048xi32>
      %add3A_199 = arith.addi %add3A_190, %xor3A_198 : vector<8x2048xi32>
      %shift_left3A_200 = arith.constant 24 : i32
      %shift_left3A_201 = vector.broadcast %shift_left3A_200 : i32 to vector<8x2048xi32>
      %shift_left3A_202 = arith.shli %xor3A_198, %shift_left3A_201 : vector<8x2048xi32>
      %shift_right_logical3A_203 = arith.constant 8 : i32
      %shift_right_logical3A_204 = vector.broadcast %shift_right_logical3A_203 : i32 to vector<8x2048xi32>
      %shift_right_logical3A_205 = arith.shrui %xor3A_198, %shift_right_logical3A_204 : vector<8x2048xi32>
      %or3A_206 = arith.ori %shift_left3A_202, %shift_right_logical3A_205 : vector<8x2048xi32>
      %xor3A_207 = arith.xori %add3A_199, %or3A_206 : vector<8x2048xi32>
      %add3A_208 = vector.broadcast %get3A_5 : i32 to vector<8x2048xi32>
      %add3A_209 = arith.addi %add3A_199, %add3A_208 : vector<8x2048xi32>
      %add3A_210 = arith.constant 4 : i32
      %add3A_211 = arith.addi %xor3A_42, %add3A_210 : i32
      %add3A_212 = vector.broadcast %add3A_211 : i32 to vector<8x2048xi32>
      %add3A_213 = arith.addi %xor3A_207, %add3A_212 : vector<8x2048xi32>
      %add3A_214 = arith.addi %add3A_209, %add3A_213 : vector<8x2048xi32>
      %shift_left3A_215 = arith.constant 13 : i32
      %shift_left3A_216 = vector.broadcast %shift_left3A_215 : i32 to vector<8x2048xi32>
      %shift_left3A_217 = arith.shli %add3A_213, %shift_left3A_216 : vector<8x2048xi32>
      %shift_right_logical3A_218 = arith.constant 19 : i32
      %shift_right_logical3A_219 = vector.broadcast %shift_right_logical3A_218 : i32 to vector<8x2048xi32>
      %shift_right_logical3A_220 = arith.shrui %add3A_213, %shift_right_logical3A_219 : vector<8x2048xi32>
      %or3A_221 = arith.ori %shift_left3A_217, %shift_right_logical3A_220 : vector<8x2048xi32>
      %xor3A_222 = arith.xori %add3A_214, %or3A_221 : vector<8x2048xi32>
      %add3A_223 = arith.addi %add3A_214, %xor3A_222 : vector<8x2048xi32>
      %shift_left3A_224 = arith.constant 15 : i32
      %shift_left3A_225 = vector.broadcast %shift_left3A_224 : i32 to vector<8x2048xi32>
      %shift_left3A_226 = arith.shli %xor3A_222, %shift_left3A_225 : vector<8x2048xi32>
      %shift_right_logical3A_227 = arith.constant 17 : i32
      %shift_right_logical3A_228 = vector.broadcast %shift_right_logical3A_227 : i32 to vector<8x2048xi32>
      %shift_right_logical3A_229 = arith.shrui %xor3A_222, %shift_right_logical3A_228 : vector<8x2048xi32>
      %or3A_230 = arith.ori %shift_left3A_226, %shift_right_logical3A_229 : vector<8x2048xi32>
      %xor3A_231 = arith.xori %add3A_223, %or3A_230 : vector<8x2048xi32>
      %add3A_232 = arith.addi %add3A_223, %xor3A_231 : vector<8x2048xi32>
      %shift_left3A_233 = arith.constant 26 : i32
      %shift_left3A_234 = vector.broadcast %shift_left3A_233 : i32 to vector<8x2048xi32>
      %shift_left3A_235 = arith.shli %xor3A_231, %shift_left3A_234 : vector<8x2048xi32>
      %shift_right_logical3A_236 = arith.constant 6 : i32
      %shift_right_logical3A_237 = vector.broadcast %shift_right_logical3A_236 : i32 to vector<8x2048xi32>
      %shift_right_logical3A_238 = arith.shrui %xor3A_231, %shift_right_logical3A_237 : vector<8x2048xi32>
      %or3A_239 = arith.ori %shift_left3A_235, %shift_right_logical3A_238 : vector<8x2048xi32>
      %xor3A_240 = arith.xori %add3A_232, %or3A_239 : vector<8x2048xi32>
      %add3A_241 = arith.addi %add3A_232, %xor3A_240 : vector<8x2048xi32>
      %shift_left3A_242 = arith.constant 6 : i32
      %shift_left3A_243 = vector.broadcast %shift_left3A_242 : i32 to vector<8x2048xi32>
      %shift_left3A_244 = arith.shli %xor3A_240, %shift_left3A_243 : vector<8x2048xi32>
      %shift_right_logical3A_245 = arith.constant 26 : i32
      %shift_right_logical3A_246 = vector.broadcast %shift_right_logical3A_245 : i32 to vector<8x2048xi32>
      %shift_right_logical3A_247 = arith.shrui %xor3A_240, %shift_right_logical3A_246 : vector<8x2048xi32>
      %or3A_248 = arith.ori %shift_left3A_244, %shift_right_logical3A_247 : vector<8x2048xi32>
      %xor3A_249 = arith.xori %add3A_241, %or3A_248 : vector<8x2048xi32>
      %add3A_250 = vector.broadcast %xor3A_42 : i32 to vector<8x2048xi32>
      %add3A_251 = arith.addi %add3A_241, %add3A_250 : vector<8x2048xi32>
      %add3A_252 = arith.constant 5 : i32
      %add3A_253 = arith.addi %get3A_2, %add3A_252 : i32
      %add3A_254 = vector.broadcast %add3A_253 : i32 to vector<8x2048xi32>
      %add3A_255 = arith.addi %xor3A_249, %add3A_254 : vector<8x2048xi32>
      %xor3A_256 = arith.xori %add3A_251, %add3A_255 : vector<8x2048xi32>
      %shift_right_logical3A_257 = arith.constant 9 : i32
      %shift_right_logical3A_258 = vector.broadcast %shift_right_logical3A_257 : i32 to vector<8x2048xi32>
      %shift_right_logical3A_259 = arith.shrui %xor3A_256, %shift_right_logical3A_258 : vector<8x2048xi32>
      %or3A_260 = arith.constant 1065353216 : i32
      %or3A_261 = vector.broadcast %or3A_260 : i32 to vector<8x2048xi32>
      %or3A_262 = arith.ori %shift_right_logical3A_259, %or3A_261 : vector<8x2048xi32>
      %bitcast_convert_type3A = tpu.bitcast %or3A_262 : vector<8x2048xi32> -> vector<8x2048xf32>
      %sub3A = arith.constant 1.000000e+00 : f32
      %sub3A_263 = vector.broadcast %sub3A : f32 to vector<8x2048xf32>
      %sub3A_264 = arith.subf %bitcast_convert_type3A, %sub3A_263 : vector<8x2048xf32>
      %max3A = arith.constant 1.17549435E-38 : f32
      %max3A_265 = vector.broadcast %max3A : f32 to vector<8x2048xf32>
      %max3A_266 = arith.maximumf %sub3A_264, %max3A_265 : vector<8x2048xf32>
      %log3A = math.log %max3A_266 : vector<8x2048xf32>
      %neg3A = arith.constant 0.000000e+00 : f32
      %neg3A_267 = vector.broadcast %neg3A : f32 to vector<8x2048xf32>
      %neg3A_268 = arith.subf %neg3A_267, %log3A : vector<8x2048xf32>
      %log3A_269 = math.log %neg3A_268 : vector<8x2048xf32>
      %get3A_270 = arith.constant 0 : index
      %get3A_271 = arith.index_cast %scan3A_37 : i32 to index
      %get3A_272 = arith.constant 0 : index
      %get3A_273 = vector.load %arg3[%get3A_270, %get3A_271, %get3A_272] : memref<1x10x2048xf32, #tpu.memory_space<vmem>>, vector<1x1x2048xf32>
      %get3A_274 = vector.shape_cast %get3A_273 : vector<1x1x2048xf32> to vector<2048xf32>
      %broadcast_in_dim3A_275 = vector.shape_cast %get3A_274 : vector<2048xf32> to vector<1x2048xf32>
      %sub3A_276 = vector.broadcast %broadcast_in_dim3A_275 : vector<1x2048xf32> to vector<8x2048xf32>
      %sub3A_277 = arith.subf %sub3A_276, %log3A_269 : vector<8x2048xf32>
      %gt3A = arith.cmpf ogt, %sub3A_277, %scan3A_38 : vector<8x2048xf32>
      %max3A_278 = arith.maximumf %scan3A_38, %sub3A_277 : vector<8x2048xf32>
      %broadcast_in_dim3A_279 = vector.broadcast %scan3A_37 : i32 to vector<8x2048xi32>
      %select_n3A_280 = arith.select %gt3A, %broadcast_in_dim3A_279, %scan3A_39 : vector<8x2048xi1>, vector<8x2048xi32>
      %add3A_281 = arith.constant 2048 : i32
      %add3A_282 = vector.broadcast %add3A_281 : i32 to vector<8x2048xi32>
      %add3A_283 = arith.addi %scan3A_40, %add3A_282 : vector<8x2048xi32>
      scf.yield %max3A_278, %select_n3A_280, %add3A_283 : vector<8x2048xf32>, vector<8x2048xi32>, vector<8x2048xi32>
    }
    %scan3A_21 = arith.constant 10 : i32
    %reduce_max3A = arith.constant dense<0xFF800000> : vector<8xf32>
    %reduce_max3A_22 = vector.multi_reduction <maximumf>, %scan3A_20#0, %reduce_max3A [1] : vector<8x2048xf32> to vector<8xf32>
    %broadcast_in_dim3A_23 = vector.shape_cast %reduce_max3A_22 : vector<8xf32> to vector<8x1xf32>
    %mul3A_24 = arith.constant 2048 : i32
    %mul3A_25 = vector.broadcast %mul3A_24 : i32 to vector<8x2048xi32>
    %mul3A_26 = arith.muli %scan3A_20#1, %mul3A_25 : vector<8x2048xi32>
    %add3A_27 = arith.addi %mul3A_26, %iota3A_11 : vector<8x2048xi32>
    %ge3A = vector.broadcast %broadcast_in_dim3A_23 : vector<8x1xf32> to vector<8x2048xf32>
    %ge3A_28 = arith.cmpf oge, %scan3A_20#0, %ge3A : vector<8x2048xf32>
    %jit3A = arith.constant 2147483647 : i32
    %broadcast_in_dim3A_29 = vector.broadcast %jit3A : i32 to vector<8x2048xi32>
    %select_n3A = arith.select %ge3A_28, %add3A_27, %broadcast_in_dim3A_29 : vector<8x2048xi1>, vector<8x2048xi32>
    %reduce_min3A = arith.constant dense<2147483647> : vector<8xi32>
    %reduce_min3A_30 = vector.multi_reduction <minsi>, %select_n3A, %reduce_min3A [1] : vector<8x2048xi32> to vector<8xi32>
    %broadcast_in_dim3A_31 = vector.shape_cast %reduce_min3A_30 : vector<8xi32> to vector<8x1xi32>
    %swap3A = arith.constant 0 : index
    %swap3A_32 = arith.constant 0 : index
    %swap3A_33 = arith.constant 0 : index
    %swap3A_34 = vector.load %arg4[%swap3A, %swap3A_32, %swap3A_33] : memref<1x8x1xi32, #tpu.memory_space<vmem>>, vector<1x8x1xi32>
    %swap3A_35 = vector.shape_cast %swap3A_34 : vector<1x8x1xi32> to vector<8x1xi32>
    %swap3A_36 = vector.shape_cast %broadcast_in_dim3A_31 : vector<8x1xi32> to vector<1x8x1xi32>
    tpu.vector_store %arg4[%swap3A, %swap3A_32, %swap3A_33], %swap3A_36 {strides = array<i32>} : memref<1x8x1xi32, #tpu.memory_space<vmem>>, vector<1x8x1xi32>,
    return
  }
  func.func @transform_0(%arg0: i32, %arg1: i32) -> (i32, i32) {
    %c0_i32 = arith.constant 0 : i32
    %c0_i32_0 = arith.constant 0 : i32
    %c0_i32_1 = arith.constant 0 : i32
    return %c0_i32, %c0_i32_0 : i32, i32
  }
  func.func @transform_1(%arg0: i32, %arg1: i32) -> (i32, i32, i32) {
    %c0_i32 = arith.constant 0 : i32
    %c0_i32_0 = arith.constant 0 : i32
    %c0_i32_1 = arith.constant 0 : i32
    return %arg0, %c0_i32, %c0_i32_0 : i32, i32, i32
  }
  func.func @transform_2(%arg0: i32, %arg1: i32) -> (i32, i32, i32) {
    %mul3A = arith.constant 2048 : i32
    %mul3A_0 = arith.muli %arg0, %mul3A : i32
    %add3A = arith.addi %mul3A_0, %arg1 : i32
    %c0_i32 = arith.constant 0 : i32
    %c0_i32_1 = arith.constant 0 : i32
    %c0_i32_2 = arith.constant 0 : i32
    return %add3A, %c0_i32, %c0_i32_1 : i32, i32, i32
  }
}

module attributes {stable_mosaic.version = 14 : i64} {
  func.func @_t3_body(%arg0: i32, %arg1: i32, %arg2: memref<8x4xi32, #tpu.memory_space<smem>>, %arg3: memref<1x9x2048xf32, #tpu.memory_space<vmem>>, %arg4: memref<1x3x2048xf32, #tpu.memory_space<vmem>>, %arg5: memref<1x3x2048xf32, #tpu.memory_space<vmem>>) attributes {dimension_semantics = [#tpu.dimension_semantics<arbitrary>, #tpu.dimension_semantics<arbitrary>], iteration_bounds = array<i64: 8, 8>, scalar_prefetch = 0 : i64, scratch_operands = 0 : i64, tpu.core_type = #tpu.core_type<tc>, window_params = [{transform_indices = @transform_0, window_bounds = array<i64: 8, 4>}, {transform_indices = @transform_1, window_bounds = array<i64: 1, 9, 2048>}, {transform_indices = @transform_2, window_bounds = array<i64: 1, 3, 2048>}, {transform_indices = @transform_3, window_bounds = array<i64: 1, 3, 2048>}]} {
    %mul3A = arith.constant 2048 : i32
    %mul3A_0 = arith.muli %arg1, %mul3A : i32
    %iota3A = tpu.iota {dimensions = array<i32: 1>} : vector<1x2048xi32>
    %add3A = vector.broadcast %mul3A_0 : i32 to vector<1x2048xi32>
    %add3A_1 = arith.addi %add3A, %iota3A : vector<1x2048xi32>
    %get3A = arith.index_cast %arg0 : i32 to index
    %get3A_2 = arith.constant 0 : index
    %get3A_3 = memref.load %arg2[%get3A, %get3A_2] : memref<8x4xi32, #tpu.memory_space<smem>>
    %get3A_4 = arith.index_cast %arg0 : i32 to index
    %get3A_5 = arith.constant 1 : index
    %get3A_6 = memref.load %arg2[%get3A_4, %get3A_5] : memref<8x4xi32, #tpu.memory_space<smem>>
    %xor3A = arith.xori %get3A_3, %get3A_6 : i32
    %xor3A_7 = arith.constant 466688986 : i32
    %xor3A_8 = arith.xori %xor3A, %xor3A_7 : i32
    %broadcast_in_dim3A = arith.constant 0 : i32
    %broadcast_in_dim3A_9 = vector.broadcast %broadcast_in_dim3A : i32 to vector<1x2048xi32>
    %add3A_10 = vector.broadcast %get3A_3 : i32 to vector<1x2048xi32>
    %add3A_11 = arith.addi %broadcast_in_dim3A_9, %add3A_10 : vector<1x2048xi32>
    %add3A_12 = vector.broadcast %get3A_6 : i32 to vector<1x2048xi32>
    %add3A_13 = arith.addi %add3A_1, %add3A_12 : vector<1x2048xi32>
    %add3A_14 = arith.addi %add3A_11, %add3A_13 : vector<1x2048xi32>
    %shift_left3A = arith.constant 13 : i32
    %shift_left3A_15 = vector.broadcast %shift_left3A : i32 to vector<1x2048xi32>
    %shift_left3A_16 = arith.shli %add3A_13, %shift_left3A_15 : vector<1x2048xi32>
    %shift_right_logical3A = arith.constant 19 : i32
    %shift_right_logical3A_17 = vector.broadcast %shift_right_logical3A : i32 to vector<1x2048xi32>
    %shift_right_logical3A_18 = arith.shrui %add3A_13, %shift_right_logical3A_17 : vector<1x2048xi32>
    %or3A = arith.ori %shift_left3A_16, %shift_right_logical3A_18 : vector<1x2048xi32>
    %xor3A_19 = arith.xori %add3A_14, %or3A : vector<1x2048xi32>
    %add3A_20 = arith.addi %add3A_14, %xor3A_19 : vector<1x2048xi32>
    %shift_left3A_21 = arith.constant 15 : i32
    %shift_left3A_22 = vector.broadcast %shift_left3A_21 : i32 to vector<1x2048xi32>
    %shift_left3A_23 = arith.shli %xor3A_19, %shift_left3A_22 : vector<1x2048xi32>
    %shift_right_logical3A_24 = arith.constant 17 : i32
    %shift_right_logical3A_25 = vector.broadcast %shift_right_logical3A_24 : i32 to vector<1x2048xi32>
    %shift_right_logical3A_26 = arith.shrui %xor3A_19, %shift_right_logical3A_25 : vector<1x2048xi32>
    %or3A_27 = arith.ori %shift_left3A_23, %shift_right_logical3A_26 : vector<1x2048xi32>
    %xor3A_28 = arith.xori %add3A_20, %or3A_27 : vector<1x2048xi32>
    %add3A_29 = arith.addi %add3A_20, %xor3A_28 : vector<1x2048xi32>
    %shift_left3A_30 = arith.constant 26 : i32
    %shift_left3A_31 = vector.broadcast %shift_left3A_30 : i32 to vector<1x2048xi32>
    %shift_left3A_32 = arith.shli %xor3A_28, %shift_left3A_31 : vector<1x2048xi32>
    %shift_right_logical3A_33 = arith.constant 6 : i32
    %shift_right_logical3A_34 = vector.broadcast %shift_right_logical3A_33 : i32 to vector<1x2048xi32>
    %shift_right_logical3A_35 = arith.shrui %xor3A_28, %shift_right_logical3A_34 : vector<1x2048xi32>
    %or3A_36 = arith.ori %shift_left3A_32, %shift_right_logical3A_35 : vector<1x2048xi32>
    %xor3A_37 = arith.xori %add3A_29, %or3A_36 : vector<1x2048xi32>
    %add3A_38 = arith.addi %add3A_29, %xor3A_37 : vector<1x2048xi32>
    %shift_left3A_39 = arith.constant 6 : i32
    %shift_left3A_40 = vector.broadcast %shift_left3A_39 : i32 to vector<1x2048xi32>
    %shift_left3A_41 = arith.shli %xor3A_37, %shift_left3A_40 : vector<1x2048xi32>
    %shift_right_logical3A_42 = arith.constant 26 : i32
    %shift_right_logical3A_43 = vector.broadcast %shift_right_logical3A_42 : i32 to vector<1x2048xi32>
    %shift_right_logical3A_44 = arith.shrui %xor3A_37, %shift_right_logical3A_43 : vector<1x2048xi32>
    %or3A_45 = arith.ori %shift_left3A_41, %shift_right_logical3A_44 : vector<1x2048xi32>
    %xor3A_46 = arith.xori %add3A_38, %or3A_45 : vector<1x2048xi32>
    %add3A_47 = vector.broadcast %get3A_6 : i32 to vector<1x2048xi32>
    %add3A_48 = arith.addi %add3A_38, %add3A_47 : vector<1x2048xi32>
    %add3A_49 = arith.constant 1 : i32
    %add3A_50 = arith.addi %xor3A_8, %add3A_49 : i32
    %add3A_51 = vector.broadcast %add3A_50 : i32 to vector<1x2048xi32>
    %add3A_52 = arith.addi %xor3A_46, %add3A_51 : vector<1x2048xi32>
    %add3A_53 = arith.addi %add3A_48, %add3A_52 : vector<1x2048xi32>
    %shift_left3A_54 = arith.constant 17 : i32
    %shift_left3A_55 = vector.broadcast %shift_left3A_54 : i32 to vector<1x2048xi32>
    %shift_left3A_56 = arith.shli %add3A_52, %shift_left3A_55 : vector<1x2048xi32>
    %shift_right_logical3A_57 = arith.constant 15 : i32
    %shift_right_logical3A_58 = vector.broadcast %shift_right_logical3A_57 : i32 to vector<1x2048xi32>
    %shift_right_logical3A_59 = arith.shrui %add3A_52, %shift_right_logical3A_58 : vector<1x2048xi32>
    %or3A_60 = arith.ori %shift_left3A_56, %shift_right_logical3A_59 : vector<1x2048xi32>
    %xor3A_61 = arith.xori %add3A_53, %or3A_60 : vector<1x2048xi32>
    %add3A_62 = arith.addi %add3A_53, %xor3A_61 : vector<1x2048xi32>
    %shift_left3A_63 = arith.constant 29 : i32
    %shift_left3A_64 = vector.broadcast %shift_left3A_63 : i32 to vector<1x2048xi32>
    %shift_left3A_65 = arith.shli %xor3A_61, %shift_left3A_64 : vector<1x2048xi32>
    %shift_right_logical3A_66 = arith.constant 3 : i32
    %shift_right_logical3A_67 = vector.broadcast %shift_right_logical3A_66 : i32 to vector<1x2048xi32>
    %shift_right_logical3A_68 = arith.shrui %xor3A_61, %shift_right_logical3A_67 : vector<1x2048xi32>
    %or3A_69 = arith.ori %shift_left3A_65, %shift_right_logical3A_68 : vector<1x2048xi32>
    %xor3A_70 = arith.xori %add3A_62, %or3A_69 : vector<1x2048xi32>
    %add3A_71 = arith.addi %add3A_62, %xor3A_70 : vector<1x2048xi32>
    %shift_left3A_72 = arith.constant 16 : i32
    %shift_left3A_73 = vector.broadcast %shift_left3A_72 : i32 to vector<1x2048xi32>
    %shift_left3A_74 = arith.shli %xor3A_70, %shift_left3A_73 : vector<1x2048xi32>
    %shift_right_logical3A_75 = arith.constant 16 : i32
    %shift_right_logical3A_76 = vector.broadcast %shift_right_logical3A_75 : i32 to vector<1x2048xi32>
    %shift_right_logical3A_77 = arith.shrui %xor3A_70, %shift_right_logical3A_76 : vector<1x2048xi32>
    %or3A_78 = arith.ori %shift_left3A_74, %shift_right_logical3A_77 : vector<1x2048xi32>
    %xor3A_79 = arith.xori %add3A_71, %or3A_78 : vector<1x2048xi32>
    %add3A_80 = arith.addi %add3A_71, %xor3A_79 : vector<1x2048xi32>
    %shift_left3A_81 = arith.constant 24 : i32
    %shift_left3A_82 = vector.broadcast %shift_left3A_81 : i32 to vector<1x2048xi32>
    %shift_left3A_83 = arith.shli %xor3A_79, %shift_left3A_82 : vector<1x2048xi32>
    %shift_right_logical3A_84 = arith.constant 8 : i32
    %shift_right_logical3A_85 = vector.broadcast %shift_right_logical3A_84 : i32 to vector<1x2048xi32>
    %shift_right_logical3A_86 = arith.shrui %xor3A_79, %shift_right_logical3A_85 : vector<1x2048xi32>
    %or3A_87 = arith.ori %shift_left3A_83, %shift_right_logical3A_86 : vector<1x2048xi32>
    %xor3A_88 = arith.xori %add3A_80, %or3A_87 : vector<1x2048xi32>
    %add3A_89 = vector.broadcast %xor3A_8 : i32 to vector<1x2048xi32>
    %add3A_90 = arith.addi %add3A_80, %add3A_89 : vector<1x2048xi32>
    %add3A_91 = arith.constant 2 : i32
    %add3A_92 = arith.addi %get3A_3, %add3A_91 : i32
    %add3A_93 = vector.broadcast %add3A_92 : i32 to vector<1x2048xi32>
    %add3A_94 = arith.addi %xor3A_88, %add3A_93 : vector<1x2048xi32>
    %add3A_95 = arith.addi %add3A_90, %add3A_94 : vector<1x2048xi32>
    %shift_left3A_96 = arith.constant 13 : i32
    %shift_left3A_97 = vector.broadcast %shift_left3A_96 : i32 to vector<1x2048xi32>
    %shift_left3A_98 = arith.shli %add3A_94, %shift_left3A_97 : vector<1x2048xi32>
    %shift_right_logical3A_99 = arith.constant 19 : i32
    %shift_right_logical3A_100 = vector.broadcast %shift_right_logical3A_99 : i32 to vector<1x2048xi32>
    %shift_right_logical3A_101 = arith.shrui %add3A_94, %shift_right_logical3A_100 : vector<1x2048xi32>
    %or3A_102 = arith.ori %shift_left3A_98, %shift_right_logical3A_101 : vector<1x2048xi32>
    %xor3A_103 = arith.xori %add3A_95, %or3A_102 : vector<1x2048xi32>
    %add3A_104 = arith.addi %add3A_95, %xor3A_103 : vector<1x2048xi32>
    %shift_left3A_105 = arith.constant 15 : i32
    %shift_left3A_106 = vector.broadcast %shift_left3A_105 : i32 to vector<1x2048xi32>
    %shift_left3A_107 = arith.shli %xor3A_103, %shift_left3A_106 : vector<1x2048xi32>
    %shift_right_logical3A_108 = arith.constant 17 : i32
    %shift_right_logical3A_109 = vector.broadcast %shift_right_logical3A_108 : i32 to vector<1x2048xi32>
    %shift_right_logical3A_110 = arith.shrui %xor3A_103, %shift_right_logical3A_109 : vector<1x2048xi32>
    %or3A_111 = arith.ori %shift_left3A_107, %shift_right_logical3A_110 : vector<1x2048xi32>
    %xor3A_112 = arith.xori %add3A_104, %or3A_111 : vector<1x2048xi32>
    %add3A_113 = arith.addi %add3A_104, %xor3A_112 : vector<1x2048xi32>
    %shift_left3A_114 = arith.constant 26 : i32
    %shift_left3A_115 = vector.broadcast %shift_left3A_114 : i32 to vector<1x2048xi32>
    %shift_left3A_116 = arith.shli %xor3A_112, %shift_left3A_115 : vector<1x2048xi32>
    %shift_right_logical3A_117 = arith.constant 6 : i32
    %shift_right_logical3A_118 = vector.broadcast %shift_right_logical3A_117 : i32 to vector<1x2048xi32>
    %shift_right_logical3A_119 = arith.shrui %xor3A_112, %shift_right_logical3A_118 : vector<1x2048xi32>
    %or3A_120 = arith.ori %shift_left3A_116, %shift_right_logical3A_119 : vector<1x2048xi32>
    %xor3A_121 = arith.xori %add3A_113, %or3A_120 : vector<1x2048xi32>
    %add3A_122 = arith.addi %add3A_113, %xor3A_121 : vector<1x2048xi32>
    %shift_left3A_123 = arith.constant 6 : i32
    %shift_left3A_124 = vector.broadcast %shift_left3A_123 : i32 to vector<1x2048xi32>
    %shift_left3A_125 = arith.shli %xor3A_121, %shift_left3A_124 : vector<1x2048xi32>
    %shift_right_logical3A_126 = arith.constant 26 : i32
    %shift_right_logical3A_127 = vector.broadcast %shift_right_logical3A_126 : i32 to vector<1x2048xi32>
    %shift_right_logical3A_128 = arith.shrui %xor3A_121, %shift_right_logical3A_127 : vector<1x2048xi32>
    %or3A_129 = arith.ori %shift_left3A_125, %shift_right_logical3A_128 : vector<1x2048xi32>
    %xor3A_130 = arith.xori %add3A_122, %or3A_129 : vector<1x2048xi32>
    %add3A_131 = vector.broadcast %get3A_3 : i32 to vector<1x2048xi32>
    %add3A_132 = arith.addi %add3A_122, %add3A_131 : vector<1x2048xi32>
    %add3A_133 = arith.constant 3 : i32
    %add3A_134 = arith.addi %get3A_6, %add3A_133 : i32
    %add3A_135 = vector.broadcast %add3A_134 : i32 to vector<1x2048xi32>
    %add3A_136 = arith.addi %xor3A_130, %add3A_135 : vector<1x2048xi32>
    %add3A_137 = arith.addi %add3A_132, %add3A_136 : vector<1x2048xi32>
    %shift_left3A_138 = arith.constant 17 : i32
    %shift_left3A_139 = vector.broadcast %shift_left3A_138 : i32 to vector<1x2048xi32>
    %shift_left3A_140 = arith.shli %add3A_136, %shift_left3A_139 : vector<1x2048xi32>
    %shift_right_logical3A_141 = arith.constant 15 : i32
    %shift_right_logical3A_142 = vector.broadcast %shift_right_logical3A_141 : i32 to vector<1x2048xi32>
    %shift_right_logical3A_143 = arith.shrui %add3A_136, %shift_right_logical3A_142 : vector<1x2048xi32>
    %or3A_144 = arith.ori %shift_left3A_140, %shift_right_logical3A_143 : vector<1x2048xi32>
    %xor3A_145 = arith.xori %add3A_137, %or3A_144 : vector<1x2048xi32>
    %add3A_146 = arith.addi %add3A_137, %xor3A_145 : vector<1x2048xi32>
    %shift_left3A_147 = arith.constant 29 : i32
    %shift_left3A_148 = vector.broadcast %shift_left3A_147 : i32 to vector<1x2048xi32>
    %shift_left3A_149 = arith.shli %xor3A_145, %shift_left3A_148 : vector<1x2048xi32>
    %shift_right_logical3A_150 = arith.constant 3 : i32
    %shift_right_logical3A_151 = vector.broadcast %shift_right_logical3A_150 : i32 to vector<1x2048xi32>
    %shift_right_logical3A_152 = arith.shrui %xor3A_145, %shift_right_logical3A_151 : vector<1x2048xi32>
    %or3A_153 = arith.ori %shift_left3A_149, %shift_right_logical3A_152 : vector<1x2048xi32>
    %xor3A_154 = arith.xori %add3A_146, %or3A_153 : vector<1x2048xi32>
    %add3A_155 = arith.addi %add3A_146, %xor3A_154 : vector<1x2048xi32>
    %shift_left3A_156 = arith.constant 16 : i32
    %shift_left3A_157 = vector.broadcast %shift_left3A_156 : i32 to vector<1x2048xi32>
    %shift_left3A_158 = arith.shli %xor3A_154, %shift_left3A_157 : vector<1x2048xi32>
    %shift_right_logical3A_159 = arith.constant 16 : i32
    %shift_right_logical3A_160 = vector.broadcast %shift_right_logical3A_159 : i32 to vector<1x2048xi32>
    %shift_right_logical3A_161 = arith.shrui %xor3A_154, %shift_right_logical3A_160 : vector<1x2048xi32>
    %or3A_162 = arith.ori %shift_left3A_158, %shift_right_logical3A_161 : vector<1x2048xi32>
    %xor3A_163 = arith.xori %add3A_155, %or3A_162 : vector<1x2048xi32>
    %add3A_164 = arith.addi %add3A_155, %xor3A_163 : vector<1x2048xi32>
    %shift_left3A_165 = arith.constant 24 : i32
    %shift_left3A_166 = vector.broadcast %shift_left3A_165 : i32 to vector<1x2048xi32>
    %shift_left3A_167 = arith.shli %xor3A_163, %shift_left3A_166 : vector<1x2048xi32>
    %shift_right_logical3A_168 = arith.constant 8 : i32
    %shift_right_logical3A_169 = vector.broadcast %shift_right_logical3A_168 : i32 to vector<1x2048xi32>
    %shift_right_logical3A_170 = arith.shrui %xor3A_163, %shift_right_logical3A_169 : vector<1x2048xi32>
    %or3A_171 = arith.ori %shift_left3A_167, %shift_right_logical3A_170 : vector<1x2048xi32>
    %xor3A_172 = arith.xori %add3A_164, %or3A_171 : vector<1x2048xi32>
    %add3A_173 = vector.broadcast %get3A_6 : i32 to vector<1x2048xi32>
    %add3A_174 = arith.addi %add3A_164, %add3A_173 : vector<1x2048xi32>
    %add3A_175 = arith.constant 4 : i32
    %add3A_176 = arith.addi %xor3A_8, %add3A_175 : i32
    %add3A_177 = vector.broadcast %add3A_176 : i32 to vector<1x2048xi32>
    %add3A_178 = arith.addi %xor3A_172, %add3A_177 : vector<1x2048xi32>
    %add3A_179 = arith.addi %add3A_174, %add3A_178 : vector<1x2048xi32>
    %shift_left3A_180 = arith.constant 13 : i32
    %shift_left3A_181 = vector.broadcast %shift_left3A_180 : i32 to vector<1x2048xi32>
    %shift_left3A_182 = arith.shli %add3A_178, %shift_left3A_181 : vector<1x2048xi32>
    %shift_right_logical3A_183 = arith.constant 19 : i32
    %shift_right_logical3A_184 = vector.broadcast %shift_right_logical3A_183 : i32 to vector<1x2048xi32>
    %shift_right_logical3A_185 = arith.shrui %add3A_178, %shift_right_logical3A_184 : vector<1x2048xi32>
    %or3A_186 = arith.ori %shift_left3A_182, %shift_right_logical3A_185 : vector<1x2048xi32>
    %xor3A_187 = arith.xori %add3A_179, %or3A_186 : vector<1x2048xi32>
    %add3A_188 = arith.addi %add3A_179, %xor3A_187 : vector<1x2048xi32>
    %shift_left3A_189 = arith.constant 15 : i32
    %shift_left3A_190 = vector.broadcast %shift_left3A_189 : i32 to vector<1x2048xi32>
    %shift_left3A_191 = arith.shli %xor3A_187, %shift_left3A_190 : vector<1x2048xi32>
    %shift_right_logical3A_192 = arith.constant 17 : i32
    %shift_right_logical3A_193 = vector.broadcast %shift_right_logical3A_192 : i32 to vector<1x2048xi32>
    %shift_right_logical3A_194 = arith.shrui %xor3A_187, %shift_right_logical3A_193 : vector<1x2048xi32>
    %or3A_195 = arith.ori %shift_left3A_191, %shift_right_logical3A_194 : vector<1x2048xi32>
    %xor3A_196 = arith.xori %add3A_188, %or3A_195 : vector<1x2048xi32>
    %add3A_197 = arith.addi %add3A_188, %xor3A_196 : vector<1x2048xi32>
    %shift_left3A_198 = arith.constant 26 : i32
    %shift_left3A_199 = vector.broadcast %shift_left3A_198 : i32 to vector<1x2048xi32>
    %shift_left3A_200 = arith.shli %xor3A_196, %shift_left3A_199 : vector<1x2048xi32>
    %shift_right_logical3A_201 = arith.constant 6 : i32
    %shift_right_logical3A_202 = vector.broadcast %shift_right_logical3A_201 : i32 to vector<1x2048xi32>
    %shift_right_logical3A_203 = arith.shrui %xor3A_196, %shift_right_logical3A_202 : vector<1x2048xi32>
    %or3A_204 = arith.ori %shift_left3A_200, %shift_right_logical3A_203 : vector<1x2048xi32>
    %xor3A_205 = arith.xori %add3A_197, %or3A_204 : vector<1x2048xi32>
    %add3A_206 = arith.addi %add3A_197, %xor3A_205 : vector<1x2048xi32>
    %shift_left3A_207 = arith.constant 6 : i32
    %shift_left3A_208 = vector.broadcast %shift_left3A_207 : i32 to vector<1x2048xi32>
    %shift_left3A_209 = arith.shli %xor3A_205, %shift_left3A_208 : vector<1x2048xi32>
    %shift_right_logical3A_210 = arith.constant 26 : i32
    %shift_right_logical3A_211 = vector.broadcast %shift_right_logical3A_210 : i32 to vector<1x2048xi32>
    %shift_right_logical3A_212 = arith.shrui %xor3A_205, %shift_right_logical3A_211 : vector<1x2048xi32>
    %or3A_213 = arith.ori %shift_left3A_209, %shift_right_logical3A_212 : vector<1x2048xi32>
    %xor3A_214 = arith.xori %add3A_206, %or3A_213 : vector<1x2048xi32>
    %add3A_215 = vector.broadcast %xor3A_8 : i32 to vector<1x2048xi32>
    %add3A_216 = arith.addi %add3A_206, %add3A_215 : vector<1x2048xi32>
    %add3A_217 = arith.constant 5 : i32
    %add3A_218 = arith.addi %get3A_3, %add3A_217 : i32
    %add3A_219 = vector.broadcast %add3A_218 : i32 to vector<1x2048xi32>
    %add3A_220 = arith.addi %xor3A_214, %add3A_219 : vector<1x2048xi32>
    %xor3A_221 = arith.xori %add3A_216, %add3A_220 : vector<1x2048xi32>
    %shift_right_logical3A_222 = arith.constant 9 : i32
    %shift_right_logical3A_223 = vector.broadcast %shift_right_logical3A_222 : i32 to vector<1x2048xi32>
    %shift_right_logical3A_224 = arith.shrui %xor3A_221, %shift_right_logical3A_223 : vector<1x2048xi32>
    %or3A_225 = arith.constant 1065353216 : i32
    %or3A_226 = vector.broadcast %or3A_225 : i32 to vector<1x2048xi32>
    %or3A_227 = arith.ori %shift_right_logical3A_224, %or3A_226 : vector<1x2048xi32>
    %bitcast_convert_type3A = tpu.bitcast %or3A_227 : vector<1x2048xi32> -> vector<1x2048xf32>
    %sub3A = arith.constant 1.000000e+00 : f32
    %sub3A_228 = vector.broadcast %sub3A : f32 to vector<1x2048xf32>
    %sub3A_229 = arith.subf %bitcast_convert_type3A, %sub3A_228 : vector<1x2048xf32>
    %get3A_230 = arith.index_cast %arg0 : i32 to index
    %get3A_231 = arith.constant 2 : index
    %get3A_232 = memref.load %arg2[%get3A_230, %get3A_231] : memref<8x4xi32, #tpu.memory_space<smem>>
    %get3A_233 = arith.index_cast %arg0 : i32 to index
    %get3A_234 = arith.constant 3 : index
    %get3A_235 = memref.load %arg2[%get3A_233, %get3A_234] : memref<8x4xi32, #tpu.memory_space<smem>>
    %xor3A_236 = arith.xori %get3A_232, %get3A_235 : i32
    %xor3A_237 = arith.constant 466688986 : i32
    %xor3A_238 = arith.xori %xor3A_236, %xor3A_237 : i32
    %broadcast_in_dim3A_239 = arith.constant 0 : i32
    %broadcast_in_dim3A_240 = vector.broadcast %broadcast_in_dim3A_239 : i32 to vector<1x2048xi32>
    %add3A_241 = vector.broadcast %get3A_232 : i32 to vector<1x2048xi32>
    %add3A_242 = arith.addi %broadcast_in_dim3A_240, %add3A_241 : vector<1x2048xi32>
    %add3A_243 = vector.broadcast %get3A_235 : i32 to vector<1x2048xi32>
    %add3A_244 = arith.addi %add3A_1, %add3A_243 : vector<1x2048xi32>
    %add3A_245 = arith.addi %add3A_242, %add3A_244 : vector<1x2048xi32>
    %shift_left3A_246 = arith.constant 13 : i32
    %shift_left3A_247 = vector.broadcast %shift_left3A_246 : i32 to vector<1x2048xi32>
    %shift_left3A_248 = arith.shli %add3A_244, %shift_left3A_247 : vector<1x2048xi32>
    %shift_right_logical3A_249 = arith.constant 19 : i32
    %shift_right_logical3A_250 = vector.broadcast %shift_right_logical3A_249 : i32 to vector<1x2048xi32>
    %shift_right_logical3A_251 = arith.shrui %add3A_244, %shift_right_logical3A_250 : vector<1x2048xi32>
    %or3A_252 = arith.ori %shift_left3A_248, %shift_right_logical3A_251 : vector<1x2048xi32>
    %xor3A_253 = arith.xori %add3A_245, %or3A_252 : vector<1x2048xi32>
    %add3A_254 = arith.addi %add3A_245, %xor3A_253 : vector<1x2048xi32>
    %shift_left3A_255 = arith.constant 15 : i32
    %shift_left3A_256 = vector.broadcast %shift_left3A_255 : i32 to vector<1x2048xi32>
    %shift_left3A_257 = arith.shli %xor3A_253, %shift_left3A_256 : vector<1x2048xi32>
    %shift_right_logical3A_258 = arith.constant 17 : i32
    %shift_right_logical3A_259 = vector.broadcast %shift_right_logical3A_258 : i32 to vector<1x2048xi32>
    %shift_right_logical3A_260 = arith.shrui %xor3A_253, %shift_right_logical3A_259 : vector<1x2048xi32>
    %or3A_261 = arith.ori %shift_left3A_257, %shift_right_logical3A_260 : vector<1x2048xi32>
    %xor3A_262 = arith.xori %add3A_254, %or3A_261 : vector<1x2048xi32>
    %add3A_263 = arith.addi %add3A_254, %xor3A_262 : vector<1x2048xi32>
    %shift_left3A_264 = arith.constant 26 : i32
    %shift_left3A_265 = vector.broadcast %shift_left3A_264 : i32 to vector<1x2048xi32>
    %shift_left3A_266 = arith.shli %xor3A_262, %shift_left3A_265 : vector<1x2048xi32>
    %shift_right_logical3A_267 = arith.constant 6 : i32
    %shift_right_logical3A_268 = vector.broadcast %shift_right_logical3A_267 : i32 to vector<1x2048xi32>
    %shift_right_logical3A_269 = arith.shrui %xor3A_262, %shift_right_logical3A_268 : vector<1x2048xi32>
    %or3A_270 = arith.ori %shift_left3A_266, %shift_right_logical3A_269 : vector<1x2048xi32>
    %xor3A_271 = arith.xori %add3A_263, %or3A_270 : vector<1x2048xi32>
    %add3A_272 = arith.addi %add3A_263, %xor3A_271 : vector<1x2048xi32>
    %shift_left3A_273 = arith.constant 6 : i32
    %shift_left3A_274 = vector.broadcast %shift_left3A_273 : i32 to vector<1x2048xi32>
    %shift_left3A_275 = arith.shli %xor3A_271, %shift_left3A_274 : vector<1x2048xi32>
    %shift_right_logical3A_276 = arith.constant 26 : i32
    %shift_right_logical3A_277 = vector.broadcast %shift_right_logical3A_276 : i32 to vector<1x2048xi32>
    %shift_right_logical3A_278 = arith.shrui %xor3A_271, %shift_right_logical3A_277 : vector<1x2048xi32>
    %or3A_279 = arith.ori %shift_left3A_275, %shift_right_logical3A_278 : vector<1x2048xi32>
    %xor3A_280 = arith.xori %add3A_272, %or3A_279 : vector<1x2048xi32>
    %add3A_281 = vector.broadcast %get3A_235 : i32 to vector<1x2048xi32>
    %add3A_282 = arith.addi %add3A_272, %add3A_281 : vector<1x2048xi32>
    %add3A_283 = arith.constant 1 : i32
    %add3A_284 = arith.addi %xor3A_238, %add3A_283 : i32
    %add3A_285 = vector.broadcast %add3A_284 : i32 to vector<1x2048xi32>
    %add3A_286 = arith.addi %xor3A_280, %add3A_285 : vector<1x2048xi32>
    %add3A_287 = arith.addi %add3A_282, %add3A_286 : vector<1x2048xi32>
    %shift_left3A_288 = arith.constant 17 : i32
    %shift_left3A_289 = vector.broadcast %shift_left3A_288 : i32 to vector<1x2048xi32>
    %shift_left3A_290 = arith.shli %add3A_286, %shift_left3A_289 : vector<1x2048xi32>
    %shift_right_logical3A_291 = arith.constant 15 : i32
    %shift_right_logical3A_292 = vector.broadcast %shift_right_logical3A_291 : i32 to vector<1x2048xi32>
    %shift_right_logical3A_293 = arith.shrui %add3A_286, %shift_right_logical3A_292 : vector<1x2048xi32>
    %or3A_294 = arith.ori %shift_left3A_290, %shift_right_logical3A_293 : vector<1x2048xi32>
    %xor3A_295 = arith.xori %add3A_287, %or3A_294 : vector<1x2048xi32>
    %add3A_296 = arith.addi %add3A_287, %xor3A_295 : vector<1x2048xi32>
    %shift_left3A_297 = arith.constant 29 : i32
    %shift_left3A_298 = vector.broadcast %shift_left3A_297 : i32 to vector<1x2048xi32>
    %shift_left3A_299 = arith.shli %xor3A_295, %shift_left3A_298 : vector<1x2048xi32>
    %shift_right_logical3A_300 = arith.constant 3 : i32
    %shift_right_logical3A_301 = vector.broadcast %shift_right_logical3A_300 : i32 to vector<1x2048xi32>
    %shift_right_logical3A_302 = arith.shrui %xor3A_295, %shift_right_logical3A_301 : vector<1x2048xi32>
    %or3A_303 = arith.ori %shift_left3A_299, %shift_right_logical3A_302 : vector<1x2048xi32>
    %xor3A_304 = arith.xori %add3A_296, %or3A_303 : vector<1x2048xi32>
    %add3A_305 = arith.addi %add3A_296, %xor3A_304 : vector<1x2048xi32>
    %shift_left3A_306 = arith.constant 16 : i32
    %shift_left3A_307 = vector.broadcast %shift_left3A_306 : i32 to vector<1x2048xi32>
    %shift_left3A_308 = arith.shli %xor3A_304, %shift_left3A_307 : vector<1x2048xi32>
    %shift_right_logical3A_309 = arith.constant 16 : i32
    %shift_right_logical3A_310 = vector.broadcast %shift_right_logical3A_309 : i32 to vector<1x2048xi32>
    %shift_right_logical3A_311 = arith.shrui %xor3A_304, %shift_right_logical3A_310 : vector<1x2048xi32>
    %or3A_312 = arith.ori %shift_left3A_308, %shift_right_logical3A_311 : vector<1x2048xi32>
    %xor3A_313 = arith.xori %add3A_305, %or3A_312 : vector<1x2048xi32>
    %add3A_314 = arith.addi %add3A_305, %xor3A_313 : vector<1x2048xi32>
    %shift_left3A_315 = arith.constant 24 : i32
    %shift_left3A_316 = vector.broadcast %shift_left3A_315 : i32 to vector<1x2048xi32>
    %shift_left3A_317 = arith.shli %xor3A_313, %shift_left3A_316 : vector<1x2048xi32>
    %shift_right_logical3A_318 = arith.constant 8 : i32
    %shift_right_logical3A_319 = vector.broadcast %shift_right_logical3A_318 : i32 to vector<1x2048xi32>
    %shift_right_logical3A_320 = arith.shrui %xor3A_313, %shift_right_logical3A_319 : vector<1x2048xi32>
    %or3A_321 = arith.ori %shift_left3A_317, %shift_right_logical3A_320 : vector<1x2048xi32>
    %xor3A_322 = arith.xori %add3A_314, %or3A_321 : vector<1x2048xi32>
    %add3A_323 = vector.broadcast %xor3A_238 : i32 to vector<1x2048xi32>
    %add3A_324 = arith.addi %add3A_314, %add3A_323 : vector<1x2048xi32>
    %add3A_325 = arith.constant 2 : i32
    %add3A_326 = arith.addi %get3A_232, %add3A_325 : i32
    %add3A_327 = vector.broadcast %add3A_326 : i32 to vector<1x2048xi32>
    %add3A_328 = arith.addi %xor3A_322, %add3A_327 : vector<1x2048xi32>
    %add3A_329 = arith.addi %add3A_324, %add3A_328 : vector<1x2048xi32>
    %shift_left3A_330 = arith.constant 13 : i32
    %shift_left3A_331 = vector.broadcast %shift_left3A_330 : i32 to vector<1x2048xi32>
    %shift_left3A_332 = arith.shli %add3A_328, %shift_left3A_331 : vector<1x2048xi32>
    %shift_right_logical3A_333 = arith.constant 19 : i32
    %shift_right_logical3A_334 = vector.broadcast %shift_right_logical3A_333 : i32 to vector<1x2048xi32>
    %shift_right_logical3A_335 = arith.shrui %add3A_328, %shift_right_logical3A_334 : vector<1x2048xi32>
    %or3A_336 = arith.ori %shift_left3A_332, %shift_right_logical3A_335 : vector<1x2048xi32>
    %xor3A_337 = arith.xori %add3A_329, %or3A_336 : vector<1x2048xi32>
    %add3A_338 = arith.addi %add3A_329, %xor3A_337 : vector<1x2048xi32>
    %shift_left3A_339 = arith.constant 15 : i32
    %shift_left3A_340 = vector.broadcast %shift_left3A_339 : i32 to vector<1x2048xi32>
    %shift_left3A_341 = arith.shli %xor3A_337, %shift_left3A_340 : vector<1x2048xi32>
    %shift_right_logical3A_342 = arith.constant 17 : i32
    %shift_right_logical3A_343 = vector.broadcast %shift_right_logical3A_342 : i32 to vector<1x2048xi32>
    %shift_right_logical3A_344 = arith.shrui %xor3A_337, %shift_right_logical3A_343 : vector<1x2048xi32>
    %or3A_345 = arith.ori %shift_left3A_341, %shift_right_logical3A_344 : vector<1x2048xi32>
    %xor3A_346 = arith.xori %add3A_338, %or3A_345 : vector<1x2048xi32>
    %add3A_347 = arith.addi %add3A_338, %xor3A_346 : vector<1x2048xi32>
    %shift_left3A_348 = arith.constant 26 : i32
    %shift_left3A_349 = vector.broadcast %shift_left3A_348 : i32 to vector<1x2048xi32>
    %shift_left3A_350 = arith.shli %xor3A_346, %shift_left3A_349 : vector<1x2048xi32>
    %shift_right_logical3A_351 = arith.constant 6 : i32
    %shift_right_logical3A_352 = vector.broadcast %shift_right_logical3A_351 : i32 to vector<1x2048xi32>
    %shift_right_logical3A_353 = arith.shrui %xor3A_346, %shift_right_logical3A_352 : vector<1x2048xi32>
    %or3A_354 = arith.ori %shift_left3A_350, %shift_right_logical3A_353 : vector<1x2048xi32>
    %xor3A_355 = arith.xori %add3A_347, %or3A_354 : vector<1x2048xi32>
    %add3A_356 = arith.addi %add3A_347, %xor3A_355 : vector<1x2048xi32>
    %shift_left3A_357 = arith.constant 6 : i32
    %shift_left3A_358 = vector.broadcast %shift_left3A_357 : i32 to vector<1x2048xi32>
    %shift_left3A_359 = arith.shli %xor3A_355, %shift_left3A_358 : vector<1x2048xi32>
    %shift_right_logical3A_360 = arith.constant 26 : i32
    %shift_right_logical3A_361 = vector.broadcast %shift_right_logical3A_360 : i32 to vector<1x2048xi32>
    %shift_right_logical3A_362 = arith.shrui %xor3A_355, %shift_right_logical3A_361 : vector<1x2048xi32>
    %or3A_363 = arith.ori %shift_left3A_359, %shift_right_logical3A_362 : vector<1x2048xi32>
    %xor3A_364 = arith.xori %add3A_356, %or3A_363 : vector<1x2048xi32>
    %add3A_365 = vector.broadcast %get3A_232 : i32 to vector<1x2048xi32>
    %add3A_366 = arith.addi %add3A_356, %add3A_365 : vector<1x2048xi32>
    %add3A_367 = arith.constant 3 : i32
    %add3A_368 = arith.addi %get3A_235, %add3A_367 : i32
    %add3A_369 = vector.broadcast %add3A_368 : i32 to vector<1x2048xi32>
    %add3A_370 = arith.addi %xor3A_364, %add3A_369 : vector<1x2048xi32>
    %add3A_371 = arith.addi %add3A_366, %add3A_370 : vector<1x2048xi32>
    %shift_left3A_372 = arith.constant 17 : i32
    %shift_left3A_373 = vector.broadcast %shift_left3A_372 : i32 to vector<1x2048xi32>
    %shift_left3A_374 = arith.shli %add3A_370, %shift_left3A_373 : vector<1x2048xi32>
    %shift_right_logical3A_375 = arith.constant 15 : i32
    %shift_right_logical3A_376 = vector.broadcast %shift_right_logical3A_375 : i32 to vector<1x2048xi32>
    %shift_right_logical3A_377 = arith.shrui %add3A_370, %shift_right_logical3A_376 : vector<1x2048xi32>
    %or3A_378 = arith.ori %shift_left3A_374, %shift_right_logical3A_377 : vector<1x2048xi32>
    %xor3A_379 = arith.xori %add3A_371, %or3A_378 : vector<1x2048xi32>
    %add3A_380 = arith.addi %add3A_371, %xor3A_379 : vector<1x2048xi32>
    %shift_left3A_381 = arith.constant 29 : i32
    %shift_left3A_382 = vector.broadcast %shift_left3A_381 : i32 to vector<1x2048xi32>
    %shift_left3A_383 = arith.shli %xor3A_379, %shift_left3A_382 : vector<1x2048xi32>
    %shift_right_logical3A_384 = arith.constant 3 : i32
    %shift_right_logical3A_385 = vector.broadcast %shift_right_logical3A_384 : i32 to vector<1x2048xi32>
    %shift_right_logical3A_386 = arith.shrui %xor3A_379, %shift_right_logical3A_385 : vector<1x2048xi32>
    %or3A_387 = arith.ori %shift_left3A_383, %shift_right_logical3A_386 : vector<1x2048xi32>
    %xor3A_388 = arith.xori %add3A_380, %or3A_387 : vector<1x2048xi32>
    %add3A_389 = arith.addi %add3A_380, %xor3A_388 : vector<1x2048xi32>
    %shift_left3A_390 = arith.constant 16 : i32
    %shift_left3A_391 = vector.broadcast %shift_left3A_390 : i32 to vector<1x2048xi32>
    %shift_left3A_392 = arith.shli %xor3A_388, %shift_left3A_391 : vector<1x2048xi32>
    %shift_right_logical3A_393 = arith.constant 16 : i32
    %shift_right_logical3A_394 = vector.broadcast %shift_right_logical3A_393 : i32 to vector<1x2048xi32>
    %shift_right_logical3A_395 = arith.shrui %xor3A_388, %shift_right_logical3A_394 : vector<1x2048xi32>
    %or3A_396 = arith.ori %shift_left3A_392, %shift_right_logical3A_395 : vector<1x2048xi32>
    %xor3A_397 = arith.xori %add3A_389, %or3A_396 : vector<1x2048xi32>
    %add3A_398 = arith.addi %add3A_389, %xor3A_397 : vector<1x2048xi32>
    %shift_left3A_399 = arith.constant 24 : i32
    %shift_left3A_400 = vector.broadcast %shift_left3A_399 : i32 to vector<1x2048xi32>
    %shift_left3A_401 = arith.shli %xor3A_397, %shift_left3A_400 : vector<1x2048xi32>
    %shift_right_logical3A_402 = arith.constant 8 : i32
    %shift_right_logical3A_403 = vector.broadcast %shift_right_logical3A_402 : i32 to vector<1x2048xi32>
    %shift_right_logical3A_404 = arith.shrui %xor3A_397, %shift_right_logical3A_403 : vector<1x2048xi32>
    %or3A_405 = arith.ori %shift_left3A_401, %shift_right_logical3A_404 : vector<1x2048xi32>
    %xor3A_406 = arith.xori %add3A_398, %or3A_405 : vector<1x2048xi32>
    %add3A_407 = vector.broadcast %get3A_235 : i32 to vector<1x2048xi32>
    %add3A_408 = arith.addi %add3A_398, %add3A_407 : vector<1x2048xi32>
    %add3A_409 = arith.constant 4 : i32
    %add3A_410 = arith.addi %xor3A_238, %add3A_409 : i32
    %add3A_411 = vector.broadcast %add3A_410 : i32 to vector<1x2048xi32>
    %add3A_412 = arith.addi %xor3A_406, %add3A_411 : vector<1x2048xi32>
    %add3A_413 = arith.addi %add3A_408, %add3A_412 : vector<1x2048xi32>
    %shift_left3A_414 = arith.constant 13 : i32
    %shift_left3A_415 = vector.broadcast %shift_left3A_414 : i32 to vector<1x2048xi32>
    %shift_left3A_416 = arith.shli %add3A_412, %shift_left3A_415 : vector<1x2048xi32>
    %shift_right_logical3A_417 = arith.constant 19 : i32
    %shift_right_logical3A_418 = vector.broadcast %shift_right_logical3A_417 : i32 to vector<1x2048xi32>
    %shift_right_logical3A_419 = arith.shrui %add3A_412, %shift_right_logical3A_418 : vector<1x2048xi32>
    %or3A_420 = arith.ori %shift_left3A_416, %shift_right_logical3A_419 : vector<1x2048xi32>
    %xor3A_421 = arith.xori %add3A_413, %or3A_420 : vector<1x2048xi32>
    %add3A_422 = arith.addi %add3A_413, %xor3A_421 : vector<1x2048xi32>
    %shift_left3A_423 = arith.constant 15 : i32
    %shift_left3A_424 = vector.broadcast %shift_left3A_423 : i32 to vector<1x2048xi32>
    %shift_left3A_425 = arith.shli %xor3A_421, %shift_left3A_424 : vector<1x2048xi32>
    %shift_right_logical3A_426 = arith.constant 17 : i32
    %shift_right_logical3A_427 = vector.broadcast %shift_right_logical3A_426 : i32 to vector<1x2048xi32>
    %shift_right_logical3A_428 = arith.shrui %xor3A_421, %shift_right_logical3A_427 : vector<1x2048xi32>
    %or3A_429 = arith.ori %shift_left3A_425, %shift_right_logical3A_428 : vector<1x2048xi32>
    %xor3A_430 = arith.xori %add3A_422, %or3A_429 : vector<1x2048xi32>
    %add3A_431 = arith.addi %add3A_422, %xor3A_430 : vector<1x2048xi32>
    %shift_left3A_432 = arith.constant 26 : i32
    %shift_left3A_433 = vector.broadcast %shift_left3A_432 : i32 to vector<1x2048xi32>
    %shift_left3A_434 = arith.shli %xor3A_430, %shift_left3A_433 : vector<1x2048xi32>
    %shift_right_logical3A_435 = arith.constant 6 : i32
    %shift_right_logical3A_436 = vector.broadcast %shift_right_logical3A_435 : i32 to vector<1x2048xi32>
    %shift_right_logical3A_437 = arith.shrui %xor3A_430, %shift_right_logical3A_436 : vector<1x2048xi32>
    %or3A_438 = arith.ori %shift_left3A_434, %shift_right_logical3A_437 : vector<1x2048xi32>
    %xor3A_439 = arith.xori %add3A_431, %or3A_438 : vector<1x2048xi32>
    %add3A_440 = arith.addi %add3A_431, %xor3A_439 : vector<1x2048xi32>
    %shift_left3A_441 = arith.constant 6 : i32
    %shift_left3A_442 = vector.broadcast %shift_left3A_441 : i32 to vector<1x2048xi32>
    %shift_left3A_443 = arith.shli %xor3A_439, %shift_left3A_442 : vector<1x2048xi32>
    %shift_right_logical3A_444 = arith.constant 26 : i32
    %shift_right_logical3A_445 = vector.broadcast %shift_right_logical3A_444 : i32 to vector<1x2048xi32>
    %shift_right_logical3A_446 = arith.shrui %xor3A_439, %shift_right_logical3A_445 : vector<1x2048xi32>
    %or3A_447 = arith.ori %shift_left3A_443, %shift_right_logical3A_446 : vector<1x2048xi32>
    %xor3A_448 = arith.xori %add3A_440, %or3A_447 : vector<1x2048xi32>
    %add3A_449 = vector.broadcast %xor3A_238 : i32 to vector<1x2048xi32>
    %add3A_450 = arith.addi %add3A_440, %add3A_449 : vector<1x2048xi32>
    %add3A_451 = arith.constant 5 : i32
    %add3A_452 = arith.addi %get3A_232, %add3A_451 : i32
    %add3A_453 = vector.broadcast %add3A_452 : i32 to vector<1x2048xi32>
    %add3A_454 = arith.addi %xor3A_448, %add3A_453 : vector<1x2048xi32>
    %xor3A_455 = arith.xori %add3A_450, %add3A_454 : vector<1x2048xi32>
    %shift_right_logical3A_456 = arith.constant 9 : i32
    %shift_right_logical3A_457 = vector.broadcast %shift_right_logical3A_456 : i32 to vector<1x2048xi32>
    %shift_right_logical3A_458 = arith.shrui %xor3A_455, %shift_right_logical3A_457 : vector<1x2048xi32>
    %or3A_459 = arith.constant 1065353216 : i32
    %or3A_460 = vector.broadcast %or3A_459 : i32 to vector<1x2048xi32>
    %or3A_461 = arith.ori %shift_right_logical3A_458, %or3A_460 : vector<1x2048xi32>
    %bitcast_convert_type3A_462 = tpu.bitcast %or3A_461 : vector<1x2048xi32> -> vector<1x2048xf32>
    %sub3A_463 = arith.constant 1.000000e+00 : f32
    %sub3A_464 = vector.broadcast %sub3A_463 : f32 to vector<1x2048xf32>
    %sub3A_465 = arith.subf %bitcast_convert_type3A_462, %sub3A_464 : vector<1x2048xf32>
    %sqrt3A = math.sqrt %sub3A_229 : vector<1x2048xf32>
    %sub3A_466 = arith.constant 1.000000e+00 : f32
    %sub3A_467 = vector.broadcast %sub3A_466 : f32 to vector<1x2048xf32>
    %sub3A_468 = arith.subf %sub3A_467, %sqrt3A : vector<1x2048xf32>
    %sub3A_469 = arith.constant 1.000000e+00 : f32
    %sub3A_470 = vector.broadcast %sub3A_469 : f32 to vector<1x2048xf32>
    %sub3A_471 = arith.subf %sub3A_470, %sub3A_465 : vector<1x2048xf32>
    %mul3A_472 = arith.mulf %sub3A_471, %sqrt3A : vector<1x2048xf32>
    %mul3A_473 = arith.mulf %sub3A_465, %sqrt3A : vector<1x2048xf32>
    %get3A_474 = arith.constant 0 : index
    %get3A_475 = arith.constant 0 : index
    %get3A_476 = arith.constant 0 : index
    %get3A_477 = vector.load %arg3[%get3A_474, %get3A_475, %get3A_476] : memref<1x9x2048xf32, #tpu.memory_space<vmem>>, vector<1x9x2048xf32>
    %get3A_478 = vector.shape_cast %get3A_477 : vector<1x9x2048xf32> to vector<9x2048xf32>
    %slice3A = vector.extract_strided_slice %get3A_478 {offsets = [0, 0], sizes = [3, 2048], strides = [1, 1]} : vector<9x2048xf32> to vector<3x2048xf32>
    %slice3A_479 = vector.extract_strided_slice %get3A_478 {offsets = [3, 0], sizes = [3, 2048], strides = [1, 1]} : vector<9x2048xf32> to vector<3x2048xf32>
    %slice3A_480 = vector.extract_strided_slice %get3A_478 {offsets = [6, 0], sizes = [3, 2048], strides = [1, 1]} : vector<9x2048xf32> to vector<3x2048xf32>
    %mul3A_481 = vector.broadcast %sub3A_468 : vector<1x2048xf32> to vector<3x2048xf32>
    %mul3A_482 = arith.mulf %mul3A_481, %slice3A : vector<3x2048xf32>
    %mul3A_483 = vector.broadcast %mul3A_472 : vector<1x2048xf32> to vector<3x2048xf32>
    %mul3A_484 = arith.mulf %mul3A_483, %slice3A_479 : vector<3x2048xf32>
    %add3A_485 = arith.addf %mul3A_482, %mul3A_484 : vector<3x2048xf32>
    %mul3A_486 = vector.broadcast %mul3A_473 : vector<1x2048xf32> to vector<3x2048xf32>
    %mul3A_487 = arith.mulf %mul3A_486, %slice3A_480 : vector<3x2048xf32>
    %add3A_488 = arith.addf %add3A_485, %mul3A_487 : vector<3x2048xf32>
    %swap3A = arith.constant 0 : index
    %swap3A_489 = arith.constant 0 : index
    %swap3A_490 = arith.constant 0 : index
    %swap3A_491 = vector.load %arg4[%swap3A, %swap3A_489, %swap3A_490] : memref<1x3x2048xf32, #tpu.memory_space<vmem>>, vector<1x3x2048xf32>
    %swap3A_492 = vector.shape_cast %swap3A_491 : vector<1x3x2048xf32> to vector<3x2048xf32>
    %swap3A_493 = vector.shape_cast %add3A_488 : vector<3x2048xf32> to vector<1x3x2048xf32>
    tpu.vector_store %arg4[%swap3A, %swap3A_489, %swap3A_490], %swap3A_493 {strides = array<i32>} : memref<1x3x2048xf32, #tpu.memory_space<vmem>>, vector<1x3x2048xf32>,
    %slice3A_494 = vector.extract_strided_slice %get3A_478 {offsets = [3, 0], sizes = [1, 2048], strides = [1, 1]} : vector<9x2048xf32> to vector<1x2048xf32>
    %slice3A_495 = vector.extract_strided_slice %get3A_478 {offsets = [0, 0], sizes = [1, 2048], strides = [1, 1]} : vector<9x2048xf32> to vector<1x2048xf32>
    %sub3A_496 = arith.subf %slice3A_494, %slice3A_495 : vector<1x2048xf32>
    %slice3A_497 = vector.extract_strided_slice %get3A_478 {offsets = [4, 0], sizes = [1, 2048], strides = [1, 1]} : vector<9x2048xf32> to vector<1x2048xf32>
    %slice3A_498 = vector.extract_strided_slice %get3A_478 {offsets = [1, 0], sizes = [1, 2048], strides = [1, 1]} : vector<9x2048xf32> to vector<1x2048xf32>
    %sub3A_499 = arith.subf %slice3A_497, %slice3A_498 : vector<1x2048xf32>
    %slice3A_500 = vector.extract_strided_slice %get3A_478 {offsets = [5, 0], sizes = [1, 2048], strides = [1, 1]} : vector<9x2048xf32> to vector<1x2048xf32>
    %slice3A_501 = vector.extract_strided_slice %get3A_478 {offsets = [2, 0], sizes = [1, 2048], strides = [1, 1]} : vector<9x2048xf32> to vector<1x2048xf32>
    %sub3A_502 = arith.subf %slice3A_500, %slice3A_501 : vector<1x2048xf32>
    %slice3A_503 = vector.extract_strided_slice %get3A_478 {offsets = [6, 0], sizes = [1, 2048], strides = [1, 1]} : vector<9x2048xf32> to vector<1x2048xf32>
    %slice3A_504 = vector.extract_strided_slice %get3A_478 {offsets = [0, 0], sizes = [1, 2048], strides = [1, 1]} : vector<9x2048xf32> to vector<1x2048xf32>
    %sub3A_505 = arith.subf %slice3A_503, %slice3A_504 : vector<1x2048xf32>
    %slice3A_506 = vector.extract_strided_slice %get3A_478 {offsets = [7, 0], sizes = [1, 2048], strides = [1, 1]} : vector<9x2048xf32> to vector<1x2048xf32>
    %slice3A_507 = vector.extract_strided_slice %get3A_478 {offsets = [1, 0], sizes = [1, 2048], strides = [1, 1]} : vector<9x2048xf32> to vector<1x2048xf32>
    %sub3A_508 = arith.subf %slice3A_506, %slice3A_507 : vector<1x2048xf32>
    %slice3A_509 = vector.extract_strided_slice %get3A_478 {offsets = [8, 0], sizes = [1, 2048], strides = [1, 1]} : vector<9x2048xf32> to vector<1x2048xf32>
    %slice3A_510 = vector.extract_strided_slice %get3A_478 {offsets = [2, 0], sizes = [1, 2048], strides = [1, 1]} : vector<9x2048xf32> to vector<1x2048xf32>
    %sub3A_511 = arith.subf %slice3A_509, %slice3A_510 : vector<1x2048xf32>
    %mul3A_512 = arith.mulf %sub3A_499, %sub3A_511 : vector<1x2048xf32>
    %mul3A_513 = arith.mulf %sub3A_502, %sub3A_508 : vector<1x2048xf32>
    %sub3A_514 = arith.subf %mul3A_512, %mul3A_513 : vector<1x2048xf32>
    %mul3A_515 = arith.mulf %sub3A_502, %sub3A_505 : vector<1x2048xf32>
    %mul3A_516 = arith.mulf %sub3A_496, %sub3A_511 : vector<1x2048xf32>
    %sub3A_517 = arith.subf %mul3A_515, %mul3A_516 : vector<1x2048xf32>
    %mul3A_518 = arith.mulf %sub3A_496, %sub3A_508 : vector<1x2048xf32>
    %mul3A_519 = arith.mulf %sub3A_499, %sub3A_505 : vector<1x2048xf32>
    %sub3A_520 = arith.subf %mul3A_518, %mul3A_519 : vector<1x2048xf32>
    %mul3A_521 = arith.mulf %sub3A_514, %sub3A_514 : vector<1x2048xf32>
    %mul3A_522 = arith.mulf %sub3A_517, %sub3A_517 : vector<1x2048xf32>
    %add3A_523 = arith.addf %mul3A_521, %mul3A_522 : vector<1x2048xf32>
    %mul3A_524 = arith.mulf %sub3A_520, %sub3A_520 : vector<1x2048xf32>
    %add3A_525 = arith.addf %add3A_523, %mul3A_524 : vector<1x2048xf32>
    %sqrt3A_526 = math.sqrt %add3A_525 : vector<1x2048xf32>
    %div3A = arith.constant 1.000000e+00 : f32
    %div3A_527 = vector.broadcast %div3A : f32 to vector<1x2048xf32>
    %div3A_528 = arith.divf %div3A_527, %sqrt3A_526 : vector<1x2048xf32>
    %concatenate3A = tpu.concatenate %sub3A_514, %sub3A_517, %sub3A_520 in 0 : vector<1x2048xf32>, vector<1x2048xf32>, vector<1x2048xf32> -> vector<3x2048xf32>
    %mul3A_529 = vector.broadcast %div3A_528 : vector<1x2048xf32> to vector<3x2048xf32>
    %mul3A_530 = arith.mulf %concatenate3A, %mul3A_529 : vector<3x2048xf32>
    %swap3A_531 = arith.constant 0 : index
    %swap3A_532 = arith.constant 0 : index
    %swap3A_533 = arith.constant 0 : index
    %swap3A_534 = vector.load %arg5[%swap3A_531, %swap3A_532, %swap3A_533] : memref<1x3x2048xf32, #tpu.memory_space<vmem>>, vector<1x3x2048xf32>
    %swap3A_535 = vector.shape_cast %swap3A_534 : vector<1x3x2048xf32> to vector<3x2048xf32>
    %swap3A_536 = vector.shape_cast %mul3A_530 : vector<3x2048xf32> to vector<1x3x2048xf32>
    tpu.vector_store %arg5[%swap3A_531, %swap3A_532, %swap3A_533], %swap3A_536 {strides = array<i32>} : memref<1x3x2048xf32, #tpu.memory_space<vmem>>, vector<1x3x2048xf32>,
    return
  }
  func.func @transform_0(%arg0: i32, %arg1: i32) -> (i32, i32) {
    %c0_i32 = arith.constant 0 : i32
    %c0_i32_0 = arith.constant 0 : i32
    %c0_i32_1 = arith.constant 0 : i32
    return %c0_i32, %c0_i32_0 : i32, i32
  }
  func.func @transform_1(%arg0: i32, %arg1: i32) -> (i32, i32, i32) {
    %c0_i32 = arith.constant 0 : i32
    %c0_i32_0 = arith.constant 0 : i32
    return %arg0, %c0_i32, %arg1 : i32, i32, i32
  }
  func.func @transform_2(%arg0: i32, %arg1: i32) -> (i32, i32, i32) {
    %c0_i32 = arith.constant 0 : i32
    %c0_i32_0 = arith.constant 0 : i32
    return %arg0, %c0_i32, %arg1 : i32, i32, i32
  }
  func.func @transform_3(%arg0: i32, %arg1: i32) -> (i32, i32, i32) {
    %c0_i32 = arith.constant 0 : i32
    %c0_i32_0 = arith.constant 0 : i32
    return %arg0, %c0_i32, %arg1 : i32, i32, i32
  }
}

</mosaic_0001>

<sc_bundles>
// kernel: kernel.10.cloned.1.call-start
scs
__scs_entry_jumppad:
0x0: {  	(pc) =	sbr.rel $0x88, $3  }
0x1: {  	(tag) =	ssettag $0x0;
	lr =	simm.s32 $0x1  }
0x2: {  	[smem:$0x3F9F] =	sst lr;
	_ =	strace $0xD0000000  }
0x3: {  	_ = 	snop  }
0x4: {  	_ = 	snop  }
0x5: {  	_ = 	snop  }
0x6: {  	_ = 	snop  }
0x7: {  	_ = 	snop  }
__scs_overlays_trampoline_lowered:
0x8: {  	[smem:$0x3FAE] =	sst s0  }
0x9: {  	[smem:$0x3FAF] =	sst s1  }
0xa: {  	[smem:$0x3FB0] =	sst s2  }
0xb: {  	[smem:$0x3FB1] =	sst s3  }
0xc: {  	[smem:$0x3FB2] =	sst s4  }
0xd: {  	[smem:$0x3FB3] =	sst s5  }
0xe: {  	[smem:$0x3FB4] =	sst s6  }
0xf: {  	[smem:$0x3FB5] =	sst s7  }
0x10: {  	[smem:$0x3FB6] =	sst s8  }
0x11: {  	[smem:$0x3FB7] =	sst s9;
	s0 =	simm.s32 @!p0 $0x0  }
0x12: {  	s1 =	sld [smem:$0x3F9D];
	s0 =	simm.s32 @p0 $0x1  }
0x13: {  	[smem:$0x3FB8] =	sst s0;
	s0 =	simm.s32 @!p1 $0x0  }
0x14: {  	s2 =	sld [smem:$0x3F9C];
	s0 =	simm.s32 @p1 $0x1  }
0x15: {  	[smem:$0x3FB9] =	sst s0;
	s0 =	simm.s32 @!p2 $0x0  }
0x16: {  	s3 =	sld [smem:$0x3FDB];
	s0 =	simm.s32 @p2 $0x1  }
0x17: {  	s4 =	simm.s32 $0x1BF5;
	[smem:$0x3FBB] =	sst s0  }
0x18: {  	s0 =	sld [smem:$0x3F9E];
	_ =	swait.ge [sflag:s4], $0x0  }
0x19: {  	s7 =	sld [smem:$0x3F9F]  }
0x1a: {  	s8 =	sadd.s32 $0xFFFFE003, lr  }
0x1b: {  	s9 =	sadd.s32 $0xFFFFFEF7, lr;
	s5 =	simm.s32 $0xFFFFFFFF;
	p2 =	slt.u32 s8, $0xFFFFF086  }
0x1c: {  	p1 =	slt.u32 s9, $0xF7A;
	s5 =	simm.s32 @!p2 $0x0  }
0x1d: {  	s5 =	simm.s32 @p1 $0x1;
	p0 =	seq.s32 s7, s2  }
0x1e: {  	s7 =	smul.u32 @!p0 $0xF7A, s2;
	p2 =	seq.s32 @!p0 s5, $0x0  }
0x1f: {  	s9 =	smul.u32 $0xF7A, s1;
	s8 =	simm.s32 @!p0 $0x1BF5;
	p2 =	por !p2, p0  }
0x20: {  	[sflag:s8] =	ssyncset.s32 @!p0 $0xFFFFF086;
	s6 =	sadd.s32 @!p0 s3, s7;
	s7 =	simm.s32 @!p0 $0x108  }
0x21: {  	s3 =	sadd.s32 s3, s9;
	s6 =	sadd.s32 @!p0 $0x88, s6;
	s7 =	simm.s32 @p2 $0x1082  }
0x22: {  	[simem:s7], [sflag:s8] =	dma.local @!p0 [hbm:s6], $0xF7A  }
0x23: {  	s9 =	sor.u32 $0xD0000000, s2;
	s6 =	simm.s32 $0x108;
	_ =	swait.ge @!p0 [sflag:s8], $0x0  }
0x24: {  	s3 =	sadd.s32 $0x88, s3;
	s6 =	simm.s32 @!p1 $0x1082;
	[sflag:s4] =	ssyncset.s32 $0xFFFFF086  }
0x25: {  	[simem:s6], [sflag:s4] =	dma.local [hbm:s3], $0xF7A  }
0x26: {  	[smem:$0x3F9F] =	sst s1;
	(tag) =	ssettag s2;
	_ =	strace s9  }
0x27: {  	s1 =	sld [smem:$0x3FAF]  }
0x28: {  	s2 =	sld [smem:$0x3FB0]  }
0x29: {  	s4 =	sld [smem:$0x3FB2]  }
0x2a: {  	p0 =	seq.s32 s5, $0x0;
	s5 =	sld [smem:$0x3FB3]  }
0x2b: {  	s6 =	sld [smem:$0x3FB4]  }
0x2c: {  	s7 =	sld [smem:$0x3FB5]  }
0x2d: {  	s3 =	simm.s32 $0x108;
	s8 =	sld [smem:$0x3FB6]  }
0x2e: {  	s3 =	simm.s32 @!p0 $0x1082;
	s9 =	sld [smem:$0x3FB7]  }
0x2f: {  	lr =	sadd.s32 s0, s3;
	s0 =	sld [smem:$0x3FAE]  }
0x30: {  	s3 =	sld [smem:$0x3FB1]  }
0x31: {  	[smem:$0x3FBA] =	sst s10  }
0x32: {  	s10 =	sld [smem:$0x3FB8];
	_ =	sdelay $0x3  }
0x33: {  	p0 =	seq.s32 s10, $0x1;
	s10 =	sld [smem:$0x3FBA];
	_ =	sdelay $0x3  }
0x34: {  	[smem:$0x3FBA] =	sst s10  }
0x35: {  	s10 =	sld [smem:$0x3FB9];
	_ =	sdelay $0x3  }
0x36: {  	p1 =	seq.s32 s10, $0x1;
	s10 =	sld [smem:$0x3FBA];
	_ =	sdelay $0x3  }
0x37: {  	[smem:$0x3FBA] =	sst s10  }
0x38: {  	s10 =	sld [smem:$0x3FBB]  }
0x39: {  	_ = 	snop;
	(pc) =	sbr.ind lr, $3  }
0x3a: {  	_ = 	snop  }
0x3b: {  	_ = 	snop  }
0x3c: {  	p2 =	seq.s32 s10, $0x1;
	s10 =	sld [smem:$0x3FBA]  }
0x3d: {  	_ =	shalt  }
0x3e: {  	_ =	shalt  }
0x3f: {  	_ =	shalt  }
0x40: {  	_ =	shalt  }
0x41: {  	_ =	shalt  }
0x42: {  	_ =	shalt  }
0x43: {  	_ =	shalt  }
0x44: {  	_ =	shalt  }
0x45: {  	_ =	shalt  }
0x46: {  	_ =	shalt  }
0x47: {  	_ =	shalt  }
0x48: {  	_ =	shalt  }
0x49: {  	_ =	shalt  }
0x4a: {  	_ =	shalt  }
0x4b: {  	_ =	shalt  }
0x4c: {  	_ =	shalt  }
0x4d: {  	_ =	shalt  }
0x4e: {  	_ =	shalt  }
0x4f: {  	_ =	shalt  }
0x50: {  	_ =	shalt  }
0x51: {  	_ =	shalt  }
0x52: {  	_ =	shalt  }
0x53: {  	_ =	shalt  }
0x54: {  	_ =	shalt  }
0x55: {  	_ =	shalt  }
0x56: {  	_ =	shalt  }
0x57: {  	_ =	shalt  }
0x58: {  	_ =	shalt  }
0x59: {  	_ =	shalt  }
0x5a: {  	_ =	shalt  }
0x5b: {  	_ =	shalt  }
0x5c: {  	_ =	shalt  }
0x5d: {  	_ =	shalt  }
0x5e: {  	_ =	shalt  }
0x5f: {  	_ =	shalt  }
0x60: {  	_ =	shalt  }
0x61: {  	_ =	shalt  }
0x62: {  	_ =	shalt  }
0x63: {  	_ =	shalt  }
0x64: {  	_ =	shalt  }
0x65: {  	_ =	shalt  }
0x66: {  	_ =	shalt  }
0x67: {  	_ =	shalt  }
0x68: {  	_ =	shalt  }
0x69: {  	_ =	shalt  }
0x6a: {  	_ =	shalt  }
0x6b: {  	_ =	shalt  }
0x6c: {  	_ =	shalt  }
0x6d: {  	_ =	shalt  }
0x6e: {  	_ =	shalt  }
0x6f: {  	_ =	shalt  }
0x70: {  	_ =	shalt  }
0x71: {  	_ =	shalt  }
0x72: {  	_ =	shalt  }
0x73: {  	_ =	shalt  }
0x74: {  	_ =	shalt  }
0x75: {  	_ =	shalt  }
0x76: {  	_ =	shalt  }
0x77: {  	_ =	shalt  }
0x78: {  	_ =	shalt  }
0x79: {  	_ =	shalt  }
0x7a: {  	_ =	shalt  }
0x7b: {  	_ =	shalt  }
0x7c: {  	_ =	shalt  }
0x7d: {  	_ =	shalt  }
0x7e: {  	_ =	shalt  }
0x7f: {  	_ =	shalt  }
0x80: {  	_ =	shalt  }
0x81: {  	_ =	shalt  }
0x82: {  	_ =	shalt  }
0x83: {  	_ =	shalt  }
0x84: {  	_ =	shalt  }
0x85: {  	_ =	shalt  }
0x86: {  	_ =	shalt  }
0x87: {  	_ =	shalt  }
.Lfunc_end0:
.L_simem_size_0:
called_computation.1_lowered:
.L_overlay_start_0:
0x88: {  	s2 =	sld [smem:$0x3FD9]  }
0x89: {  	s3 =	sld [smem:$0x3FFE];
	_ =	sdelay $0x1  }
0x8a: {  	s1 =	srdreg.scid  }
0x8b: {  	s0 =	sand.u32 $0x1, s1  }
0x8c: {  	s14 =	sshll.u32 s0, $0xA;
	s2 =	sadd.s32 s3, s2  }
0x8d: {  	s2 =	sadd.s32 s2, s14  }
0x8e: {  	[smem:$0x3FC6] =	sst s2  }
0x8f: {  	_ = 	snop  }
0x90: {  	s2 =	sld [smem:$0x3FD0];
	_ =	sdelay $0x2  }
0x91: {  	s15 =	simm.s32 $0xA;
	s4 =	simm.s32 $0x10  }
0x92: {  	[smem:s4], [sflag:s15] =	dma.local [hbm:s2], $0x1  }
0x93: {  	_ =	swait.eq [sflag:s15], $0x1  }
0x94: {  	[sflag:s15] =	ssyncset.done $0x0  }
0x95: {  	s16 =	sld [smem:$0x10];
	[sflag:s15] =	ssyncadd.s32 $0xFFFFFFFF  }
0x96: {  	s17 =	sld [smem:$0x11];
	(tm) =	ssettm $0x1  }
0x97: {  	s18 =	sld [smem:$0x3FFB];
	_ =	sdelay $0x3  }
0x98: {  	_ =	strace s18  }
0x99: {  	s4 =	sld [smem:$0x3FFC];
	_ =	sdelay $0x3  }
0x9a: {  	_ =	strace s4  }
0x9b: {  	s4 =	sld [smem:$0x3FFD];
	_ =	sdelay $0x3  }
0x9c: {  	_ =	strace s4  }
0x9d: {  	_ =	strace $0x8FFFFFFF  }
0x9e: {  	s19 =	sld [smem:$0x3FDB];
	_ =	sdelay $0x1  }
0x9f: {  	s5 =	simm.s32 $_scs_section_size  }
0xa0: {  	s6 =	simm.s32 $_size__tile_overlayer_lowered;
	s7 =	simm.s32 $_tile_overlayer_lowered  }
0xa1: {  	s22 =	simm.s32 $0x1BFF;
	s21 =	sshll.u32 s7, $0x1;
	s4 =	sadd.s32 s5, s19  }
0xa2: {  	s8 =	simm.s32 $0x0;
	s20 =	sshll.u32 s6, $0x1;
	s6 =	sadd.s32 s21, s4  }
0xa3: {  	[timem:s8], [sflag:s22] =	dma.local [hbm:s6], s20  }
0xa4: {  	_ =	swait.ge [sflag:s22], s20  }
0xa5: {  	s5 =	ssub.s32 $0x0, s20;
	[sflag:s22] =	ssyncset.done $0x0  }
0xa6: {  	[sflag:s22] =	ssyncadd.s32 s5;
	_ =	sdelay $0x1  }
0xa7: {  	s23 =	simm.s32 $0x1B8B  }
0xa8: {  	_ =	swait.ge [sflag:s23], $0x1  }
0xa9: {  	[sflag:s23] =	ssyncset.done $0x0  }
0xaa: {  	s25 =	simm.s32 $0x1B8E;
	s24 =	sld [smem:$0x3FFE];
	[sflag:s23] =	ssyncadd.s32 $0xFFFFFFFF  }
0xab: {  	s26 =	simm.s32 $execute0_lowered;
	[smem:$0x3FD2] =	sst s25  }
0xac: {  	s6 =	sshll.u32 s26, $0x1;
	_ =	strace $0x80000049;
	[dreg:$0x1] =	wrdreg $0xFFFFFFFF  }
0xad: {  	s28 =	simm.s32 $_size_execute0_lowered;
	s4 =	sadd.s32 s4, s6;
	[dreg:$0x0] =	wrdreg $0x0  }
0xae: {  	s6 =	sshll.u32 s28, $0x1;
	[dreg:$0x2] =	wrdreg s4  }
0xaf: {  	[dreg:$0x3] =	wrdreg s6  }
0xb0: {  	[dreg:$0x4] =	wrdreg $0xC0  }
0xb1: {  	_ =	task [dreg:s8], $0x5FFFF  }
0xb2: {  	[dreg:$0x1] =	wrdreg $0xFFFFFFFF  }
0xb3: {  	[dreg:$0x0] =	wrdreg $0x60  }
0xb4: {  	[dreg:$0x2] =	wrdreg s16  }
0xb5: {  	[dreg:$0x3] =	wrdreg s24  }
0xb6: {  	[dreg:$0x4] =	wrdreg s17  }
0xb7: {  	[dreg:$0x5] =	wrdreg $0x9  }
0xb8: {  	_ =	task.clear_ibuf [dreg:s8], $0x6FFFF;
	_ =	strace $0x90000049  }
0xb9: {  	s29 =	simm.s32 $0x9;
	_ =	strace $0x8000004B  }
0xba: {  	_ =	swait.ge [sflag:s29], $0x1  }
0xbb: {  	[sflag:s29] =	ssyncadd.s32 $0xFFFFFFFF  }
0xbc: {  	_ =	strace $0x9000004B  }
0xbd: {  	_ =	sfence  }
0xbe: {  	s30 =	sld [smem:$0x0];
	_ =	sdelay $0x2  }
0xbf: {  	s31 =	sshll.u32 s1, $0xD;
	s1 =	sshrl.u32 s1, $0x2  }
0xc0: {  	s3 =	sand.u32 $0x4000, s31;
	s1 =	sadd.s32 s1, s30  }
0xc1: {  	s0 =	sor.u32 s3, s0;
	s1 =	sshll.u32 s1, $0x11  }
0xc2: {  	s0 =	sor.u32 s1, s0  }
0xc3: {  	s0 =	sadd.s32 $0x8F2B, s0  }
0xc4: {  	[sflag:s0] =	ssyncadd.remote.s32 $0x1  }
0xc5: {  	_ =	sfence.sel $0xFFFF  }
0xc6: {  	[dreg:$0x0] =	wrdreg $0xFFFFFFFF;
	(pc) =	sbr.abs _section_cstart, $3  }
0xc7: {  	[dreg:$0x1] =	wrdreg $0xFFFFFFFF  }
0xc8: {  	_ =	task.clear_ibuf [dreg:s8], $0x2FFFF;
	_ =	strace $0x9FFFFFFF  }
0xc9: {  	(tm) =	ssettm $0x7FFFFFFF  }
tec
execute0_lowered:
.L_overlay_start_1:
0x0: {  	(tag) =	ssettag $0x1  }
0x1: {  	s0 =	rddreg [dreg:$0x0]  }
0x2: {  	s4 =	rddreg [dreg:$0x1]  }
0x3: {  	s6 =	rddreg [dreg:$0x2]  }
0x4: {  	s1 =	stileid.u32;
	s2 =	simm.s32 $0x0;
	s5 =	srdreg.scid  }
0x5: {  	s20 =	simm.s32 $0x1;
	s21 =	simm.s32 $0x2710;
	s22 =	simm.s32 $0x4E20  }
0x6: {  	s23 =	simm.s32 $0xC530;
	s28 =	simm.s32 $0xF530;
	s29 =	simm.s32 $0x0  }
0x7: {  	s3 =	sshrl.u32 s1, $0x1;
	s5 =	sand.u32 $0x1, s5;
	s8 =	sshll.u32 s1, $0xD  }
0x8: {  	[smem:$0x7FF] =	sst s2;
	s7 =	smul.u32 $0xF000, s3;
	s9 =	sshll.u32 s5, $0xC  }
0x9: {  	s8 =	sand.u32 $0x2000, s8;
	s10 =	smul.u32 $0x24000, s3;
	_ =	strace $0x8000004A  }
0xa: {  	s5 =	ssub.s32 $0x2, s5;
	s26 =	smul.u32 $0x4E2, s3;
	s3 =	sshll.u32 s3, $0xE  }
0xb: {  	s8 =	sor.u32 s9, s8;
	s25 =	sshrl.u32 s5, $0x1;
	s7 =	sshrl.u32 s7, $0x3  }
0xc: {  	s9 =	sor.u32 s10, s8;
	s19 =	ssub.s32 s5, s25;
	s30 =	sor.u32 s3, s8  }
0xd: {  	s3 =	sadd.s32 s0, s26;
	s25 =	simm.s32 $0xD530;
	s15 =	sadd.s32 s7, s4  }
0xe: {  	s24 =	sshrl.u32 s9, $0x3;
	s31 =	sshrl.u32 s30, $0x3;
	s19 =	smax.u32 s19, $0x1  }
0xf: {  	s18 =	sadd.s32 s24, s4;
	s4 =	sadd.s32 s4, s26;
	s6 =	sadd.s32 s6, s31  }
0x10: {  	s7 =	sadd.s32 $0x5000, s15;
	s11 =	sadd.s32 $0x5A00, s15;
	s15 =	sadd.s32 $0x6400, s15  }
0x11: {  	s24 =	simm.s32 $0x7530;
	s26 =	simm.s32 $0xE530;
	s5 =	sadd.s32 $0x2800, s4  }
0x12: {  	s8 =	sadd.s32 $0x14000, s18;
	s9 =	sadd.s32 $0x14800, s18;
	s10 =	sadd.s32 $0x15000, s18  }
0x13: {  	s12 =	sadd.s32 $0x15800, s18;
	s13 =	sadd.s32 $0x16000, s18;
	s14 =	sadd.s32 $0x16800, s18  }
0x14: {  	s16 =	sadd.s32 $0x17000, s18;
	s17 =	sadd.s32 $0x17800, s18;
	s18 =	sadd.s32 $0x18000, s18  }
.LBB2_1:
0x15: {  	[tilespmem:s2], [sflag:$0x1] =	stream.linear.gather [hbm4b:s3+s2], $0x2710, $0x38;
	[tilespmem:$0x10530] =	vst v63  }
0x16: {  	_ =	swait.ge [sflag:s20], $0x2710  }
0x17: {  	[sflag:s20] =	ssyncset.done $0x0  }
0x18: {  	[sflag:s20] =	ssyncadd.s32 $0xFFFFD8F0  }
0x19: {  	[tilespmem:s21], [sflag:$0x1] =	stream.linear.gather [hbm4b:s5+s2], $0x2710, $0x38;
	[tilespmem:$0x10530] =	vst v63  }
0x1a: {  	_ =	swait.ge [sflag:s20], $0x2710  }
0x1b: {  	[sflag:s20] =	ssyncset.done $0x0  }
0x1c: {  	[sflag:s20] =	ssyncadd.s32 $0xFFFFD8F0  }
0x1d: {  	[tilespmem:s22], [sflag:$0x1] =	stream.linear.gather [hbm4b:s4+s2], $0x2710, $0x38;
	[tilespmem:$0x10530] =	vst v63  }
0x1e: {  	_ =	swait.ge [sflag:s20], $0x2710  }
0x1f: {  	[sflag:s20] =	ssyncset.done $0x0  }
0x20: {  	[sflag:s20] =	ssyncadd.s32 $0xFFFFD8F0  }
0x21: {  	[tilespmem:s23], [sflag:$0x1] =	stream.linear.gather [hbm4b:s6+s2], $0x1000, $0x38;
	[tilespmem:$0x10530] =	vst v63  }
0x22: {  	_ =	swait.ge [sflag:s20], $0x1000  }
0x23: {  	[sflag:s20] =	ssyncset.done $0x0  }
0x24: {  	[sflag:s20] =	ssyncadd.s32 $0xFFFFF000  }
0x25: {  	[tilespmem:s24], [sflag:$0x1] =	stream.linear.gather [hbm4b:s7+s2], $0x5000, $0x38;
	[tilespmem:$0x10530] =	vst v63  }
0x26: {  	_ =	swait.ge [sflag:s20], $0x5000  }
0x27: {  	[sflag:s20] =	ssyncset.done $0x0  }
0x28: {  	s30 =	simm.s32 $0x0;
	[sflag:s20] =	ssyncadd.s32 $0xFFFFB000  }
0x29: {  	v0 =	vld [tilespmem:s30+$0xC530];
	_ =	sdelay $0x7  }
0x2a: {  	v0 =	vld.idx.msk [tilespmem:v0+s24+$0x0], $0xffff;
	_ =	sdelay $0x7  }
0x2b: {  	v1 =	vld.idx.msk [tilespmem:v0+s2+$0x0], $0xffff;
	_ =	sdelay $0x4  }
0x2c: {  	[tilespmem:s30+$0xD530] =	vst v1  }
0x2d: {  	v1 =	vld.idx.msk [tilespmem:v0+s21+$0x0], $0xffff;
	_ =	sdelay $0x3  }
0x2e: {  	s0 =	simm.s32 $0x10;
	s31 =	simm.s32 $0x80  }
.LBB2_2:
0x2f: {  	p0 =	sne.s32 s31, $0x3FC0;
	v2 =	vld [tilespmem:s0+$0xC530];
	[tilespmem:s30+$0xE530] =	vst v1  }
0x30: {  	v0 =	vld.idx.msk [tilespmem:v0+s22+$0x0], $0xffff;
	_ =	sdelay $0x5  }
0x31: {  	[tilespmem:s30+$0xF530] =	vst v0;
	s30 =	smov.u32 s0  }
0x32: {  	v0 =	vld.idx.msk [tilespmem:v2+s24+$0x0], $0xffff;
	_ =	sdelay $0x7  }
0x33: {  	v1 =	vld.idx.msk [tilespmem:v0+s2+$0x0], $0xffff;
	_ =	sdelay $0x5  }
0x34: {  	[tilespmem:s30+$0xD530] =	vst v1  }
0x35: {  	v1 =	vld.idx.msk [tilespmem:v0+s21+$0x0], $0xffff  }
.Ltmp0:
0x36: {  	(pc) =	sbr.rel @p0 .LBB2_2-.Ltmp0, $2  }
0x37: {  	_ =	sdelay $0x2  }
0x38: {  	s0 =	sshra.s32 s31, $0x2;
	s31 =	sadd.s32 $0x40, s31  }
0x39: {  	_ =	sdelay $0x1  }
0x3a: {  	v2 =	vld [tilespmem:s0+$0xC530]  }
0x3b: {  	[tilespmem:s30+$0xE530] =	vst v1  }
0x3c: {  	v0 =	vld.idx.msk [tilespmem:v0+s22+$0x0], $0xffff;
	_ =	sdelay $0x4  }
0x3d: {  	[tilespmem:s30+$0xF530] =	vst v0  }
0x3e: {  	v0 =	vld.idx.msk [tilespmem:v2+s24+$0x0], $0xffff;
	_ =	sdelay $0x7  }
0x3f: {  	v1 =	vld.idx.msk [tilespmem:v0+s2+$0x0], $0xffff;
	_ =	sdelay $0x4  }
0x40: {  	[tilespmem:s0+$0xD530] =	vst v1  }
0x41: {  	v1 =	vld.idx.msk [tilespmem:v0+s21+$0x0], $0xffff;
	_ =	sdelay $0x4  }
0x42: {  	[tilespmem:s0+$0xE530] =	vst v1  }
0x43: {  	v0 =	vld.idx.msk [tilespmem:v0+s22+$0x0], $0xffff;
	_ =	sdelay $0x4  }
0x44: {  	[tilespmem:s0+$0xF530] =	vst v0;
	s0 =	simm.s32 $0x0  }
0x45: {  	[hbm4b:s8+s0] =	stream.linear.scatter [tilespmem:s25], [sflag:$0x1], $0x1000, $0x38;
	[tilespmem:$0x10530] =	vst v63  }
0x46: {  	_ =	swait.ge [sflag:s20], $0x1000  }
0x47: {  	[sflag:s20] =	ssyncset.done $0x0  }
0x48: {  	[sflag:s20] =	ssyncadd.s32 $0xFFFFF000  }
0x49: {  	[hbm4b:s9+s0] =	stream.linear.scatter [tilespmem:s26], [sflag:$0x1], $0x1000, $0x38;
	[tilespmem:$0x10530] =	vst v63  }
0x4a: {  	_ =	swait.ge [sflag:s20], $0x1000  }
0x4b: {  	[sflag:s20] =	ssyncset.done $0x0  }
0x4c: {  	[sflag:s20] =	ssyncadd.s32 $0xFFFFF000  }
0x4d: {  	[hbm4b:s10+s0] =	stream.linear.scatter [tilespmem:s28], [sflag:$0x1], $0x1000, $0x38;
	[tilespmem:$0x10530] =	vst v63  }
0x4e: {  	_ =	swait.ge [sflag:s20], $0x1000  }
0x4f: {  	[sflag:s20] =	ssyncset.done $0x0  }
0x50: {  	[sflag:s20] =	ssyncadd.s32 $0xFFFFF000  }
0x51: {  	[tilespmem:s24], [sflag:$0x1] =	stream.linear.gather [hbm4b:s11+s0], $0x5000, $0x38;
	[tilespmem:$0x10530] =	vst v63  }
0x52: {  	_ =	swait.ge [sflag:s20], $0x5000  }
0x53: {  	[sflag:s20] =	ssyncset.done $0x0  }
0x54: {  	s30 =	simm.s32 $0x0;
	[sflag:s20] =	ssyncadd.s32 $0xFFFFB000  }
0x55: {  	v0 =	vld [tilespmem:s30+$0xC530];
	_ =	sdelay $0x7  }
0x56: {  	v0 =	vld.idx.msk [tilespmem:v0+s24+$0x0], $0xffff;
	_ =	sdelay $0x7  }
0x57: {  	v1 =	vld.idx.msk [tilespmem:v0+s2+$0x0], $0xffff;
	_ =	sdelay $0x4  }
0x58: {  	[tilespmem:s30+$0xD530] =	vst v1  }
0x59: {  	v1 =	vld.idx.msk [tilespmem:v0+s21+$0x0], $0xffff;
	_ =	sdelay $0x3  }
0x5a: {  	s31 =	simm.s32 $0x80;
	s0 =	simm.s32 $0x10  }
.LBB2_4:
0x5b: {  	p0 =	sne.s32 s31, $0x3FC0;
	v2 =	vld [tilespmem:s0+$0xC530];
	[tilespmem:s30+$0xE530] =	vst v1  }
0x5c: {  	v0 =	vld.idx.msk [tilespmem:v0+s22+$0x0], $0xffff;
	_ =	sdelay $0x5  }
0x5d: {  	[tilespmem:s30+$0xF530] =	vst v0;
	s30 =	smov.u32 s0  }
0x5e: {  	v0 =	vld.idx.msk [tilespmem:v2+s24+$0x0], $0xffff;
	_ =	sdelay $0x7  }
0x5f: {  	v1 =	vld.idx.msk [tilespmem:v0+s2+$0x0], $0xffff;
	_ =	sdelay $0x5  }
0x60: {  	[tilespmem:s30+$0xD530] =	vst v1  }
0x61: {  	v1 =	vld.idx.msk [tilespmem:v0+s21+$0x0], $0xffff  }
.Ltmp1:
0x62: {  	(pc) =	sbr.rel @p0 .LBB2_4-.Ltmp1, $2  }
0x63: {  	_ =	sdelay $0x2  }
0x64: {  	s0 =	sshra.s32 s31, $0x2;
	s31 =	sadd.s32 $0x40, s31  }
0x65: {  	_ =	sdelay $0x1  }
0x66: {  	v2 =	vld [tilespmem:s0+$0xC530]  }
0x67: {  	[tilespmem:s30+$0xE530] =	vst v1  }
0x68: {  	v0 =	vld.idx.msk [tilespmem:v0+s22+$0x0], $0xffff;
	_ =	sdelay $0x4  }
0x69: {  	[tilespmem:s30+$0xF530] =	vst v0  }
0x6a: {  	v0 =	vld.idx.msk [tilespmem:v2+s24+$0x0], $0xffff;
	_ =	sdelay $0x7  }
0x6b: {  	v1 =	vld.idx.msk [tilespmem:v0+s2+$0x0], $0xffff;
	_ =	sdelay $0x4  }
0x6c: {  	[tilespmem:s0+$0xD530] =	vst v1  }
0x6d: {  	v1 =	vld.idx.msk [tilespmem:v0+s21+$0x0], $0xffff;
	_ =	sdelay $0x4  }
0x6e: {  	[tilespmem:s0+$0xE530] =	vst v1  }
0x6f: {  	v0 =	vld.idx.msk [tilespmem:v0+s22+$0x0], $0xffff;
	_ =	sdelay $0x4  }
0x70: {  	[tilespmem:s0+$0xF530] =	vst v0;
	s0 =	simm.s32 $0x0  }
0x71: {  	[hbm4b:s12+s0] =	stream.linear.scatter [tilespmem:s25], [sflag:$0x1], $0x1000, $0x38;
	[tilespmem:$0x10530] =	vst v63  }
0x72: {  	_ =	swait.ge [sflag:s20], $0x1000  }
0x73: {  	[sflag:s20] =	ssyncset.done $0x0  }
0x74: {  	[sflag:s20] =	ssyncadd.s32 $0xFFFFF000  }
0x75: {  	[hbm4b:s13+s0] =	stream.linear.scatter [tilespmem:s26], [sflag:$0x1], $0x1000, $0x38;
	[tilespmem:$0x10530] =	vst v63  }
0x76: {  	_ =	swait.ge [sflag:s20], $0x1000  }
0x77: {  	[sflag:s20] =	ssyncset.done $0x0  }
0x78: {  	[sflag:s20] =	ssyncadd.s32 $0xFFFFF000  }
0x79: {  	[hbm4b:s14+s0] =	stream.linear.scatter [tilespmem:s28], [sflag:$0x1], $0x1000, $0x38;
	[tilespmem:$0x10530] =	vst v63  }
0x7a: {  	_ =	swait.ge [sflag:s20], $0x1000  }
0x7b: {  	[sflag:s20] =	ssyncset.done $0x0  }
0x7c: {  	[sflag:s20] =	ssyncadd.s32 $0xFFFFF000  }
0x7d: {  	[tilespmem:s24], [sflag:$0x1] =	stream.linear.gather [hbm4b:s15+s0], $0x5000, $0x38;
	[tilespmem:$0x10530] =	vst v63  }
0x7e: {  	_ =	swait.ge [sflag:s20], $0x5000  }
0x7f: {  	[sflag:s20] =	ssyncset.done $0x0  }
0x80: {  	s30 =	simm.s32 $0x0;
	[sflag:s20] =	ssyncadd.s32 $0xFFFFB000  }
0x81: {  	v0 =	vld [tilespmem:s30+$0xC530];
	_ =	sdelay $0x7  }
0x82: {  	v0 =	vld.idx.msk [tilespmem:v0+s24+$0x0], $0xffff;
	_ =	sdelay $0x7  }
0x83: {  	v1 =	vld.idx.msk [tilespmem:v0+s2+$0x0], $0xffff;
	_ =	sdelay $0x4  }
0x84: {  	[tilespmem:s30+$0xD530] =	vst v1  }
0x85: {  	v1 =	vld.idx.msk [tilespmem:v0+s21+$0x0], $0xffff;
	_ =	sdelay $0x3  }
0x86: {  	s31 =	simm.s32 $0x80;
	s0 =	simm.s32 $0x10  }
.LBB2_6:
0x87: {  	p0 =	sne.s32 s31, $0x3FC0;
	v2 =	vld [tilespmem:s0+$0xC530];
	[tilespmem:s30+$0xE530] =	vst v1  }
0x88: {  	v0 =	vld.idx.msk [tilespmem:v0+s22+$0x0], $0xffff;
	_ =	sdelay $0x5  }
0x89: {  	[tilespmem:s30+$0xF530] =	vst v0;
	s30 =	smov.u32 s0  }
0x8a: {  	v0 =	vld.idx.msk [tilespmem:v2+s24+$0x0], $0xffff;
	_ =	sdelay $0x7  }
0x8b: {  	v1 =	vld.idx.msk [tilespmem:v0+s2+$0x0], $0xffff;
	_ =	sdelay $0x5  }
0x8c: {  	[tilespmem:s30+$0xD530] =	vst v1  }
0x8d: {  	v1 =	vld.idx.msk [tilespmem:v0+s21+$0x0], $0xffff  }
.Ltmp2:
0x8e: {  	(pc) =	sbr.rel @p0 .LBB2_6-.Ltmp2, $2  }
0x8f: {  	_ =	sdelay $0x2  }
0x90: {  	s0 =	sshra.s32 s31, $0x2;
	s31 =	sadd.s32 $0x40, s31  }
0x91: {  	_ =	sdelay $0x1  }
0x92: {  	v2 =	vld [tilespmem:s0+$0xC530]  }
0x93: {  	[tilespmem:s30+$0xE530] =	vst v1  }
0x94: {  	v0 =	vld.idx.msk [tilespmem:v0+s22+$0x0], $0xffff;
	_ =	sdelay $0x4  }
0x95: {  	[tilespmem:s30+$0xF530] =	vst v0  }
0x96: {  	v0 =	vld.idx.msk [tilespmem:v2+s24+$0x0], $0xffff;
	_ =	sdelay $0x7  }
0x97: {  	v1 =	vld.idx.msk [tilespmem:v0+s2+$0x0], $0xffff;
	_ =	sdelay $0x4  }
0x98: {  	[tilespmem:s0+$0xD530] =	vst v1  }
0x99: {  	v1 =	vld.idx.msk [tilespmem:v0+s21+$0x0], $0xffff;
	_ =	sdelay $0x4  }
0x9a: {  	[tilespmem:s0+$0xE530] =	vst v1  }
0x9b: {  	v0 =	vld.idx.msk [tilespmem:v0+s22+$0x0], $0xffff;
	_ =	sdelay $0x4  }
0x9c: {  	[tilespmem:s0+$0xF530] =	vst v0  }
0x9d: {  	[hbm4b:s16+s2] =	stream.linear.scatter [tilespmem:s25], [sflag:$0x1], $0x1000, $0x38;
	[tilespmem:$0x10530] =	vst v63  }
0x9e: {  	_ =	swait.ge [sflag:s20], $0x1000  }
0x9f: {  	[sflag:s20] =	ssyncset.done $0x0  }
0xa0: {  	[sflag:s20] =	ssyncadd.s32 $0xFFFFF000  }
0xa1: {  	[hbm4b:s17+s2] =	stream.linear.scatter [tilespmem:s26], [sflag:$0x1], $0x1000, $0x38;
	[tilespmem:$0x10530] =	vst v63  }
0xa2: {  	s29 =	sadd.s32 $0x1, s29;
	_ =	swait.ge [sflag:s20], $0x1000  }
0xa3: {  	p0 =	sne.s32 s29, s19;
	[sflag:s20] =	ssyncset.done $0x0  }
.Ltmp3:
0xa4: {  	[sflag:s20] =	ssyncadd.s32 $0xFFFFF000;
	(pc) =	sbr.rel @p0 .LBB2_1-.Ltmp3, $4  }
0xa5: {  	[hbm4b:s18+s2] =	stream.linear.scatter [tilespmem:s28], [sflag:$0x1], $0x1000, $0x38;
	[tilespmem:$0x10530] =	vst v63  }
0xa6: {  	_ =	swait.ge [sflag:s20], $0x1000  }
0xa7: {  	[sflag:s20] =	ssyncset.done $0x0  }
0xa8: {  	[sflag:s20] =	ssyncadd.s32 $0xFFFFF000  }
0xa9: {  	_ =	sfence.sel $0x180000  }
0xaa: {  	[bflag:$0x0] =	sbarrier.arrive $0xFFFF  }
0xab: {  	_ =	strace $0x9000004A  }
0xac: {  	[bflag:$0x2] =	sbarrier.arrive $0xFFFF  }
0xad: {  	p0 =	sne.s32 s1, $0x0;
	s0 =	rddreg [dreg:$0x3]  }
0xae: {  	s0 =	sadd.s32 @!p0 $0x100000, s0  }
0xaf: {  	[sflag:s0] =	ssyncadd.tile.s32 @!p0 $0x1;
	_ =	shalt  }
.Lfunc_end2:
_tile_overlayer_lowered:
.L_overlay_start_2:
0xb0: {  	(tag) =	ssettag $0x2  }
0xb1: {  	s0 =	rddreg [dreg:$0x0];
	s2 =	stileid.u32  }
0xb2: {  	s1 =	rddreg [dreg:$0x1];
	p0 =	sne.s32 s2, $0x0  }
0xb3: {  	s3 =	rddreg [dreg:$0x2];
	[bflag:$0x3] =	sbarrier.arrive $0xFFFF;
	s2 =	simm.s32 @!p0 $0x1C01  }
0xb4: {  	[timem:s3], [sflag:s2] =	dma.local @!p0 [hbm:s0], s1  }
0xb5: {  	s0 =	simm.s32 @!p0 $0x1  }
0xb6: {  	_ =	swait.ge @!p0 [sflag:s0], s1  }
0xb7: {  	s1 =	ssub.s32 @!p0 $0x0, s1;
	[sflag:s0] =	ssyncset.done @!p0 $0x0  }
0xb8: {  	[sflag:s0] =	ssyncadd.s32 @!p0 s1  }
0xb9: {  	[bflag:$0x3] =	sbarrier.arrive $0xFFFF  }
0xba: {  	_ =	shalt  }

// kernel: kernel.7.cloned.1.call-start
scs
__scs_entry_jumppad:
0x0: {  	(pc) =	sbr.rel $0x88, $3  }
0x1: {  	(tag) =	ssettag $0x0;
	lr =	simm.s32 $0x1  }
0x2: {  	[smem:$0x3F9F] =	sst lr;
	_ =	strace $0xD0000000  }
0x3: {  	_ = 	snop  }
0x4: {  	_ = 	snop  }
0x5: {  	_ = 	snop  }
0x6: {  	_ = 	snop  }
0x7: {  	_ = 	snop  }
__scs_overlays_trampoline_lowered:
0x8: {  	[smem:$0x3FAE] =	sst s0  }
0x9: {  	[smem:$0x3FAF] =	sst s1  }
0xa: {  	[smem:$0x3FB0] =	sst s2  }
0xb: {  	[smem:$0x3FB1] =	sst s3  }
0xc: {  	[smem:$0x3FB2] =	sst s4  }
0xd: {  	[smem:$0x3FB3] =	sst s5  }
0xe: {  	[smem:$0x3FB4] =	sst s6  }
0xf: {  	[smem:$0x3FB5] =	sst s7  }
0x10: {  	[smem:$0x3FB6] =	sst s8  }
0x11: {  	[smem:$0x3FB7] =	sst s9;
	s0 =	simm.s32 @!p0 $0x0  }
0x12: {  	s1 =	sld [smem:$0x3F9D];
	s0 =	simm.s32 @p0 $0x1  }
0x13: {  	[smem:$0x3FB8] =	sst s0;
	s0 =	simm.s32 @!p1 $0x0  }
0x14: {  	s2 =	sld [smem:$0x3F9C];
	s0 =	simm.s32 @p1 $0x1  }
0x15: {  	[smem:$0x3FB9] =	sst s0;
	s0 =	simm.s32 @!p2 $0x0  }
0x16: {  	s3 =	sld [smem:$0x3FDB];
	s0 =	simm.s32 @p2 $0x1  }
0x17: {  	s4 =	simm.s32 $0x1BF5;
	[smem:$0x3FBB] =	sst s0  }
0x18: {  	s0 =	sld [smem:$0x3F9E];
	_ =	swait.ge [sflag:s4], $0x0  }
0x19: {  	s7 =	sld [smem:$0x3F9F]  }
0x1a: {  	s8 =	sadd.s32 $0xFFFFE003, lr  }
0x1b: {  	s9 =	sadd.s32 $0xFFFFFEF7, lr;
	s5 =	simm.s32 $0xFFFFFFFF;
	p2 =	slt.u32 s8, $0xFFFFF086  }
0x1c: {  	p1 =	slt.u32 s9, $0xF7A;
	s5 =	simm.s32 @!p2 $0x0  }
0x1d: {  	s5 =	simm.s32 @p1 $0x1;
	p0 =	seq.s32 s7, s2  }
0x1e: {  	s7 =	smul.u32 @!p0 $0xF7A, s2;
	p2 =	seq.s32 @!p0 s5, $0x0  }
0x1f: {  	s9 =	smul.u32 $0xF7A, s1;
	s8 =	simm.s32 @!p0 $0x1BF5;
	p2 =	por !p2, p0  }
0x20: {  	[sflag:s8] =	ssyncset.s32 @!p0 $0xFFFFF086;
	s6 =	sadd.s32 @!p0 s3, s7;
	s7 =	simm.s32 @!p0 $0x108  }
0x21: {  	s3 =	sadd.s32 s3, s9;
	s6 =	sadd.s32 @!p0 $0x88, s6;
	s7 =	simm.s32 @p2 $0x1082  }
0x22: {  	[simem:s7], [sflag:s8] =	dma.local @!p0 [hbm:s6], $0xF7A  }
0x23: {  	s9 =	sor.u32 $0xD0000000, s2;
	s6 =	simm.s32 $0x108;
	_ =	swait.ge @!p0 [sflag:s8], $0x0  }
0x24: {  	s3 =	sadd.s32 $0x88, s3;
	s6 =	simm.s32 @!p1 $0x1082;
	[sflag:s4] =	ssyncset.s32 $0xFFFFF086  }
0x25: {  	[simem:s6], [sflag:s4] =	dma.local [hbm:s3], $0xF7A  }
0x26: {  	[smem:$0x3F9F] =	sst s1;
	(tag) =	ssettag s2;
	_ =	strace s9  }
0x27: {  	s1 =	sld [smem:$0x3FAF]  }
0x28: {  	s2 =	sld [smem:$0x3FB0]  }
0x29: {  	s4 =	sld [smem:$0x3FB2]  }
0x2a: {  	p0 =	seq.s32 s5, $0x0;
	s5 =	sld [smem:$0x3FB3]  }
0x2b: {  	s6 =	sld [smem:$0x3FB4]  }
0x2c: {  	s7 =	sld [smem:$0x3FB5]  }
0x2d: {  	s3 =	simm.s32 $0x108;
	s8 =	sld [smem:$0x3FB6]  }
0x2e: {  	s3 =	simm.s32 @!p0 $0x1082;
	s9 =	sld [smem:$0x3FB7]  }
0x2f: {  	lr =	sadd.s32 s0, s3;
	s0 =	sld [smem:$0x3FAE]  }
0x30: {  	s3 =	sld [smem:$0x3FB1]  }
0x31: {  	[smem:$0x3FBA] =	sst s10  }
0x32: {  	s10 =	sld [smem:$0x3FB8];
	_ =	sdelay $0x3  }
0x33: {  	p0 =	seq.s32 s10, $0x1;
	s10 =	sld [smem:$0x3FBA];
	_ =	sdelay $0x3  }
0x34: {  	[smem:$0x3FBA] =	sst s10  }
0x35: {  	s10 =	sld [smem:$0x3FB9];
	_ =	sdelay $0x3  }
0x36: {  	p1 =	seq.s32 s10, $0x1;
	s10 =	sld [smem:$0x3FBA];
	_ =	sdelay $0x3  }
0x37: {  	[smem:$0x3FBA] =	sst s10  }
0x38: {  	s10 =	sld [smem:$0x3FBB]  }
0x39: {  	_ = 	snop;
	(pc) =	sbr.ind lr, $3  }
0x3a: {  	_ = 	snop  }
0x3b: {  	_ = 	snop  }
0x3c: {  	p2 =	seq.s32 s10, $0x1;
	s10 =	sld [smem:$0x3FBA]  }
0x3d: {  	_ =	shalt  }
0x3e: {  	_ =	shalt  }
0x3f: {  	_ =	shalt  }
0x40: {  	_ =	shalt  }
0x41: {  	_ =	shalt  }
0x42: {  	_ =	shalt  }
0x43: {  	_ =	shalt  }
0x44: {  	_ =	shalt  }
0x45: {  	_ =	shalt  }
0x46: {  	_ =	shalt  }
0x47: {  	_ =	shalt  }
0x48: {  	_ =	shalt  }
0x49: {  	_ =	shalt  }
0x4a: {  	_ =	shalt  }
0x4b: {  	_ =	shalt  }
0x4c: {  	_ =	shalt  }
0x4d: {  	_ =	shalt  }
0x4e: {  	_ =	shalt  }
0x4f: {  	_ =	shalt  }
0x50: {  	_ =	shalt  }
0x51: {  	_ =	shalt  }
0x52: {  	_ =	shalt  }
0x53: {  	_ =	shalt  }
0x54: {  	_ =	shalt  }
0x55: {  	_ =	shalt  }
0x56: {  	_ =	shalt  }
0x57: {  	_ =	shalt  }
0x58: {  	_ =	shalt  }
0x59: {  	_ =	shalt  }
0x5a: {  	_ =	shalt  }
0x5b: {  	_ =	shalt  }
0x5c: {  	_ =	shalt  }
0x5d: {  	_ =	shalt  }
0x5e: {  	_ =	shalt  }
0x5f: {  	_ =	shalt  }
0x60: {  	_ =	shalt  }
0x61: {  	_ =	shalt  }
0x62: {  	_ =	shalt  }
0x63: {  	_ =	shalt  }
0x64: {  	_ =	shalt  }
0x65: {  	_ =	shalt  }
0x66: {  	_ =	shalt  }
0x67: {  	_ =	shalt  }
0x68: {  	_ =	shalt  }
0x69: {  	_ =	shalt  }
0x6a: {  	_ =	shalt  }
0x6b: {  	_ =	shalt  }
0x6c: {  	_ =	shalt  }
0x6d: {  	_ =	shalt  }
0x6e: {  	_ =	shalt  }
0x6f: {  	_ =	shalt  }
0x70: {  	_ =	shalt  }
0x71: {  	_ =	shalt  }
0x72: {  	_ =	shalt  }
0x73: {  	_ =	shalt  }
0x74: {  	_ =	shalt  }
0x75: {  	_ =	shalt  }
0x76: {  	_ =	shalt  }
0x77: {  	_ =	shalt  }
0x78: {  	_ =	shalt  }
0x79: {  	_ =	shalt  }
0x7a: {  	_ =	shalt  }
0x7b: {  	_ =	shalt  }
0x7c: {  	_ =	shalt  }
0x7d: {  	_ =	shalt  }
0x7e: {  	_ =	shalt  }
0x7f: {  	_ =	shalt  }
0x80: {  	_ =	shalt  }
0x81: {  	_ =	shalt  }
0x82: {  	_ =	shalt  }
0x83: {  	_ =	shalt  }
0x84: {  	_ =	shalt  }
0x85: {  	_ =	shalt  }
0x86: {  	_ =	shalt  }
0x87: {  	_ =	shalt  }
.Lfunc_end0:
.L_simem_size_0:
called_computation_lowered:
.L_overlay_start_0:
0x88: {  	s2 =	sld [smem:$0x3FD9]  }
0x89: {  	s3 =	sld [smem:$0x3FFE];
	_ =	sdelay $0x1  }
0x8a: {  	s1 =	srdreg.scid  }
0x8b: {  	s0 =	sand.u32 $0x1, s1  }
0x8c: {  	s14 =	sshll.u32 s0, $0xA;
	s2 =	sadd.s32 s3, s2  }
0x8d: {  	s2 =	sadd.s32 s2, s14  }
0x8e: {  	[smem:$0x3FC6] =	sst s2  }
0x8f: {  	_ = 	snop  }
0x90: {  	s2 =	sld [smem:$0x3FD0];
	_ =	sdelay $0x2  }
0x91: {  	s15 =	simm.s32 $0xA;
	s4 =	simm.s32 $0x10  }
0x92: {  	[smem:s4], [sflag:s15] =	dma.local [hbm:s2], $0x1  }
0x93: {  	_ =	swait.eq [sflag:s15], $0x1  }
0x94: {  	[sflag:s15] =	ssyncset.done $0x0  }
0x95: {  	[sflag:s15] =	ssyncadd.s32 $0xFFFFFFFF  }
0x96: {  	s16 =	sld [smem:$0x10];
	(tm) =	ssettm $0x1  }
0x97: {  	s17 =	sld [smem:$0x3FFB];
	_ =	sdelay $0x3  }
0x98: {  	_ =	strace s17  }
0x99: {  	s3 =	sld [smem:$0x3FFC];
	_ =	sdelay $0x3  }
0x9a: {  	_ =	strace s3  }
0x9b: {  	s3 =	sld [smem:$0x3FFD];
	_ =	sdelay $0x3  }
0x9c: {  	_ =	strace s3  }
0x9d: {  	_ =	strace $0x8FFFFFFF  }
0x9e: {  	s18 =	sld [smem:$0x3FDB];
	_ =	sdelay $0x1  }
0x9f: {  	s19 =	simm.s32 $_scs_section_size  }
0xa0: {  	s5 =	simm.s32 $_size__tile_overlayer_lowered;
	s6 =	simm.s32 $_tile_overlayer_lowered  }
0xa1: {  	s22 =	simm.s32 $0x1BFF;
	s21 =	sshll.u32 s6, $0x1;
	s3 =	sadd.s32 s19, s18  }
0xa2: {  	s7 =	simm.s32 $0x0;
	s20 =	sshll.u32 s5, $0x1;
	s5 =	sadd.s32 s21, s3  }
0xa3: {  	[timem:s7], [sflag:s22] =	dma.local [hbm:s5], s20  }
0xa4: {  	_ =	swait.ge [sflag:s22], s20  }
0xa5: {  	s4 =	ssub.s32 $0x0, s20;
	[sflag:s22] =	ssyncset.done $0x0  }
0xa6: {  	[sflag:s22] =	ssyncadd.s32 s4;
	_ =	sdelay $0x1  }
0xa7: {  	s23 =	simm.s32 $0x1B8B  }
0xa8: {  	_ =	swait.ge [sflag:s23], $0x1  }
0xa9: {  	[sflag:s23] =	ssyncset.done $0x0  }
0xaa: {  	s25 =	simm.s32 $0x1B8E;
	s24 =	sld [smem:$0x3FFE];
	[sflag:s23] =	ssyncadd.s32 $0xFFFFFFFF  }
0xab: {  	s26 =	simm.s32 $execute0_lowered;
	[smem:$0x3FD2] =	sst s25  }
0xac: {  	s5 =	sshll.u32 s26, $0x1;
	_ =	strace $0x80000046;
	[dreg:$0x1] =	wrdreg $0xFFFFFFFF  }
0xad: {  	s28 =	simm.s32 $_size_execute0_lowered;
	s3 =	sadd.s32 s3, s5;
	[dreg:$0x0] =	wrdreg $0x0  }
0xae: {  	s5 =	sshll.u32 s28, $0x1;
	[dreg:$0x2] =	wrdreg s3  }
0xaf: {  	[dreg:$0x3] =	wrdreg s5  }
0xb0: {  	[dreg:$0x4] =	wrdreg $0xC0  }
0xb1: {  	_ =	task [dreg:s7], $0x5FFFF  }
0xb2: {  	[dreg:$0x1] =	wrdreg $0xFFFFFFFF  }
0xb3: {  	[dreg:$0x0] =	wrdreg $0x60  }
0xb4: {  	[dreg:$0x2] =	wrdreg s16  }
0xb5: {  	[dreg:$0x3] =	wrdreg s24  }
0xb6: {  	[dreg:$0x4] =	wrdreg $0x9  }
0xb7: {  	_ =	task.clear_ibuf [dreg:s7], $0x5FFFF;
	_ =	strace $0x90000046  }
0xb8: {  	s29 =	simm.s32 $0x9;
	_ =	strace $0x80000048  }
0xb9: {  	_ =	swait.ge [sflag:s29], $0x1  }
0xba: {  	[sflag:s29] =	ssyncadd.s32 $0xFFFFFFFF  }
0xbb: {  	_ =	strace $0x90000048  }
0xbc: {  	_ =	sfence  }
0xbd: {  	s30 =	sld [smem:$0x0];
	_ =	sdelay $0x2  }
0xbe: {  	s31 =	sshll.u32 s1, $0xD;
	s1 =	sshrl.u32 s1, $0x2  }
0xbf: {  	s3 =	sand.u32 $0x4000, s31;
	s1 =	sadd.s32 s1, s30  }
0xc0: {  	s0 =	sor.u32 s3, s0;
	s1 =	sshll.u32 s1, $0x11  }
0xc1: {  	s0 =	sor.u32 s1, s0  }
0xc2: {  	s0 =	sadd.s32 $0x8F2B, s0  }
0xc3: {  	[sflag:s0] =	ssyncadd.remote.s32 $0x1  }
0xc4: {  	_ =	sfence.sel $0xFFFF  }
0xc5: {  	[dreg:$0x0] =	wrdreg $0xFFFFFFFF;
	(pc) =	sbr.abs _section_cstart, $3  }
0xc6: {  	[dreg:$0x1] =	wrdreg $0xFFFFFFFF  }
0xc7: {  	_ =	task.clear_ibuf [dreg:s7], $0x2FFFF;
	_ =	strace $0x9FFFFFFF  }
0xc8: {  	(tm) =	ssettm $0x7FFFFFFF  }
0xc9: {  	_ =	shalt  }
tec
execute0_lowered:
.L_overlay_start_1:
0x0: {  	(tag) =	ssettag $0x1  }
0x1: {  	s2 =	stileid.u32;
	s4 =	rddreg [dreg:$0x0]  }
0x2: {  	s0 =	srdreg.scid;
	s6 =	rddreg [dreg:$0x1]  }
0x3: {  	s19 =	simm.s32 $0x1;
	s20 =	simm.s32 $0x2710;
	s21 =	simm.s32 $0x4E20  }
0x4: {  	s28 =	simm.s32 $0xD930;
	s29 =	simm.s32 $0xED30;
	s30 =	simm.s32 $0x10130  }
0x5: {  	s31 =	simm.s32 $0x11530;
	s22 =	simm.s32 $0x15130;
	s3 =	sshrl.u32 s2, $0x1  }
0x6: {  	s23 =	simm.s32 $0x0;
	s1 =	sshll.u32 s2, $0x1;
	s5 =	smul.u32 $0xF000, s3  }
0x7: {  	s0 =	sand.u32 $0x1, s0;
	s1 =	sand.u32 $0x2, s1;
	s7 =	smul.u32 $0x2D000, s3  }
0x8: {  	s2 =	simm.s32 $0x0;
	s25 =	smul.u32 $0x4E2, s3;
	s1 =	sor.u32 s0, s1  }
0x9: {  	[smem:$0x7FF] =	sst s2;
	s0 =	ssub.s32 $0x2, s0;
	s1 =	smul.u32 $0x1400, s1  }
0xa: {  	_ =	strace $0x80000047;
	s26 =	sshrl.u32 s0, $0x1;
	s3 =	sadd.s32 s4, s25  }
0xb: {  	s4 =	sadd.s32 s6, s25;
	s0 =	ssub.s32 s0, s26;
	s5 =	sadd.s32 s5, s1  }
0xc: {  	s1 =	sadd.s32 s7, s1;
	s18 =	smax.u32 s0, $0x1;
	s5 =	sshrl.u32 s5, $0x3  }
0xd: {  	s0 =	simm.s32 $0x13D30;
	s1 =	sshrl.u32 s1, $0x3;
	s8 =	sadd.s32 s5, s6  }
0xe: {  	s1 =	sadd.s32 s1, s6;
	s5 =	sadd.s32 $0x2800, s4;
	s6 =	sadd.s32 $0x5000, s8  }
0xf: {  	s7 =	sadd.s32 $0x5A00, s8;
	s8 =	sadd.s32 $0x6400, s8;
	s9 =	sadd.s32 $0x14000, s1  }
0x10: {  	s10 =	sadd.s32 $0x14A00, s1;
	s11 =	sadd.s32 $0x15400, s1;
	s12 =	sadd.s32 $0x15E00, s1  }
0x11: {  	s13 =	sadd.s32 $0x16800, s1;
	s14 =	sadd.s32 $0x17200, s1;
	s15 =	sadd.s32 $0x17C00, s1  }
0x12: {  	s16 =	sadd.s32 $0x18600, s1;
	s17 =	sadd.s32 $0x19000, s1;
	s1 =	simm.s32 $0x12930  }
.LBB2_1:
0x13: {  	[tilespmem:s2], [sflag:$0x1] =	stream.linear.gather [hbm4b:s3+s2], $0x2710, $0x38;
	[tilespmem:$0x16530] =	vst v63  }
0x14: {  	_ =	swait.ge [sflag:s19], $0x2710  }
0x15: {  	[sflag:s19] =	ssyncset.done $0x0  }
0x16: {  	[sflag:s19] =	ssyncadd.s32 $0xFFFFD8F0  }
0x17: {  	[tilespmem:s20], [sflag:$0x1] =	stream.linear.gather [hbm4b:s5+s2], $0x2710, $0x38;
	[tilespmem:$0x16530] =	vst v63  }
0x18: {  	_ =	swait.ge [sflag:s19], $0x2710  }
0x19: {  	[sflag:s19] =	ssyncset.done $0x0  }
0x1a: {  	[sflag:s19] =	ssyncadd.s32 $0xFFFFD8F0  }
0x1b: {  	[tilespmem:s21], [sflag:$0x1] =	stream.linear.gather [hbm4b:s4+s2], $0x2710, $0x38;
	[tilespmem:$0x16530] =	vst v63  }
0x1c: {  	_ =	swait.ge [sflag:s19], $0x2710  }
0x1d: {  	[sflag:s19] =	ssyncset.done $0x0  }
0x1e: {  	s24 =	simm.s32 $0x7530;
	[sflag:s19] =	ssyncadd.s32 $0xFFFFD8F0  }
0x1f: {  	[tilespmem:s24], [sflag:$0x1] =	stream.linear.gather [hbm4b:s6+s2], $0x1400, $0x38;
	[tilespmem:$0x16530] =	vst v63  }
0x20: {  	_ =	swait.ge [sflag:s19], $0x1400  }
0x21: {  	[sflag:s19] =	ssyncset.done $0x0  }
0x22: {  	s25 =	simm.s32 $0x8930;
	[sflag:s19] =	ssyncadd.s32 $0xFFFFEC00  }
0x23: {  	[tilespmem:s25], [sflag:$0x1] =	stream.linear.gather [hbm4b:s7+s2], $0x1400, $0x38;
	[tilespmem:$0x16530] =	vst v63  }
0x24: {  	_ =	swait.ge [sflag:s19], $0x1400  }
0x25: {  	[sflag:s19] =	ssyncset.done $0x0  }
0x26: {  	s26 =	simm.s32 $0x9D30;
	[sflag:s19] =	ssyncadd.s32 $0xFFFFEC00  }
0x27: {  	[tilespmem:s26], [sflag:$0x1] =	stream.linear.gather [hbm4b:s8+s2], $0x1400, $0x38;
	[tilespmem:$0x16530] =	vst v63  }
0x28: {  	_ =	swait.ge [sflag:s19], $0x1400  }
0x29: {  	[sflag:s19] =	ssyncset.done $0x0  }
0x2a: {  	s24 =	simm.s32 $0x0;
	[sflag:s19] =	ssyncadd.s32 $0xFFFFEC00  }
0x2b: {  	v0 =	vld [tilespmem:s24+$0x7530];
	_ =	sdelay $0x7  }
0x2c: {  	v1 =	vld.idx.msk [tilespmem:v0+s2+$0x0], $0xffff;
	_ =	sdelay $0x4  }
0x2d: {  	[tilespmem:s24+$0xB130] =	vst v1  }
0x2e: {  	v1 =	vld.idx.msk [tilespmem:v0+s20+$0x0], $0xffff;
	_ =	sdelay $0x4  }
0x2f: {  	[tilespmem:s24+$0xC530] =	vst v1;
	v1 =	vld [tilespmem:s24+$0x8930];
	_ =	sdelay $0x1  }
0x30: {  	v0 =	vld.idx.msk [tilespmem:v0+s21+$0x0], $0xffff;
	_ =	sdelay $0x4  }
0x31: {  	[tilespmem:s24+$0xD930] =	vst v0  }
0x32: {  	v0 =	vld.idx.msk [tilespmem:v1+s2+$0x0], $0xffff;
	_ =	sdelay $0x4  }
0x33: {  	[tilespmem:s24+$0xED30] =	vst v0  }
0x34: {  	v0 =	vld.idx.msk [tilespmem:v1+s20+$0x0], $0xffff;
	_ =	sdelay $0x4  }
0x35: {  	[tilespmem:s24+$0x10130] =	vst v0;
	v0 =	vld [tilespmem:s24+$0x9D30];
	_ =	sdelay $0x1  }
0x36: {  	v1 =	vld.idx.msk [tilespmem:v1+s21+$0x0], $0xffff;
	_ =	sdelay $0x4  }
0x37: {  	[tilespmem:s24+$0x11530] =	vst v1  }
0x38: {  	v1 =	vld.idx.msk [tilespmem:v0+s2+$0x0], $0xffff;
	_ =	sdelay $0x4  }
0x39: {  	[tilespmem:s24+$0x12930] =	vst v1  }
0x3a: {  	v1 =	vld.idx.msk [tilespmem:v0+s20+$0x0], $0xffff;
	_ =	sdelay $0x3  }
0x3b: {  	s25 =	simm.s32 $0x80;
	s26 =	simm.s32 $0x10  }
.LBB2_2:
0x3c: {  	p0 =	sne.s32 s25, $0x4FC0;
	v2 =	vld [tilespmem:s26+$0x7530];
	[tilespmem:s24+$0x13D30] =	vst v1  }
0x3d: {  	v0 =	vld.idx.msk [tilespmem:v0+s21+$0x0], $0xffff;
	_ =	sdelay $0x5  }
0x3e: {  	[tilespmem:s24+$0x15130] =	vst v0;
	s24 =	smov.u32 s26  }
0x3f: {  	v0 =	vld.idx.msk [tilespmem:v2+s2+$0x0], $0xffff;
	_ =	sdelay $0x5  }
0x40: {  	[tilespmem:s24+$0xB130] =	vst v0  }
0x41: {  	v0 =	vld.idx.msk [tilespmem:v2+s20+$0x0], $0xffff;
	_ =	sdelay $0x5  }
0x42: {  	[tilespmem:s24+$0xC530] =	vst v0;
	v1 =	vld [tilespmem:s24+$0x8930]  }
0x43: {  	v0 =	vld.idx.msk [tilespmem:v2+s21+$0x0], $0xffff;
	_ =	sdelay $0x5  }
0x44: {  	[tilespmem:s24+$0xD930] =	vst v0  }
0x45: {  	v0 =	vld.idx.msk [tilespmem:v1+s2+$0x0], $0xffff;
	_ =	sdelay $0x5  }
0x46: {  	[tilespmem:s24+$0xED30] =	vst v0  }
0x47: {  	v0 =	vld.idx.msk [tilespmem:v1+s20+$0x0], $0xffff;
	_ =	sdelay $0x5  }
0x48: {  	[tilespmem:s24+$0x10130] =	vst v0;
	v0 =	vld [tilespmem:s24+$0x9D30]  }
0x49: {  	v1 =	vld.idx.msk [tilespmem:v1+s21+$0x0], $0xffff;
	_ =	sdelay $0x5  }
0x4a: {  	[tilespmem:s24+$0x11530] =	vst v1  }
0x4b: {  	v1 =	vld.idx.msk [tilespmem:v0+s2+$0x0], $0xffff;
	_ =	sdelay $0x5  }
0x4c: {  	[tilespmem:s24+$0x12930] =	vst v1  }
0x4d: {  	v1 =	vld.idx.msk [tilespmem:v0+s20+$0x0], $0xffff  }
.Ltmp0:
0x4e: {  	(pc) =	sbr.rel @p0 .LBB2_2-.Ltmp0, $2  }
0x4f: {  	_ =	sdelay $0x2  }
0x50: {  	s26 =	sshra.s32 s25, $0x2;
	s25 =	sadd.s32 $0x40, s25  }
0x51: {  	_ =	sdelay $0x1  }
0x52: {  	v2 =	vld [tilespmem:s26+$0x7530]  }
0x53: {  	[tilespmem:s24+$0x13D30] =	vst v1  }
0x54: {  	v0 =	vld.idx.msk [tilespmem:v0+s21+$0x0], $0xffff;
	_ =	sdelay $0x4  }
0x55: {  	[tilespmem:s24+$0x15130] =	vst v0  }
0x56: {  	v0 =	vld.idx.msk [tilespmem:v2+s2+$0x0], $0xffff;
	_ =	sdelay $0x4  }
0x57: {  	[tilespmem:s26+$0xB130] =	vst v0  }
0x58: {  	v0 =	vld.idx.msk [tilespmem:v2+s20+$0x0], $0xffff;
	_ =	sdelay $0x3  }
0x59: {  	v62 =	vld [tilespmem:s26+$0x8930]  }
0x5a: {  	[tilespmem:s26+$0xC530] =	vst v0  }
0x5b: {  	v1 =	vld.idx.msk [tilespmem:v2+s21+$0x0], $0xffff;
	_ =	sdelay $0x4  }
0x5c: {  	[tilespmem:s26+$0xD930] =	vst v1  }
0x5d: {  	v1 =	vld.idx.msk [tilespmem:v62+s2+$0x0], $0xffff;
	_ =	sdelay $0x4  }
0x5e: {  	[tilespmem:s26+$0xED30] =	vst v1  }
0x5f: {  	v1 =	vld.idx.msk [tilespmem:v62+s20+$0x0], $0xffff;
	_ =	sdelay $0x3  }
0x60: {  	v63 =	vld [tilespmem:s26+$0x9D30]  }
0x61: {  	[tilespmem:s26+$0x10130] =	vst v1  }
0x62: {  	v0 =	vld.idx.msk [tilespmem:v62+s21+$0x0], $0xffff;
	_ =	sdelay $0x4  }
0x63: {  	[tilespmem:s26+$0x11530] =	vst v0  }
0x64: {  	v0 =	vld.idx.msk [tilespmem:v63+s2+$0x0], $0xffff;
	_ =	sdelay $0x4  }
0x65: {  	[tilespmem:s26+$0x12930] =	vst v0  }
0x66: {  	v0 =	vld.idx.msk [tilespmem:v63+s20+$0x0], $0xffff;
	_ =	sdelay $0x4  }
0x67: {  	[tilespmem:s26+$0x13D30] =	vst v0  }
0x68: {  	v0 =	vld.idx.msk [tilespmem:v63+s21+$0x0], $0xffff;
	_ =	sdelay $0x4  }
0x69: {  	s25 =	simm.s32 $0xB130;
	[tilespmem:s26+$0x15130] =	vst v0  }
0x6a: {  	[hbm4b:s9+s2] =	stream.linear.scatter [tilespmem:s25], [sflag:$0x1], $0x1400, $0x38;
	[tilespmem:$0x16530] =	vst v63  }
0x6b: {  	_ =	swait.ge [sflag:s19], $0x1400  }
0x6c: {  	[sflag:s19] =	ssyncset.done $0x0  }
0x6d: {  	s26 =	simm.s32 $0xC530;
	[sflag:s19] =	ssyncadd.s32 $0xFFFFEC00  }
0x6e: {  	[hbm4b:s10+s2] =	stream.linear.scatter [tilespmem:s26], [sflag:$0x1], $0x1400, $0x38;
	[tilespmem:$0x16530] =	vst v63  }
0x6f: {  	_ =	swait.ge [sflag:s19], $0x1400  }
0x70: {  	[sflag:s19] =	ssyncset.done $0x0  }
0x71: {  	[sflag:s19] =	ssyncadd.s32 $0xFFFFEC00  }
0x72: {  	[hbm4b:s11+s2] =	stream.linear.scatter [tilespmem:s28], [sflag:$0x1], $0x1400, $0x38;
	[tilespmem:$0x16530] =	vst v63  }
0x73: {  	_ =	swait.ge [sflag:s19], $0x1400  }
0x74: {  	[sflag:s19] =	ssyncset.done $0x0  }
0x75: {  	[sflag:s19] =	ssyncadd.s32 $0xFFFFEC00  }
0x76: {  	[hbm4b:s12+s2] =	stream.linear.scatter [tilespmem:s29], [sflag:$0x1], $0x1400, $0x38;
	[tilespmem:$0x16530] =	vst v63  }
0x77: {  	_ =	swait.ge [sflag:s19], $0x1400  }
0x78: {  	[sflag:s19] =	ssyncset.done $0x0  }
0x79: {  	[sflag:s19] =	ssyncadd.s32 $0xFFFFEC00  }
0x7a: {  	[hbm4b:s13+s2] =	stream.linear.scatter [tilespmem:s30], [sflag:$0x1], $0x1400, $0x38;
	[tilespmem:$0x16530] =	vst v63  }
0x7b: {  	_ =	swait.ge [sflag:s19], $0x1400  }
0x7c: {  	[sflag:s19] =	ssyncset.done $0x0  }
0x7d: {  	[sflag:s19] =	ssyncadd.s32 $0xFFFFEC00  }
0x7e: {  	[hbm4b:s14+s2] =	stream.linear.scatter [tilespmem:s31], [sflag:$0x1], $0x1400, $0x38;
	[tilespmem:$0x16530] =	vst v63  }
0x7f: {  	_ =	swait.ge [sflag:s19], $0x1400  }
0x80: {  	[sflag:s19] =	ssyncset.done $0x0  }
0x81: {  	[sflag:s19] =	ssyncadd.s32 $0xFFFFEC00  }
0x82: {  	[hbm4b:s15+s2] =	stream.linear.scatter [tilespmem:s1], [sflag:$0x1], $0x1400, $0x38;
	[tilespmem:$0x16530] =	vst v63  }
0x83: {  	_ =	swait.ge [sflag:s19], $0x1400  }
0x84: {  	[sflag:s19] =	ssyncset.done $0x0  }
0x85: {  	[sflag:s19] =	ssyncadd.s32 $0xFFFFEC00  }
0x86: {  	[hbm4b:s16+s2] =	stream.linear.scatter [tilespmem:s0], [sflag:$0x1], $0x1400, $0x38;
	[tilespmem:$0x16530] =	vst v63  }
0x87: {  	s23 =	sadd.s32 $0x1, s23;
	_ =	swait.ge [sflag:s19], $0x1400  }
0x88: {  	p0 =	sne.s32 s23, s18;
	[sflag:s19] =	ssyncset.done $0x0  }
.Ltmp1:
0x89: {  	[sflag:s19] =	ssyncadd.s32 $0xFFFFEC00;
	(pc) =	sbr.rel @p0 .LBB2_1-.Ltmp1, $4  }
0x8a: {  	[hbm4b:s17+s2] =	stream.linear.scatter [tilespmem:s22], [sflag:$0x1], $0x1400, $0x38;
	[tilespmem:$0x16530] =	vst v63  }
0x8b: {  	_ =	swait.ge [sflag:s19], $0x1400  }
0x8c: {  	[sflag:s19] =	ssyncset.done $0x0  }
0x8d: {  	[sflag:s19] =	ssyncadd.s32 $0xFFFFEC00  }
0x8e: {  	_ =	sfence.sel $0x180000  }
0x8f: {  	[bflag:$0x0] =	sbarrier.arrive $0xFFFF  }
0x90: {  	_ =	strace $0x90000047  }
0x91: {  	s0 =	stileid.u32;
	[bflag:$0x2] =	sbarrier.arrive $0xFFFF  }
0x92: {  	p0 =	sne.s32 s0, $0x0;
	s0 =	rddreg [dreg:$0x2]  }
0x93: {  	s0 =	sadd.s32 @!p0 $0x100000, s0  }
0x94: {  	[sflag:s0] =	ssyncadd.tile.s32 @!p0 $0x1;
	_ =	shalt  }
.Lfunc_end2:
_tile_overlayer_lowered:
.L_overlay_start_2:
0x95: {  	(tag) =	ssettag $0x2  }
0x96: {  	s0 =	rddreg [dreg:$0x0];
	s2 =	stileid.u32  }
0x97: {  	s1 =	rddreg [dreg:$0x1];
	p0 =	sne.s32 s2, $0x0  }
0x98: {  	s3 =	rddreg [dreg:$0x2];
	[bflag:$0x3] =	sbarrier.arrive $0xFFFF;
	s2 =	simm.s32 @!p0 $0x1C01  }
0x99: {  	[timem:s3], [sflag:s2] =	dma.local @!p0 [hbm:s0], s1  }
0x9a: {  	s0 =	simm.s32 @!p0 $0x1  }
0x9b: {  	_ =	swait.ge @!p0 [sflag:s0], s1  }
0x9c: {  	s1 =	ssub.s32 @!p0 $0x0, s1;
	[sflag:s0] =	ssyncset.done @!p0 $0x0  }
0x9d: {  	[sflag:s0] =	ssyncadd.s32 @!p0 s1  }
0x9e: {  	[bflag:$0x3] =	sbarrier.arrive $0xFFFF  }
0x9f: {  	_ =	shalt  }

</sc_bundles>
